<compile_context>
chip_gen: v7x
topology: tpu7x:2x2x1
jax: 0.10.2.dev20260603
libtpu: 0.0.44.dev20260713+nightly
codegen_flags: <defaults>
</compile_context>

<pallas_src>
import jax
import jax.numpy as jnp
from jax import lax
from jax.experimental import pallas as pl
from jax.experimental.pallas import tpu as pltpu
from jax.experimental.pallas import tpu_sc as plsc

N = 10000
NP = 10112
E = 320000
F = 128
H = 16
C = 40
NSC = 2
NSUB = 16
NTILES = NSC * NSUB
CHUNK = 128
NCH = E // CHUNK
BASE = NCH // NTILES
EXTRA_FROM = NTILES - (NCH - BASE * NTILES)
RPT = NP // NSUB
PB = NP * H // 128
PPT = PB // NSUB

_mesh = plsc.VectorSubcoreMesh(core_axis_name="c", subcore_axis_name="s")
_sc_params = pltpu.CompilerParams(use_tc_tiling_on_sc=False)


def _fill_rows(buf, nrows, value):
    def body(i, carry):
        buf[i, :] = jnp.full((H,), value, jnp.float32)
        return carry
    lax.fori_loop(0, nrows, body, 0)


def _chunk_start(g):
    return BASE * g + jnp.maximum(g - EXTRA_FROM, 0)


def _deg_body(ei_hbm, out_hbm, dst_v, ones_v, zero_v, sem, shared):
    c = lax.axis_index("c")
    s = lax.axis_index("s")
    g = c * NSUB + s
    pltpu.async_copy(ei_hbm.at[1, pl.ds(_chunk_start(g), BASE + 1)], dst_v,
                     sem)
    _fill_rows(zero_v, RPT, 0.0)
    _fill_rows(ones_v, CHUNK, 1.0)
    pltpu.make_async_copy(ei_hbm.at[1, pl.ds(0, BASE + 1)], dst_v, sem).wait()
    pltpu.sync_copy(zero_v, shared.at[pl.ds(s * RPT, RPT)])
    plsc.subcore_barrier()

    def body(gi, carry):
        for b in range(13):
            pltpu.async_copy(ones_v, shared.at[dst_v.at[gi * 13 + b]], sem,
                             add=True)
        for _ in range(13):
            pltpu.make_async_copy(ones_v, shared.at[dst_v.at[0]], sem).wait()
        return carry

    lax.fori_loop(0, BASE // 13, body, 0)

    @pl.when(g >= EXTRA_FROM)
    def _():
        pltpu.sync_copy(ones_v, shared.at[dst_v.at[BASE]], add=True)

    plsc.subcore_barrier()
    pltpu.sync_copy(shared.at[pl.ds(s * RPT, RPT)],
                    out_hbm.at[c, pl.ds(s * RPT, RPT)])


def _agg_tail(ei_hbm, out_hbm, src_v, dst_v, rows0, rows1,
              sem0, sem1, ssem0, ssem1, hs_sh, shared, c, s, g):
    start = _chunk_start(g)
    pltpu.sync_copy(ei_hbm.at[0, pl.ds(start, BASE + 1)], src_v)
    pltpu.sync_copy(ei_hbm.at[1, pl.ds(start, BASE + 1)], dst_v)

    def gather(j, buf, sem):
        pltpu.async_copy(hs_sh.at[src_v.at[j]], buf, sem)

    def gwait(buf, sem):
        pltpu.make_async_copy(hs_sh.at[src_v.at[0]], buf, sem).wait()

    def scat(j, buf, sem):
        pltpu.async_copy(buf, shared.at[dst_v.at[j]], sem, add=True)

    def swait(buf, sem):
        pltpu.make_async_copy(buf, shared.at[dst_v.at[0]], sem).wait()

    gather(0, rows0, sem0)
    gather(1, rows1, sem1)
    gwait(rows0, sem0)
    scat(0, rows0, ssem0)
    gwait(rows1, sem1)
    scat(1, rows1, ssem1)

    def body(i, carry):
        j = 2 * i
        swait(rows0, ssem0)
        gather(j + 2, rows0, sem0)
        gwait(rows0, sem0)
        scat(j + 2, rows0, ssem0)
        swait(rows1, ssem1)
        gather(jnp.minimum(j + 3, BASE - 1), rows1, sem1)
        gwait(rows1, sem1)
        scat(jnp.minimum(j + 3, BASE - 1), rows1, ssem1)
        return carry

    lax.fori_loop(0, BASE // 2 - 1, body, 0)
    swait(rows0, ssem0)
    swait(rows1, ssem1)

    @pl.when(g >= EXTRA_FROM)
    def _():
        gather(BASE, rows0, sem0)
        gwait(rows0, sem0)
        pltpu.sync_copy(rows0, shared.at[dst_v.at[BASE]], add=True)

    plsc.subcore_barrier()
    pltpu.sync_copy(shared.at[pl.ds(s * RPT, RPT)],
                    out_hbm.at[c, pl.ds(s * RPT, RPT)])


def _agg_body(hs_hbm, ei_hbm, out_hbm,
              src_v, dst_v, rows0, rows1, zero_v, sem0, sem1, ssem0, ssem1,
              hs_sh, shared):
    c = lax.axis_index("c")
    s = lax.axis_index("s")
    g = c * NSUB + s
    r0 = pl.ds(s * RPT, RPT)
    pltpu.async_copy(hs_hbm.at[r0], hs_sh.at[r0], sem0)
    _fill_rows(zero_v, RPT, 0.0)
    pltpu.make_async_copy(hs_hbm.at[r0], hs_sh.at[r0], sem0).wait()
    pltpu.sync_copy(zero_v, shared.at[pl.ds(s * RPT, RPT)])
    plsc.subcore_barrier()
    _agg_tail(ei_hbm, out_hbm, src_v, dst_v, rows0, rows1,
              sem0, sem1, ssem0, ssem1, hs_sh, shared, c, s, g)


def _agg2_body(aggp_hbm, hs1_hbm, dis_hbm, b1_hbm, ei_hbm,
               out_hbm, hs2_hbm,
               src_v, dst_v, rows0, rows1, zero_v, p0_v, p1_v, t_v, d_v, b1_v,
               sem0, sem1, ssem0, ssem1, hs_sh, shared):
    c = lax.axis_index("c")
    s = lax.axis_index("s")
    g = c * NSUB + s
    r0 = pl.ds(s * RPT, RPT)
    pltpu.async_copy(aggp_hbm.at[0, r0], p0_v, sem0)
    pltpu.async_copy(aggp_hbm.at[1, r0], p1_v, sem0)
    pltpu.async_copy(hs1_hbm.at[r0], t_v, sem0)
    pltpu.async_copy(dis_hbm.at[r0], d_v, sem0)
    pltpu.async_copy(b1_hbm, b1_v, sem1)
    _fill_rows(zero_v, RPT, 0.0)
    pltpu.sync_copy(zero_v, shared.at[pl.ds(s * RPT, RPT)])
    pltpu.make_async_copy(aggp_hbm.at[0, r0], p0_v, sem0).wait()
    pltpu.make_async_copy(aggp_hbm.at[1, r0], p1_v, sem0).wait()
    pltpu.make_async_copy(hs1_hbm.at[r0], t_v, sem0).wait()
    pltpu.make_async_copy(dis_hbm.at[r0], d_v, sem0).wait()
    pltpu.make_async_copy(b1_hbm, b1_v, sem1).wait()
    b1v = b1_v[...]

    def sbody(i, carry):
        d = d_v[i, :]
        t = (p0_v[i, :] + p1_v[i, :] + t_v[i, :]) * d + b1v
        t_v[i, :] = jnp.maximum(t, 0.0) * d
        return carry

    lax.fori_loop(0, RPT, sbody, 0, unroll=8)
    pltpu.sync_copy(t_v, hs_sh.at[r0])
    pltpu.sync_copy(t_v, hs2_hbm.at[r0])
    plsc.subcore_barrier()
    _agg_tail(ei_hbm, out_hbm, src_v, dst_v, rows0, rows1,
              sem0, sem1, ssem0, ssem1, hs_sh, shared, c, s, g)


_deg_call = pl.kernel(
    _deg_body,
    out_type=jax.ShapeDtypeStruct((NSC, NP, H), jnp.float32),
    mesh=_mesh,
    scratch_types=[
        pltpu.VMEM((BASE + 1, CHUNK), jnp.int32),
        pltpu.VMEM((CHUNK, H), jnp.float32),
        pltpu.VMEM((RPT, H), jnp.float32),
        pltpu.SemaphoreType.DMA,
        pltpu.VMEM_SHARED((NP, H), jnp.float32),
    ],
    compiler_params=_sc_params,
)

_agg_call = pl.kernel(
    _agg_body,
    out_type=jax.ShapeDtypeStruct((NSC, NP, H), jnp.float32),
    mesh=_mesh,
    scratch_types=[
        pltpu.VMEM((BASE + 1, CHUNK), jnp.int32),
        pltpu.VMEM((BASE + 1, CHUNK), jnp.int32),
        pltpu.VMEM((CHUNK, H), jnp.float32),
        pltpu.VMEM((CHUNK, H), jnp.float32),
        pltpu.VMEM((RPT, H), jnp.float32),
        pltpu.SemaphoreType.DMA,
        pltpu.SemaphoreType.DMA,
        pltpu.SemaphoreType.DMA,
        pltpu.SemaphoreType.DMA,
        pltpu.VMEM_SHARED((NP, H), jnp.float32),
        pltpu.VMEM_SHARED((NP, H), jnp.float32),
    ],
    compiler_params=_sc_params,
)

_agg2_call = pl.kernel(
    _agg2_body,
    out_type=[
        jax.ShapeDtypeStruct((NSC, NP, H), jnp.float32),
        jax.ShapeDtypeStruct((NP, H), jnp.float32),
    ],
    mesh=_mesh,
    scratch_types=[
        pltpu.VMEM((BASE + 1, CHUNK), jnp.int32),
        pltpu.VMEM((BASE + 1, CHUNK), jnp.int32),
        pltpu.VMEM((CHUNK, H), jnp.float32),
        pltpu.VMEM((CHUNK, H), jnp.float32),
        pltpu.VMEM((RPT, H), jnp.float32),
        pltpu.VMEM((RPT, H), jnp.float32),
        pltpu.VMEM((RPT, H), jnp.float32),
        pltpu.VMEM((RPT, H), jnp.float32),
        pltpu.VMEM((RPT, H), jnp.float32),
        pltpu.VMEM((H,), jnp.float32),
        pltpu.SemaphoreType.DMA,
        pltpu.SemaphoreType.DMA,
        pltpu.SemaphoreType.DMA,
        pltpu.SemaphoreType.DMA,
        pltpu.VMEM_SHARED((NP, H), jnp.float32),
        pltpu.VMEM_SHARED((NP, H), jnp.float32),
    ],
    compiler_params=_sc_params,
)


def _blockdiag8(w, r, c):
    tiled = jnp.tile(w, (8, 8))
    ia = jax.lax.broadcasted_iota(jnp.int32, (8 * r, 8 * c), 0) // r
    ib = jax.lax.broadcasted_iota(jnp.int32, (8 * r, 8 * c), 1) // c
    return jnp.where(ia == ib, tiled, 0.0)


def _tc1_body(xp_ref, w1_ref, degp_ref, hs1_ref, dis_ref):
    deg = degp_ref[0] + degp_ref[1] + 1.0
    dis = lax.rsqrt(deg)
    w1bd = _blockdiag8(w1_ref[...], F, H)
    h = jnp.dot(xp_ref[...], w1bd, preferred_element_type=jnp.float32)
    hs1_ref[...] = h * dis
    dis_ref[...] = dis


def _tc3_body(aggp_ref, hs2p_ref, disp_ref, w2_ref, b2_ref, out_ref):
    sagg = (aggp_ref[0] + aggp_ref[1] + hs2p_ref[...]) * disp_ref[...]
    w2bd = _blockdiag8(w2_ref[...], H, C)
    h2 = jnp.dot(sagg, w2bd, preferred_element_type=jnp.float32)
    h2 = h2 + jnp.tile(b2_ref[...], (1, 8))
    ga = jax.lax.broadcasted_iota(jnp.int32, (8 * C, 8 * C), 0) // C
    gb = jax.lax.broadcasted_iota(jnp.int32, (8 * C, 8 * C), 1) // C
    G = (ga == gb).astype(jnp.float32)
    lse = jnp.log(jnp.dot(jnp.exp(h2), G, preferred_element_type=jnp.float32))
    out_ref[...] = h2 - lse


_tc1 = pl.pallas_call(
    _tc1_body,
    out_shape=[
        jax.ShapeDtypeStruct((PB, 128), jnp.float32),
        jax.ShapeDtypeStruct((PB, 128), jnp.float32),
    ],
)

_tc3 = pl.pallas_call(
    _tc3_body,
    out_shape=jax.ShapeDtypeStruct((PB, 8 * C), jnp.float32),
)


def kernel(x, edge_index, W1, b1, W2, b2):
    ei3 = edge_index.astype(jnp.int32).reshape(2, NCH, CHUNK)
    xp = jnp.pad(x, ((0, NP - N), (0, 0))).reshape(PB, 8 * F)

    degp = _deg_call(ei3).reshape(NSC, PB, 128)
    hs1p, disp = _tc1(xp, W1, degp)
    hs1 = hs1p.reshape(NP, H)
    dis = disp.reshape(NP, H)
    agg1 = _agg_call(hs1, ei3)
    agg2, hs2 = _agg2_call(agg1, hs1, dis, b1, ei3)
    outp = _tc3(agg2.reshape(NSC, PB, 128), hs2.reshape(PB, 128), disp,
                W2, b2.reshape(1, C))
    return outp[:N * H // 128].reshape(N, C)

# --- scband reference (transcript-rebuilt; emitter-appended) ---
"""Pipeline reference for scband-gcnnet-19018115187322 (READ-ONLY COPY).

The authoritative reference and input builder live on the scoring server;
editing this copy changes nothing except your own understanding.
"""

import jax, jax.numpy as jnp
import numpy as np

NUM_NODES = 10000
NUM_EDGES = 320000
NUM_FEATURE = 128
HIDDEN = 16
NUM_LABEL = 40


def setup_inputs(seed: int = 0) -> dict:
    key = jax.random.key(seed)
    k1, k2, k3, k4, k5, k6 = jax.random.split(key, 6)
    x = jax.random.normal(k1, (NUM_NODES, NUM_FEATURE), dtype=jnp.float32)
    edge_index = jax.random.randint(k2, (2, NUM_EDGES), 0, NUM_NODES, dtype=jnp.int64)
    # GCNConv layer 1: 128 -> 16 (glorot-style init)
    W1 = jax.random.normal(k3, (NUM_FEATURE, HIDDEN), dtype=jnp.float32) * (1.0 / np.sqrt(NUM_FEATURE))
    b1 = jnp.zeros((HIDDEN,), dtype=jnp.float32)
    # GCNConv layer 2: 16 -> 40
    W2 = jax.random.normal(k4, (HIDDEN, NUM_LABEL), dtype=jnp.float32) * (1.0 / np.sqrt(HIDDEN))
    b2 = jnp.zeros((NUM_LABEL,), dtype=jnp.float32)
    return {"x": x, "edge_index": edge_index, "W1": W1, "b1": b1, "W2": W2, "b2": b2}


def _gcn_conv(x, src, dst, W, b, num_nodes):
    # x' = D^{-1/2} (A + I) D^{-1/2} X W + b  (PyG GCNConv with add_self_loops)
    h = x @ W
    loop = jnp.arange(num_nodes, dtype=src.dtype)
    src_sl = jnp.concatenate([src, loop])
    dst_sl = jnp.concatenate([dst, loop])
    deg = jnp.zeros((num_nodes,), dtype=h.dtype).at[dst_sl].add(1.0)
    deg_inv_sqrt = jnp.where(deg > 0, jax.lax.rsqrt(jnp.maximum(deg, 1e-12)), 0.0)
    norm = deg_inv_sqrt[src_sl] * deg_inv_sqrt[dst_sl]
    msgs = h[src_sl] * norm[:, None]
    out = jnp.zeros((num_nodes, h.shape[1]), dtype=h.dtype).at[dst_sl].add(msgs)
    return out + b


def reference(x, edge_index, W1, b1, W2, b2):
    num_nodes = x.shape[0]
    src = edge_index[0]
    dst = edge_index[1]
    h = _gcn_conv(x, src, dst, W1, b1, num_nodes)
    h = jax.nn.relu(h)
    # dropout is identity in eval mode
    h = _gcn_conv(h, src, dst, W2, b2, num_nodes)
    return jax.nn.log_softmax(h, axis=1)

if __name__ == "__main__":
    import jax
    _d = setup_inputs()
    print(jax.jit(kernel)(*tuple(_d.values())))

</pallas_src>

<mosaic_0001>
#map = affine_map<(d0, d1) -> (0, 0)>
#map1 = affine_map<(d0, d1) -> (0, 0, 0)>
module attributes {stable_mosaic.version = 14 : i64} {
  func.func @_agg_body(%arg0: i32, %arg1: i32, %arg2: memref<10112x16xf32, #tpu.memory_space<hbm>>, %arg3: memref<2x2500x128xi32, #tpu.memory_space<hbm>>, %arg4: memref<2x10112x16xf32, #tpu.memory_space<hbm>>, %arg5: memref<79x128xi32, #tpu.memory_space<vmem>>, %arg6: memref<79x128xi32, #tpu.memory_space<vmem>>, %arg7: memref<128x16xf32, #tpu.memory_space<vmem>>, %arg8: memref<128x16xf32, #tpu.memory_space<vmem>>, %arg9: memref<632x16xf32, #tpu.memory_space<vmem>>, %arg10: memref<!tpu.dma_semaphore, #tpu.memory_space<semaphore_mem>>, %arg11: memref<!tpu.dma_semaphore, #tpu.memory_space<semaphore_mem>>, %arg12: memref<!tpu.dma_semaphore, #tpu.memory_space<semaphore_mem>>, %arg13: memref<!tpu.dma_semaphore, #tpu.memory_space<semaphore_mem>>, %arg14: memref<10112x16xf32, #tpu.memory_space<vmem_shared>>, %arg15: memref<10112x16xf32, #tpu.memory_space<vmem_shared>>) attributes {dimension_semantics = [#tpu.dimension_semantics<core_parallel>, #tpu.dimension_semantics<subcore_parallel>], iteration_bounds = array<i64: 2, 16>, scalar_prefetch = 0 : i64, scratch_operands = 11 : i64, tpu.core_type = #tpu.core_type<sc_vector_subcore>, window_params = [{transform_indices = #map}, {transform_indices = #map1}, {transform_indices = #map1}]} {
    %mul3A = arith.constant 16 : i32
    %mul3A_0 = arith.muli %arg0, %mul3A : i32
    %add3A = arith.addi %mul3A_0, %arg1 : i32
    %mul3A_1 = arith.constant 632 : i32
    %mul3A_2 = arith.muli %arg1, %mul3A_1 : i32
    %dma_start3A = arith.constant 0 : i32
    %dma_start3A_3 = tpu.memref_slice %arg14[%mul3A_2, %dma_start3A] : memref<10112x16xf32, #tpu.memory_space<vmem_shared>> -> memref<632x16xf32, #tpu.memory_space<vmem_shared>>
    %dma_start3A_4 = arith.constant 0 : i32
    %dma_start3A_5 = tpu.memref_slice %arg2[%mul3A_2, %dma_start3A_4] : memref<10112x16xf32, #tpu.memory_space<hbm>> -> memref<632x16xf32, #tpu.memory_space<hbm>>
    tpu.enqueue_dma source(%dma_start3A_5 : memref<632x16xf32, #tpu.memory_space<hbm>>) target(%dma_start3A_3 : memref<632x16xf32, #tpu.memory_space<vmem_shared>>) target_semaphore(%arg10 : memref<!tpu.dma_semaphore, #tpu.memory_space<semaphore_mem>>)
    %scan3A = arith.constant 0 : i32
    %scan3A_6 = arith.constant 0 : i32
    %scan3A_7 = arith.constant 632 : i32
    %scan3A_8 = arith.addi %scan3A_6, %scan3A_7 : i32
    %scan3A_9 = arith.constant 1 : i32
    scf.for %scan3A_91 = %scan3A_6 to %scan3A_8 step %scan3A_9  : i32 {
      %broadcast_in_dim3A = arith.constant 0.000000e+00 : f32
      %broadcast_in_dim3A_92 = vector.broadcast %broadcast_in_dim3A : f32 to vector<16xf32>
      %swap3A = arith.index_cast %scan3A_91 : i32 to index
      %swap3A_93 = arith.constant 0 : index
      %swap3A_94 = tpu.vector_load %arg9[%swap3A, %swap3A_93] {strides = array<i32>} : memref<632x16xf32, #tpu.memory_space<vmem>>, vector<1x16xf32>,
      %swap3A_95 = vector.shape_cast %swap3A_94 : vector<1x16xf32> to vector<16xf32>
      %swap3A_96 = vector.shape_cast %broadcast_in_dim3A_92 : vector<16xf32> to vector<1x16xf32>
      tpu.vector_store %arg9[%swap3A, %swap3A_93], %swap3A_96 {strides = array<i32>} : memref<632x16xf32, #tpu.memory_space<vmem>>, vector<1x16xf32>,
    }
    %scan3A_10 = arith.constant 632 : i32
    %dma_wait3A = arith.constant 0 : i32
    %dma_wait3A_11 = tpu.memref_slice %arg14[%mul3A_2, %dma_wait3A] : memref<10112x16xf32, #tpu.memory_space<vmem_shared>> -> memref<632x16xf32, #tpu.memory_space<vmem_shared>>
    %dma_wait3A_12 = arith.constant 0 : i32
    %dma_wait3A_13 = tpu.memref_slice %arg2[%mul3A_2, %dma_wait3A_12] : memref<10112x16xf32, #tpu.memory_space<hbm>> -> memref<632x16xf32, #tpu.memory_space<hbm>>
    tpu.wait_dma2 semaphore(%arg10 : memref<!tpu.dma_semaphore, #tpu.memory_space<semaphore_mem>>) src(%dma_wait3A_13 : memref<632x16xf32, #tpu.memory_space<hbm>>) dst(%dma_wait3A_11 : memref<632x16xf32, #tpu.memory_space<vmem_shared>>)
    %mul3A_14 = arith.constant 632 : i32
    %mul3A_15 = arith.muli %arg1, %mul3A_14 : i32
    "tpu.region"() ({
      %run_scoped3A_91 = tpu.sem_alloc : memref<!tpu.dma_semaphore, #tpu.memory_space<semaphore_mem>>
      %dma_start3A_92 = arith.constant 0 : i32
      %dma_start3A_93 = tpu.memref_slice %arg15[%mul3A_15, %dma_start3A_92] : memref<10112x16xf32, #tpu.memory_space<vmem_shared>> -> memref<632x16xf32, #tpu.memory_space<vmem_shared>>
      %dma_start3A_94 = arith.constant 0 : i32
      %dma_start3A_95 = tpu.memref_slice %arg15[%mul3A_15, %dma_start3A_94] : memref<10112x16xf32, #tpu.memory_space<vmem_shared>> -> memref<632x16xf32, #tpu.memory_space<vmem_shared>>
      tpu.enqueue_dma source(%arg9 : memref<632x16xf32, #tpu.memory_space<vmem>>) target(%dma_start3A_95 : memref<632x16xf32, #tpu.memory_space<vmem_shared>>) target_semaphore(%run_scoped3A_91 : memref<!tpu.dma_semaphore, #tpu.memory_space<semaphore_mem>>)
      %dma_wait3A_96 = arith.constant 0 : i32
      %dma_wait3A_97 = tpu.memref_slice %arg15[%mul3A_15, %dma_wait3A_96] : memref<10112x16xf32, #tpu.memory_space<vmem_shared>> -> memref<632x16xf32, #tpu.memory_space<vmem_shared>>
      %dma_wait3A_98 = arith.constant 0 : i32
      %dma_wait3A_99 = tpu.memref_slice %arg15[%mul3A_15, %dma_wait3A_98] : memref<10112x16xf32, #tpu.memory_space<vmem_shared>> -> memref<632x16xf32, #tpu.memory_space<vmem_shared>>
      tpu.wait_dma2 semaphore(%run_scoped3A_91 : memref<!tpu.dma_semaphore, #tpu.memory_space<semaphore_mem>>) src(%arg9 : memref<632x16xf32, #tpu.memory_space<vmem>>) dst(%dma_wait3A_99 : memref<632x16xf32, #tpu.memory_space<vmem_shared>>)
      tpu.yield
    }) : () -> ()
    %barrier3A = arith.constant 0 : index
    tpu.barrier barrier_id(%barrier3A)
    %mul3A_16 = arith.constant 78 : i32
    %mul3A_17 = arith.muli %mul3A_16, %add3A : i32
    %sub3A = arith.constant 28 : i32
    %sub3A_18 = arith.subi %add3A, %sub3A : i32
    %max3A = arith.constant 0 : i32
    %max3A_19 = arith.maxsi %sub3A_18, %max3A : i32
    %add3A_20 = arith.addi %mul3A_17, %max3A_19 : i32
    %run_scoped3A = arith.constant 0 : i32
    "tpu.region"() ({
      %run_scoped3A_91 = tpu.sem_alloc : memref<!tpu.dma_semaphore, #tpu.memory_space<semaphore_mem>>
      %dma_start3A_92 = arith.constant 0 : i32
      %dma_start3A_93 = tpu.memref_slice %arg3[%run_scoped3A, %add3A_20, %dma_start3A_92] : memref<2x2500x128xi32, #tpu.memory_space<hbm>> -> memref<1x79x128xi32, #tpu.memory_space<hbm>>
      %dma_start3A_94 = tpu.memref_squeeze %dma_start3A_93 : memref<1x79x128xi32, #tpu.memory_space<hbm>> -> memref<79x128xi32, #tpu.memory_space<hbm>>
      %dma_start3A_95 = arith.constant 0 : i32
      %dma_start3A_96 = tpu.memref_slice %arg3[%run_scoped3A, %add3A_20, %dma_start3A_95] : memref<2x2500x128xi32, #tpu.memory_space<hbm>> -> memref<1x79x128xi32, #tpu.memory_space<hbm>>
      %dma_start3A_97 = tpu.memref_squeeze %dma_start3A_96 : memref<1x79x128xi32, #tpu.memory_space<hbm>> -> memref<79x128xi32, #tpu.memory_space<hbm>>
      tpu.enqueue_dma source(%dma_start3A_97 : memref<79x128xi32, #tpu.memory_space<hbm>>) target(%arg5 : memref<79x128xi32, #tpu.memory_space<vmem>>) target_semaphore(%run_scoped3A_91 : memref<!tpu.dma_semaphore, #tpu.memory_space<semaphore_mem>>)
      %dma_wait3A_98 = arith.constant 0 : i32
      %dma_wait3A_99 = tpu.memref_slice %arg3[%run_scoped3A, %add3A_20, %dma_wait3A_98] : memref<2x2500x128xi32, #tpu.memory_space<hbm>> -> memref<1x79x128xi32, #tpu.memory_space<hbm>>
      %dma_wait3A_100 = tpu.memref_squeeze %dma_wait3A_99 : memref<1x79x128xi32, #tpu.memory_space<hbm>> -> memref<79x128xi32, #tpu.memory_space<hbm>>
      %dma_wait3A_101 = arith.constant 0 : i32
      %dma_wait3A_102 = tpu.memref_slice %arg3[%run_scoped3A, %add3A_20, %dma_wait3A_101] : memref<2x2500x128xi32, #tpu.memory_space<hbm>> -> memref<1x79x128xi32, #tpu.memory_space<hbm>>
      %dma_wait3A_103 = tpu.memref_squeeze %dma_wait3A_102 : memref<1x79x128xi32, #tpu.memory_space<hbm>> -> memref<79x128xi32, #tpu.memory_space<hbm>>
      tpu.wait_dma2 semaphore(%run_scoped3A_91 : memref<!tpu.dma_semaphore, #tpu.memory_space<semaphore_mem>>) src(%dma_wait3A_103 : memref<79x128xi32, #tpu.memory_space<hbm>>) dst(%arg5 : memref<79x128xi32, #tpu.memory_space<vmem>>)
      tpu.yield
    }) : () -> ()
    %run_scoped3A_21 = arith.constant 1 : i32
    "tpu.region"() ({
      %run_scoped3A_91 = tpu.sem_alloc : memref<!tpu.dma_semaphore, #tpu.memory_space<semaphore_mem>>
      %dma_start3A_92 = arith.constant 0 : i32
      %dma_start3A_93 = tpu.memref_slice %arg3[%run_scoped3A_21, %add3A_20, %dma_start3A_92] : memref<2x2500x128xi32, #tpu.memory_space<hbm>> -> memref<1x79x128xi32, #tpu.memory_space<hbm>>
      %dma_start3A_94 = tpu.memref_squeeze %dma_start3A_93 : memref<1x79x128xi32, #tpu.memory_space<hbm>> -> memref<79x128xi32, #tpu.memory_space<hbm>>
      %dma_start3A_95 = arith.constant 0 : i32
      %dma_start3A_96 = tpu.memref_slice %arg3[%run_scoped3A_21, %add3A_20, %dma_start3A_95] : memref<2x2500x128xi32, #tpu.memory_space<hbm>> -> memref<1x79x128xi32, #tpu.memory_space<hbm>>
      %dma_start3A_97 = tpu.memref_squeeze %dma_start3A_96 : memref<1x79x128xi32, #tpu.memory_space<hbm>> -> memref<79x128xi32, #tpu.memory_space<hbm>>
      tpu.enqueue_dma source(%dma_start3A_97 : memref<79x128xi32, #tpu.memory_space<hbm>>) target(%arg6 : memref<79x128xi32, #tpu.memory_space<vmem>>) target_semaphore(%run_scoped3A_91 : memref<!tpu.dma_semaphore, #tpu.memory_space<semaphore_mem>>)
      %dma_wait3A_98 = arith.constant 0 : i32
      %dma_wait3A_99 = tpu.memref_slice %arg3[%run_scoped3A_21, %add3A_20, %dma_wait3A_98] : memref<2x2500x128xi32, #tpu.memory_space<hbm>> -> memref<1x79x128xi32, #tpu.memory_space<hbm>>
      %dma_wait3A_100 = tpu.memref_squeeze %dma_wait3A_99 : memref<1x79x128xi32, #tpu.memory_space<hbm>> -> memref<79x128xi32, #tpu.memory_space<hbm>>
      %dma_wait3A_101 = arith.constant 0 : i32
      %dma_wait3A_102 = tpu.memref_slice %arg3[%run_scoped3A_21, %add3A_20, %dma_wait3A_101] : memref<2x2500x128xi32, #tpu.memory_space<hbm>> -> memref<1x79x128xi32, #tpu.memory_space<hbm>>
      %dma_wait3A_103 = tpu.memref_squeeze %dma_wait3A_102 : memref<1x79x128xi32, #tpu.memory_space<hbm>> -> memref<79x128xi32, #tpu.memory_space<hbm>>
      tpu.wait_dma2 semaphore(%run_scoped3A_91 : memref<!tpu.dma_semaphore, #tpu.memory_space<semaphore_mem>>) src(%dma_wait3A_103 : memref<79x128xi32, #tpu.memory_space<hbm>>) dst(%arg6 : memref<79x128xi32, #tpu.memory_space<vmem>>)
      tpu.yield
    }) : () -> ()
    %dma_start3A_22 = arith.constant 0 : i32
    %dma_start3A_23 = arith.constant 0 : i32
    %dma_start3A_24 = tpu.memref_slice %arg5[%dma_start3A_22, %dma_start3A_23] : memref<79x128xi32, #tpu.memory_space<vmem>> -> memref<1x128xi32, #tpu.memory_space<vmem>>
    %dma_start3A_25 = tpu.memref_squeeze %dma_start3A_24 : memref<1x128xi32, #tpu.memory_space<vmem>> -> memref<128xi32, #tpu.memory_space<vmem>>
    %dma_start3A_26 = arith.constant 0 : i32
    %dma_start3A_27 = arith.constant 0 : i32
    %dma_start3A_28 = tpu.memref_slice %arg14[%dma_start3A_26, %dma_start3A_27] : memref<10112x16xf32, #tpu.memory_space<vmem_shared>> -> memref<10112x16xf32, #tpu.memory_space<vmem_shared>>
    tpu.enqueue_indirect_dma source(%dma_start3A_28 : memref<10112x16xf32, #tpu.memory_space<vmem_shared>>) target(%arg7 : memref<128x16xf32, #tpu.memory_space<vmem>>) offsets(%dma_start3A_25 : memref<128xi32, #tpu.memory_space<vmem>>) semaphore(%arg10 : memref<!tpu.dma_semaphore, #tpu.memory_space<semaphore_mem>>)
    %dma_start3A_29 = arith.constant 1 : i32
    %dma_start3A_30 = arith.constant 0 : i32
    %dma_start3A_31 = tpu.memref_slice %arg5[%dma_start3A_29, %dma_start3A_30] : memref<79x128xi32, #tpu.memory_space<vmem>> -> memref<1x128xi32, #tpu.memory_space<vmem>>
    %dma_start3A_32 = tpu.memref_squeeze %dma_start3A_31 : memref<1x128xi32, #tpu.memory_space<vmem>> -> memref<128xi32, #tpu.memory_space<vmem>>
    %dma_start3A_33 = arith.constant 0 : i32
    %dma_start3A_34 = arith.constant 0 : i32
    %dma_start3A_35 = tpu.memref_slice %arg14[%dma_start3A_33, %dma_start3A_34] : memref<10112x16xf32, #tpu.memory_space<vmem_shared>> -> memref<10112x16xf32, #tpu.memory_space<vmem_shared>>
    tpu.enqueue_indirect_dma source(%dma_start3A_35 : memref<10112x16xf32, #tpu.memory_space<vmem_shared>>) target(%arg8 : memref<128x16xf32, #tpu.memory_space<vmem>>) offsets(%dma_start3A_32 : memref<128xi32, #tpu.memory_space<vmem>>) semaphore(%arg11 : memref<!tpu.dma_semaphore, #tpu.memory_space<semaphore_mem>>)
    %dma_wait3A_36 = arith.constant 0 : i32
    %dma_wait3A_37 = arith.constant 0 : i32
    %dma_wait3A_38 = tpu.memref_slice %arg5[%dma_wait3A_36, %dma_wait3A_37] : memref<79x128xi32, #tpu.memory_space<vmem>> -> memref<1x128xi32, #tpu.memory_space<vmem>>
    %dma_wait3A_39 = tpu.memref_squeeze %dma_wait3A_38 : memref<1x128xi32, #tpu.memory_space<vmem>> -> memref<128xi32, #tpu.memory_space<vmem>>
    %dma_wait3A_40 = arith.constant 0 : i32
    %dma_wait3A_41 = arith.constant 0 : i32
    %dma_wait3A_42 = tpu.memref_slice %arg14[%dma_wait3A_40, %dma_wait3A_41] : memref<10112x16xf32, #tpu.memory_space<vmem_shared>> -> memref<10112x16xf32, #tpu.memory_space<vmem_shared>>
    tpu.wait_indirect_dma semaphore(%arg10 : memref<!tpu.dma_semaphore, #tpu.memory_space<semaphore_mem>>) src(%dma_wait3A_42 : memref<10112x16xf32, #tpu.memory_space<vmem_shared>>) dst(%arg7 : memref<128x16xf32, #tpu.memory_space<vmem>>)
    %dma_start3A_43 = arith.constant 0 : i32
    %dma_start3A_44 = arith.constant 0 : i32
    %dma_start3A_45 = tpu.memref_slice %arg6[%dma_start3A_43, %dma_start3A_44] : memref<79x128xi32, #tpu.memory_space<vmem>> -> memref<1x128xi32, #tpu.memory_space<vmem>>
    %dma_start3A_46 = tpu.memref_squeeze %dma_start3A_45 : memref<1x128xi32, #tpu.memory_space<vmem>> -> memref<128xi32, #tpu.memory_space<vmem>>
    %dma_start3A_47 = arith.constant 0 : i32
    %dma_start3A_48 = arith.constant 0 : i32
    %dma_start3A_49 = tpu.memref_slice %arg15[%dma_start3A_47, %dma_start3A_48] : memref<10112x16xf32, #tpu.memory_space<vmem_shared>> -> memref<10112x16xf32, #tpu.memory_space<vmem_shared>>
    tpu.enqueue_indirect_dma source(%arg7 : memref<128x16xf32, #tpu.memory_space<vmem>>) target(%dma_start3A_49 : memref<10112x16xf32, #tpu.memory_space<vmem_shared>>) offsets(%dma_start3A_46 : memref<128xi32, #tpu.memory_space<vmem>>) semaphore(%arg12 : memref<!tpu.dma_semaphore, #tpu.memory_space<semaphore_mem>>) {add = true}
    %dma_wait3A_50 = arith.constant 0 : i32
    %dma_wait3A_51 = arith.constant 0 : i32
    %dma_wait3A_52 = tpu.memref_slice %arg5[%dma_wait3A_50, %dma_wait3A_51] : memref<79x128xi32, #tpu.memory_space<vmem>> -> memref<1x128xi32, #tpu.memory_space<vmem>>
    %dma_wait3A_53 = tpu.memref_squeeze %dma_wait3A_52 : memref<1x128xi32, #tpu.memory_space<vmem>> -> memref<128xi32, #tpu.memory_space<vmem>>
    %dma_wait3A_54 = arith.constant 0 : i32
    %dma_wait3A_55 = arith.constant 0 : i32
    %dma_wait3A_56 = tpu.memref_slice %arg14[%dma_wait3A_54, %dma_wait3A_55] : memref<10112x16xf32, #tpu.memory_space<vmem_shared>> -> memref<10112x16xf32, #tpu.memory_space<vmem_shared>>
    tpu.wait_indirect_dma semaphore(%arg11 : memref<!tpu.dma_semaphore, #tpu.memory_space<semaphore_mem>>) src(%dma_wait3A_56 : memref<10112x16xf32, #tpu.memory_space<vmem_shared>>) dst(%arg8 : memref<128x16xf32, #tpu.memory_space<vmem>>)
    %dma_start3A_57 = arith.constant 1 : i32
    %dma_start3A_58 = arith.constant 0 : i32
    %dma_start3A_59 = tpu.memref_slice %arg6[%dma_start3A_57, %dma_start3A_58] : memref<79x128xi32, #tpu.memory_space<vmem>> -> memref<1x128xi32, #tpu.memory_space<vmem>>
    %dma_start3A_60 = tpu.memref_squeeze %dma_start3A_59 : memref<1x128xi32, #tpu.memory_space<vmem>> -> memref<128xi32, #tpu.memory_space<vmem>>
    %dma_start3A_61 = arith.constant 0 : i32
    %dma_start3A_62 = arith.constant 0 : i32
    %dma_start3A_63 = tpu.memref_slice %arg15[%dma_start3A_61, %dma_start3A_62] : memref<10112x16xf32, #tpu.memory_space<vmem_shared>> -> memref<10112x16xf32, #tpu.memory_space<vmem_shared>>
    tpu.enqueue_indirect_dma source(%arg8 : memref<128x16xf32, #tpu.memory_space<vmem>>) target(%dma_start3A_63 : memref<10112x16xf32, #tpu.memory_space<vmem_shared>>) offsets(%dma_start3A_60 : memref<128xi32, #tpu.memory_space<vmem>>) semaphore(%arg13 : memref<!tpu.dma_semaphore, #tpu.memory_space<semaphore_mem>>) {add = true}
    %scan3A_64 = arith.constant 0 : i32
    %scan3A_65 = arith.constant 0 : i32
    %scan3A_66 = arith.constant 38 : i32
    %scan3A_67 = arith.addi %scan3A_65, %scan3A_66 : i32
    %scan3A_68 = arith.constant 1 : i32
    scf.for %scan3A_91 = %scan3A_65 to %scan3A_67 step %scan3A_68  : i32 {
      %mul3A_92 = arith.constant 2 : i32
      %mul3A_93 = arith.muli %mul3A_92, %scan3A_91 : i32
      %dma_wait3A_94 = arith.constant 0 : i32
      %dma_wait3A_95 = arith.constant 0 : i32
      %dma_wait3A_96 = tpu.memref_slice %arg6[%dma_wait3A_94, %dma_wait3A_95] : memref<79x128xi32, #tpu.memory_space<vmem>> -> memref<1x128xi32, #tpu.memory_space<vmem>>
      %dma_wait3A_97 = tpu.memref_squeeze %dma_wait3A_96 : memref<1x128xi32, #tpu.memory_space<vmem>> -> memref<128xi32, #tpu.memory_space<vmem>>
      %dma_wait3A_98 = arith.constant 0 : i32
      %dma_wait3A_99 = arith.constant 0 : i32
      %dma_wait3A_100 = tpu.memref_slice %arg15[%dma_wait3A_98, %dma_wait3A_99] : memref<10112x16xf32, #tpu.memory_space<vmem_shared>> -> memref<10112x16xf32, #tpu.memory_space<vmem_shared>>
      tpu.wait_indirect_dma semaphore(%arg12 : memref<!tpu.dma_semaphore, #tpu.memory_space<semaphore_mem>>) src(%arg7 : memref<128x16xf32, #tpu.memory_space<vmem>>) dst(%dma_wait3A_100 : memref<10112x16xf32, #tpu.memory_space<vmem_shared>>)
      %add3A_101 = arith.constant 2 : i32
      %add3A_102 = arith.addi %mul3A_93, %add3A_101 : i32
      %dma_start3A_103 = arith.constant 0 : i32
      %dma_start3A_104 = tpu.memref_slice %arg5[%add3A_102, %dma_start3A_103] : memref<79x128xi32, #tpu.memory_space<vmem>> -> memref<1x128xi32, #tpu.memory_space<vmem>>
      %dma_start3A_105 = tpu.memref_squeeze %dma_start3A_104 : memref<1x128xi32, #tpu.memory_space<vmem>> -> memref<128xi32, #tpu.memory_space<vmem>>
      %dma_start3A_106 = arith.constant 0 : i32
      %dma_start3A_107 = arith.constant 0 : i32
      %dma_start3A_108 = tpu.memref_slice %arg14[%dma_start3A_106, %dma_start3A_107] : memref<10112x16xf32, #tpu.memory_space<vmem_shared>> -> memref<10112x16xf32, #tpu.memory_space<vmem_shared>>
      tpu.enqueue_indirect_dma source(%dma_start3A_108 : memref<10112x16xf32, #tpu.memory_space<vmem_shared>>) target(%arg7 : memref<128x16xf32, #tpu.memory_space<vmem>>) offsets(%dma_start3A_105 : memref<128xi32, #tpu.memory_space<vmem>>) semaphore(%arg10 : memref<!tpu.dma_semaphore, #tpu.memory_space<semaphore_mem>>)
      %dma_wait3A_109 = arith.constant 0 : i32
      %dma_wait3A_110 = arith.constant 0 : i32
      %dma_wait3A_111 = tpu.memref_slice %arg5[%dma_wait3A_109, %dma_wait3A_110] : memref<79x128xi32, #tpu.memory_space<vmem>> -> memref<1x128xi32, #tpu.memory_space<vmem>>
      %dma_wait3A_112 = tpu.memref_squeeze %dma_wait3A_111 : memref<1x128xi32, #tpu.memory_space<vmem>> -> memref<128xi32, #tpu.memory_space<vmem>>
      %dma_wait3A_113 = arith.constant 0 : i32
      %dma_wait3A_114 = arith.constant 0 : i32
      %dma_wait3A_115 = tpu.memref_slice %arg14[%dma_wait3A_113, %dma_wait3A_114] : memref<10112x16xf32, #tpu.memory_space<vmem_shared>> -> memref<10112x16xf32, #tpu.memory_space<vmem_shared>>
      tpu.wait_indirect_dma semaphore(%arg10 : memref<!tpu.dma_semaphore, #tpu.memory_space<semaphore_mem>>) src(%dma_wait3A_115 : memref<10112x16xf32, #tpu.memory_space<vmem_shared>>) dst(%arg7 : memref<128x16xf32, #tpu.memory_space<vmem>>)
      %add3A_116 = arith.constant 2 : i32
      %add3A_117 = arith.addi %mul3A_93, %add3A_116 : i32
      %dma_start3A_118 = arith.constant 0 : i32
      %dma_start3A_119 = tpu.memref_slice %arg6[%add3A_117, %dma_start3A_118] : memref<79x128xi32, #tpu.memory_space<vmem>> -> memref<1x128xi32, #tpu.memory_space<vmem>>
      %dma_start3A_120 = tpu.memref_squeeze %dma_start3A_119 : memref<1x128xi32, #tpu.memory_space<vmem>> -> memref<128xi32, #tpu.memory_space<vmem>>
      %dma_start3A_121 = arith.constant 0 : i32
      %dma_start3A_122 = arith.constant 0 : i32
      %dma_start3A_123 = tpu.memref_slice %arg15[%dma_start3A_121, %dma_start3A_122] : memref<10112x16xf32, #tpu.memory_space<vmem_shared>> -> memref<10112x16xf32, #tpu.memory_space<vmem_shared>>
      tpu.enqueue_indirect_dma source(%arg7 : memref<128x16xf32, #tpu.memory_space<vmem>>) target(%dma_start3A_123 : memref<10112x16xf32, #tpu.memory_space<vmem_shared>>) offsets(%dma_start3A_120 : memref<128xi32, #tpu.memory_space<vmem>>) semaphore(%arg12 : memref<!tpu.dma_semaphore, #tpu.memory_space<semaphore_mem>>) {add = true}
      %dma_wait3A_124 = arith.constant 0 : i32
      %dma_wait3A_125 = arith.constant 0 : i32
      %dma_wait3A_126 = tpu.memref_slice %arg6[%dma_wait3A_124, %dma_wait3A_125] : memref<79x128xi32, #tpu.memory_space<vmem>> -> memref<1x128xi32, #tpu.memory_space<vmem>>
      %dma_wait3A_127 = tpu.memref_squeeze %dma_wait3A_126 : memref<1x128xi32, #tpu.memory_space<vmem>> -> memref<128xi32, #tpu.memory_space<vmem>>
      %dma_wait3A_128 = arith.constant 0 : i32
      %dma_wait3A_129 = arith.constant 0 : i32
      %dma_wait3A_130 = tpu.memref_slice %arg15[%dma_wait3A_128, %dma_wait3A_129] : memref<10112x16xf32, #tpu.memory_space<vmem_shared>> -> memref<10112x16xf32, #tpu.memory_space<vmem_shared>>
      tpu.wait_indirect_dma semaphore(%arg13 : memref<!tpu.dma_semaphore, #tpu.memory_space<semaphore_mem>>) src(%arg8 : memref<128x16xf32, #tpu.memory_space<vmem>>) dst(%dma_wait3A_130 : memref<10112x16xf32, #tpu.memory_space<vmem_shared>>)
      %add3A_131 = arith.constant 3 : i32
      %add3A_132 = arith.addi %mul3A_93, %add3A_131 : i32
      %min3A = arith.constant 77 : i32
      %min3A_133 = arith.minsi %add3A_132, %min3A : i32
      %dma_start3A_134 = arith.constant 0 : i32
      %dma_start3A_135 = tpu.memref_slice %arg5[%min3A_133, %dma_start3A_134] : memref<79x128xi32, #tpu.memory_space<vmem>> -> memref<1x128xi32, #tpu.memory_space<vmem>>
      %dma_start3A_136 = tpu.memref_squeeze %dma_start3A_135 : memref<1x128xi32, #tpu.memory_space<vmem>> -> memref<128xi32, #tpu.memory_space<vmem>>
      %dma_start3A_137 = arith.constant 0 : i32
      %dma_start3A_138 = arith.constant 0 : i32
      %dma_start3A_139 = tpu.memref_slice %arg14[%dma_start3A_137, %dma_start3A_138] : memref<10112x16xf32, #tpu.memory_space<vmem_shared>> -> memref<10112x16xf32, #tpu.memory_space<vmem_shared>>
      tpu.enqueue_indirect_dma source(%dma_start3A_139 : memref<10112x16xf32, #tpu.memory_space<vmem_shared>>) target(%arg8 : memref<128x16xf32, #tpu.memory_space<vmem>>) offsets(%dma_start3A_136 : memref<128xi32, #tpu.memory_space<vmem>>) semaphore(%arg11 : memref<!tpu.dma_semaphore, #tpu.memory_space<semaphore_mem>>)
      %dma_wait3A_140 = arith.constant 0 : i32
      %dma_wait3A_141 = arith.constant 0 : i32
      %dma_wait3A_142 = tpu.memref_slice %arg5[%dma_wait3A_140, %dma_wait3A_141] : memref<79x128xi32, #tpu.memory_space<vmem>> -> memref<1x128xi32, #tpu.memory_space<vmem>>
      %dma_wait3A_143 = tpu.memref_squeeze %dma_wait3A_142 : memref<1x128xi32, #tpu.memory_space<vmem>> -> memref<128xi32, #tpu.memory_space<vmem>>
      %dma_wait3A_144 = arith.constant 0 : i32
      %dma_wait3A_145 = arith.constant 0 : i32
      %dma_wait3A_146 = tpu.memref_slice %arg14[%dma_wait3A_144, %dma_wait3A_145] : memref<10112x16xf32, #tpu.memory_space<vmem_shared>> -> memref<10112x16xf32, #tpu.memory_space<vmem_shared>>
      tpu.wait_indirect_dma semaphore(%arg11 : memref<!tpu.dma_semaphore, #tpu.memory_space<semaphore_mem>>) src(%dma_wait3A_146 : memref<10112x16xf32, #tpu.memory_space<vmem_shared>>) dst(%arg8 : memref<128x16xf32, #tpu.memory_space<vmem>>)
      %add3A_147 = arith.constant 3 : i32
      %add3A_148 = arith.addi %mul3A_93, %add3A_147 : i32
      %min3A_149 = arith.constant 77 : i32
      %min3A_150 = arith.minsi %add3A_148, %min3A_149 : i32
      %dma_start3A_151 = arith.constant 0 : i32
      %dma_start3A_152 = tpu.memref_slice %arg6[%min3A_150, %dma_start3A_151] : memref<79x128xi32, #tpu.memory_space<vmem>> -> memref<1x128xi32, #tpu.memory_space<vmem>>
      %dma_start3A_153 = tpu.memref_squeeze %dma_start3A_152 : memref<1x128xi32, #tpu.memory_space<vmem>> -> memref<128xi32, #tpu.memory_space<vmem>>
      %dma_start3A_154 = arith.constant 0 : i32
      %dma_start3A_155 = arith.constant 0 : i32
      %dma_start3A_156 = tpu.memref_slice %arg15[%dma_start3A_154, %dma_start3A_155] : memref<10112x16xf32, #tpu.memory_space<vmem_shared>> -> memref<10112x16xf32, #tpu.memory_space<vmem_shared>>
      tpu.enqueue_indirect_dma source(%arg8 : memref<128x16xf32, #tpu.memory_space<vmem>>) target(%dma_start3A_156 : memref<10112x16xf32, #tpu.memory_space<vmem_shared>>) offsets(%dma_start3A_153 : memref<128xi32, #tpu.memory_space<vmem>>) semaphore(%arg13 : memref<!tpu.dma_semaphore, #tpu.memory_space<semaphore_mem>>) {add = true}
    }
    %scan3A_69 = arith.constant 38 : i32
    %dma_wait3A_70 = arith.constant 0 : i32
    %dma_wait3A_71 = arith.constant 0 : i32
    %dma_wait3A_72 = tpu.memref_slice %arg6[%dma_wait3A_70, %dma_wait3A_71] : memref<79x128xi32, #tpu.memory_space<vmem>> -> memref<1x128xi32, #tpu.memory_space<vmem>>
    %dma_wait3A_73 = tpu.memref_squeeze %dma_wait3A_72 : memref<1x128xi32, #tpu.memory_space<vmem>> -> memref<128xi32, #tpu.memory_space<vmem>>
    %dma_wait3A_74 = arith.constant 0 : i32
    %dma_wait3A_75 = arith.constant 0 : i32
    %dma_wait3A_76 = tpu.memref_slice %arg15[%dma_wait3A_74, %dma_wait3A_75] : memref<10112x16xf32, #tpu.memory_space<vmem_shared>> -> memref<10112x16xf32, #tpu.memory_space<vmem_shared>>
    tpu.wait_indirect_dma semaphore(%arg12 : memref<!tpu.dma_semaphore, #tpu.memory_space<semaphore_mem>>) src(%arg7 : memref<128x16xf32, #tpu.memory_space<vmem>>) dst(%dma_wait3A_76 : memref<10112x16xf32, #tpu.memory_space<vmem_shared>>)
    %dma_wait3A_77 = arith.constant 0 : i32
    %dma_wait3A_78 = arith.constant 0 : i32
    %dma_wait3A_79 = tpu.memref_slice %arg6[%dma_wait3A_77, %dma_wait3A_78] : memref<79x128xi32, #tpu.memory_space<vmem>> -> memref<1x128xi32, #tpu.memory_space<vmem>>
    %dma_wait3A_80 = tpu.memref_squeeze %dma_wait3A_79 : memref<1x128xi32, #tpu.memory_space<vmem>> -> memref<128xi32, #tpu.memory_space<vmem>>
    %dma_wait3A_81 = arith.constant 0 : i32
    %dma_wait3A_82 = arith.constant 0 : i32
    %dma_wait3A_83 = tpu.memref_slice %arg15[%dma_wait3A_81, %dma_wait3A_82] : memref<10112x16xf32, #tpu.memory_space<vmem_shared>> -> memref<10112x16xf32, #tpu.memory_space<vmem_shared>>
    tpu.wait_indirect_dma semaphore(%arg13 : memref<!tpu.dma_semaphore, #tpu.memory_space<semaphore_mem>>) src(%arg8 : memref<128x16xf32, #tpu.memory_space<vmem>>) dst(%dma_wait3A_83 : memref<10112x16xf32, #tpu.memory_space<vmem_shared>>)
    %ge3A = arith.constant 28 : i32
    %ge3A_84 = arith.cmpi sge, %add3A, %ge3A : i32
    %convert_element_type3A = arith.extui %ge3A_84 : i1 to i32
    %cond3A = arith.constant 0 : i32
    %cond3A_85 = arith.cmpi ne, %convert_element_type3A, %cond3A : i32
    scf.if %cond3A_85 {
      %dma_start3A_91 = arith.constant 78 : i32
      %dma_start3A_92 = arith.constant 0 : i32
      %dma_start3A_93 = tpu.memref_slice %arg5[%dma_start3A_91, %dma_start3A_92] : memref<79x128xi32, #tpu.memory_space<vmem>> -> memref<1x128xi32, #tpu.memory_space<vmem>>
      %dma_start3A_94 = tpu.memref_squeeze %dma_start3A_93 : memref<1x128xi32, #tpu.memory_space<vmem>> -> memref<128xi32, #tpu.memory_space<vmem>>
      %dma_start3A_95 = arith.constant 0 : i32
      %dma_start3A_96 = arith.constant 0 : i32
      %dma_start3A_97 = tpu.memref_slice %arg14[%dma_start3A_95, %dma_start3A_96] : memref<10112x16xf32, #tpu.memory_space<vmem_shared>> -> memref<10112x16xf32, #tpu.memory_space<vmem_shared>>
      tpu.enqueue_indirect_dma source(%dma_start3A_97 : memref<10112x16xf32, #tpu.memory_space<vmem_shared>>) target(%arg7 : memref<128x16xf32, #tpu.memory_space<vmem>>) offsets(%dma_start3A_94 : memref<128xi32, #tpu.memory_space<vmem>>) semaphore(%arg10 : memref<!tpu.dma_semaphore, #tpu.memory_space<semaphore_mem>>)
      %dma_wait3A_98 = arith.constant 0 : i32
      %dma_wait3A_99 = arith.constant 0 : i32
      %dma_wait3A_100 = tpu.memref_slice %arg5[%dma_wait3A_98, %dma_wait3A_99] : memref<79x128xi32, #tpu.memory_space<vmem>> -> memref<1x128xi32, #tpu.memory_space<vmem>>
      %dma_wait3A_101 = tpu.memref_squeeze %dma_wait3A_100 : memref<1x128xi32, #tpu.memory_space<vmem>> -> memref<128xi32, #tpu.memory_space<vmem>>
      %dma_wait3A_102 = arith.constant 0 : i32
      %dma_wait3A_103 = arith.constant 0 : i32
      %dma_wait3A_104 = tpu.memref_slice %arg14[%dma_wait3A_102, %dma_wait3A_103] : memref<10112x16xf32, #tpu.memory_space<vmem_shared>> -> memref<10112x16xf32, #tpu.memory_space<vmem_shared>>
      tpu.wait_indirect_dma semaphore(%arg10 : memref<!tpu.dma_semaphore, #tpu.memory_space<semaphore_mem>>) src(%dma_wait3A_104 : memref<10112x16xf32, #tpu.memory_space<vmem_shared>>) dst(%arg7 : memref<128x16xf32, #tpu.memory_space<vmem>>)
      %run_scoped3A_105 = arith.constant 78 : i32
      "tpu.region"() ({
        %run_scoped3A_106 = tpu.sem_alloc : memref<!tpu.dma_semaphore, #tpu.memory_space<semaphore_mem>>
        %dma_start3A_107 = arith.constant 0 : i32
        %dma_start3A_108 = tpu.memref_slice %arg6[%run_scoped3A_105, %dma_start3A_107] : memref<79x128xi32, #tpu.memory_space<vmem>> -> memref<1x128xi32, #tpu.memory_space<vmem>>
        %dma_start3A_109 = tpu.memref_squeeze %dma_start3A_108 : memref<1x128xi32, #tpu.memory_space<vmem>> -> memref<128xi32, #tpu.memory_space<vmem>>
        %dma_start3A_110 = arith.constant 0 : i32
        %dma_start3A_111 = arith.constant 0 : i32
        %dma_start3A_112 = tpu.memref_slice %arg15[%dma_start3A_110, %dma_start3A_111] : memref<10112x16xf32, #tpu.memory_space<vmem_shared>> -> memref<10112x16xf32, #tpu.memory_space<vmem_shared>>
        tpu.enqueue_indirect_dma source(%arg7 : memref<128x16xf32, #tpu.memory_space<vmem>>) target(%dma_start3A_112 : memref<10112x16xf32, #tpu.memory_space<vmem_shared>>) offsets(%dma_start3A_109 : memref<128xi32, #tpu.memory_space<vmem>>) semaphore(%run_scoped3A_106 : memref<!tpu.dma_semaphore, #tpu.memory_space<semaphore_mem>>) {add = true}
        %dma_wait3A_113 = arith.constant 0 : i32
        %dma_wait3A_114 = tpu.memref_slice %arg6[%run_scoped3A_105, %dma_wait3A_113] : memref<79x128xi32, #tpu.memory_space<vmem>> -> memref<1x128xi32, #tpu.memory_space<vmem>>
        %dma_wait3A_115 = tpu.memref_squeeze %dma_wait3A_114 : memref<1x128xi32, #tpu.memory_space<vmem>> -> memref<128xi32, #tpu.memory_space<vmem>>
        %dma_wait3A_116 = arith.constant 0 : i32
        %dma_wait3A_117 = arith.constant 0 : i32
        %dma_wait3A_118 = tpu.memref_slice %arg15[%dma_wait3A_116, %dma_wait3A_117] : memref<10112x16xf32, #tpu.memory_space<vmem_shared>> -> memref<10112x16xf32, #tpu.memory_space<vmem_shared>>
        tpu.wait_indirect_dma semaphore(%run_scoped3A_106 : memref<!tpu.dma_semaphore, #tpu.memory_space<semaphore_mem>>) src(%arg7 : memref<128x16xf32, #tpu.memory_space<vmem>>) dst(%dma_wait3A_118 : memref<10112x16xf32, #tpu.memory_space<vmem_shared>>)
        tpu.yield
      }) : () -> ()
    } else {
    }
    %barrier3A_86 = arith.constant 0 : index
    tpu.barrier barrier_id(%barrier3A_86)
    %mul3A_87 = arith.constant 632 : i32
    %mul3A_88 = arith.muli %arg1, %mul3A_87 : i32
    %mul3A_89 = arith.constant 632 : i32
    %mul3A_90 = arith.muli %arg1, %mul3A_89 : i32
    "tpu.region"() ({
      %run_scoped3A_91 = tpu.sem_alloc : memref<!tpu.dma_semaphore, #tpu.memory_space<semaphore_mem>>
      %dma_start3A_92 = arith.constant 0 : i32
      %dma_start3A_93 = tpu.memref_slice %arg4[%arg0, %mul3A_90, %dma_start3A_92] : memref<2x10112x16xf32, #tpu.memory_space<hbm>> -> memref<1x632x16xf32, #tpu.memory_space<hbm>>
      %dma_start3A_94 = tpu.memref_squeeze %dma_start3A_93 : memref<1x632x16xf32, #tpu.memory_space<hbm>> -> memref<632x16xf32, #tpu.memory_space<hbm>>
      %dma_start3A_95 = arith.constant 0 : i32
      %dma_start3A_96 = tpu.memref_slice %arg15[%mul3A_88, %dma_start3A_95] : memref<10112x16xf32, #tpu.memory_space<vmem_shared>> -> memref<632x16xf32, #tpu.memory_space<vmem_shared>>
      tpu.enqueue_dma source(%dma_start3A_96 : memref<632x16xf32, #tpu.memory_space<vmem_shared>>) target(%dma_start3A_94 : memref<632x16xf32, #tpu.memory_space<hbm>>) target_semaphore(%run_scoped3A_91 : memref<!tpu.dma_semaphore, #tpu.memory_space<semaphore_mem>>)
      %dma_wait3A_97 = arith.constant 0 : i32
      %dma_wait3A_98 = tpu.memref_slice %arg4[%arg0, %mul3A_90, %dma_wait3A_97] : memref<2x10112x16xf32, #tpu.memory_space<hbm>> -> memref<1x632x16xf32, #tpu.memory_space<hbm>>
      %dma_wait3A_99 = tpu.memref_squeeze %dma_wait3A_98 : memref<1x632x16xf32, #tpu.memory_space<hbm>> -> memref<632x16xf32, #tpu.memory_space<hbm>>
      %dma_wait3A_100 = arith.constant 0 : i32
      %dma_wait3A_101 = tpu.memref_slice %arg15[%mul3A_88, %dma_wait3A_100] : memref<10112x16xf32, #tpu.memory_space<vmem_shared>> -> memref<632x16xf32, #tpu.memory_space<vmem_shared>>
      tpu.wait_dma2 semaphore(%run_scoped3A_91 : memref<!tpu.dma_semaphore, #tpu.memory_space<semaphore_mem>>) src(%dma_wait3A_101 : memref<632x16xf32, #tpu.memory_space<vmem_shared>>) dst(%dma_wait3A_99 : memref<632x16xf32, #tpu.memory_space<hbm>>)
      tpu.yield
    }) : () -> ()
    return
  }
}

#map = affine_map<(d0, d1) -> (0, 0, 0)>
module attributes {stable_mosaic.version = 14 : i64} {
  func.func @_deg_body(%arg0: i32, %arg1: i32, %arg2: memref<2x2500x128xi32, #tpu.memory_space<hbm>>, %arg3: memref<2x10112x16xf32, #tpu.memory_space<hbm>>, %arg4: memref<79x128xi32, #tpu.memory_space<vmem>>, %arg5: memref<128x16xf32, #tpu.memory_space<vmem>>, %arg6: memref<632x16xf32, #tpu.memory_space<vmem>>, %arg7: memref<!tpu.dma_semaphore, #tpu.memory_space<semaphore_mem>>, %arg8: memref<10112x16xf32, #tpu.memory_space<vmem_shared>>) attributes {dimension_semantics = [#tpu.dimension_semantics<core_parallel>, #tpu.dimension_semantics<subcore_parallel>], iteration_bounds = array<i64: 2, 16>, scalar_prefetch = 0 : i64, scratch_operands = 5 : i64, tpu.core_type = #tpu.core_type<sc_vector_subcore>, window_params = [{transform_indices = #map}, {transform_indices = #map}]} {
    %mul3A = arith.constant 16 : i32
    %mul3A_0 = arith.muli %arg0, %mul3A : i32
    %add3A = arith.addi %mul3A_0, %arg1 : i32
    %mul3A_1 = arith.constant 78 : i32
    %mul3A_2 = arith.muli %mul3A_1, %add3A : i32
    %sub3A = arith.constant 28 : i32
    %sub3A_3 = arith.subi %add3A, %sub3A : i32
    %max3A = arith.constant 0 : i32
    %max3A_4 = arith.maxsi %sub3A_3, %max3A : i32
    %add3A_5 = arith.addi %mul3A_2, %max3A_4 : i32
    %dma_start3A = arith.constant 1 : i32
    %dma_start3A_6 = arith.constant 0 : i32
    %dma_start3A_7 = tpu.memref_slice %arg2[%dma_start3A, %add3A_5, %dma_start3A_6] : memref<2x2500x128xi32, #tpu.memory_space<hbm>> -> memref<1x79x128xi32, #tpu.memory_space<hbm>>
    %dma_start3A_8 = tpu.memref_squeeze %dma_start3A_7 : memref<1x79x128xi32, #tpu.memory_space<hbm>> -> memref<79x128xi32, #tpu.memory_space<hbm>>
    %dma_start3A_9 = arith.constant 0 : i32
    %dma_start3A_10 = tpu.memref_slice %arg2[%dma_start3A, %add3A_5, %dma_start3A_9] : memref<2x2500x128xi32, #tpu.memory_space<hbm>> -> memref<1x79x128xi32, #tpu.memory_space<hbm>>
    %dma_start3A_11 = tpu.memref_squeeze %dma_start3A_10 : memref<1x79x128xi32, #tpu.memory_space<hbm>> -> memref<79x128xi32, #tpu.memory_space<hbm>>
    tpu.enqueue_dma source(%dma_start3A_11 : memref<79x128xi32, #tpu.memory_space<hbm>>) target(%arg4 : memref<79x128xi32, #tpu.memory_space<vmem>>) target_semaphore(%arg7 : memref<!tpu.dma_semaphore, #tpu.memory_space<semaphore_mem>>)
    %scan3A = arith.constant 0 : i32
    %scan3A_12 = arith.constant 0 : i32
    %scan3A_13 = arith.constant 632 : i32
    %scan3A_14 = arith.addi %scan3A_12, %scan3A_13 : i32
    %scan3A_15 = arith.constant 1 : i32
    scf.for %scan3A_46 = %scan3A_12 to %scan3A_14 step %scan3A_15  : i32 {
      %broadcast_in_dim3A = arith.constant 0.000000e+00 : f32
      %broadcast_in_dim3A_47 = vector.broadcast %broadcast_in_dim3A : f32 to vector<16xf32>
      %swap3A = arith.index_cast %scan3A_46 : i32 to index
      %swap3A_48 = arith.constant 0 : index
      %swap3A_49 = tpu.vector_load %arg6[%swap3A, %swap3A_48] {strides = array<i32>} : memref<632x16xf32, #tpu.memory_space<vmem>>, vector<1x16xf32>,
      %swap3A_50 = vector.shape_cast %swap3A_49 : vector<1x16xf32> to vector<16xf32>
      %swap3A_51 = vector.shape_cast %broadcast_in_dim3A_47 : vector<16xf32> to vector<1x16xf32>
      tpu.vector_store %arg6[%swap3A, %swap3A_48], %swap3A_51 {strides = array<i32>} : memref<632x16xf32, #tpu.memory_space<vmem>>, vector<1x16xf32>,
    }
    %scan3A_16 = arith.constant 632 : i32
    %scan3A_17 = arith.constant 0 : i32
    %scan3A_18 = arith.constant 0 : i32
    %scan3A_19 = arith.constant 128 : i32
    %scan3A_20 = arith.addi %scan3A_18, %scan3A_19 : i32
    %scan3A_21 = arith.constant 1 : i32
    scf.for %scan3A_46 = %scan3A_18 to %scan3A_20 step %scan3A_21  : i32 {
      %broadcast_in_dim3A = arith.constant 1.000000e+00 : f32
      %broadcast_in_dim3A_47 = vector.broadcast %broadcast_in_dim3A : f32 to vector<16xf32>
      %swap3A = arith.index_cast %scan3A_46 : i32 to index
      %swap3A_48 = arith.constant 0 : index
      %swap3A_49 = tpu.vector_load %arg5[%swap3A, %swap3A_48] {strides = array<i32>} : memref<128x16xf32, #tpu.memory_space<vmem>>, vector<1x16xf32>,
      %swap3A_50 = vector.shape_cast %swap3A_49 : vector<1x16xf32> to vector<16xf32>
      %swap3A_51 = vector.shape_cast %broadcast_in_dim3A_47 : vector<16xf32> to vector<1x16xf32>
      tpu.vector_store %arg5[%swap3A, %swap3A_48], %swap3A_51 {strides = array<i32>} : memref<128x16xf32, #tpu.memory_space<vmem>>, vector<1x16xf32>,
    }
    %scan3A_22 = arith.constant 128 : i32
    %dma_wait3A = arith.constant 1 : i32
    %dma_wait3A_23 = arith.constant 0 : i32
    %dma_wait3A_24 = arith.constant 0 : i32
    %dma_wait3A_25 = tpu.memref_slice %arg2[%dma_wait3A, %dma_wait3A_23, %dma_wait3A_24] : memref<2x2500x128xi32, #tpu.memory_space<hbm>> -> memref<1x79x128xi32, #tpu.memory_space<hbm>>
    %dma_wait3A_26 = tpu.memref_squeeze %dma_wait3A_25 : memref<1x79x128xi32, #tpu.memory_space<hbm>> -> memref<79x128xi32, #tpu.memory_space<hbm>>
    %dma_wait3A_27 = arith.constant 0 : i32
    %dma_wait3A_28 = arith.constant 0 : i32
    %dma_wait3A_29 = tpu.memref_slice %arg2[%dma_wait3A, %dma_wait3A_27, %dma_wait3A_28] : memref<2x2500x128xi32, #tpu.memory_space<hbm>> -> memref<1x79x128xi32, #tpu.memory_space<hbm>>
    %dma_wait3A_30 = tpu.memref_squeeze %dma_wait3A_29 : memref<1x79x128xi32, #tpu.memory_space<hbm>> -> memref<79x128xi32, #tpu.memory_space<hbm>>
    tpu.wait_dma2 semaphore(%arg7 : memref<!tpu.dma_semaphore, #tpu.memory_space<semaphore_mem>>) src(%dma_wait3A_30 : memref<79x128xi32, #tpu.memory_space<hbm>>) dst(%arg4 : memref<79x128xi32, #tpu.memory_space<vmem>>)
    %mul3A_31 = arith.constant 632 : i32
    %mul3A_32 = arith.muli %arg1, %mul3A_31 : i32
    "tpu.region"() ({
      %run_scoped3A = tpu.sem_alloc : memref<!tpu.dma_semaphore, #tpu.memory_space<semaphore_mem>>
      %dma_start3A_46 = arith.constant 0 : i32
      %dma_start3A_47 = tpu.memref_slice %arg8[%mul3A_32, %dma_start3A_46] : memref<10112x16xf32, #tpu.memory_space<vmem_shared>> -> memref<632x16xf32, #tpu.memory_space<vmem_shared>>
      %dma_start3A_48 = arith.constant 0 : i32
      %dma_start3A_49 = tpu.memref_slice %arg8[%mul3A_32, %dma_start3A_48] : memref<10112x16xf32, #tpu.memory_space<vmem_shared>> -> memref<632x16xf32, #tpu.memory_space<vmem_shared>>
      tpu.enqueue_dma source(%arg6 : memref<632x16xf32, #tpu.memory_space<vmem>>) target(%dma_start3A_49 : memref<632x16xf32, #tpu.memory_space<vmem_shared>>) target_semaphore(%run_scoped3A : memref<!tpu.dma_semaphore, #tpu.memory_space<semaphore_mem>>)
      %dma_wait3A_50 = arith.constant 0 : i32
      %dma_wait3A_51 = tpu.memref_slice %arg8[%mul3A_32, %dma_wait3A_50] : memref<10112x16xf32, #tpu.memory_space<vmem_shared>> -> memref<632x16xf32, #tpu.memory_space<vmem_shared>>
      %dma_wait3A_52 = arith.constant 0 : i32
      %dma_wait3A_53 = tpu.memref_slice %arg8[%mul3A_32, %dma_wait3A_52] : memref<10112x16xf32, #tpu.memory_space<vmem_shared>> -> memref<632x16xf32, #tpu.memory_space<vmem_shared>>
      tpu.wait_dma2 semaphore(%run_scoped3A : memref<!tpu.dma_semaphore, #tpu.memory_space<semaphore_mem>>) src(%arg6 : memref<632x16xf32, #tpu.memory_space<vmem>>) dst(%dma_wait3A_53 : memref<632x16xf32, #tpu.memory_space<vmem_shared>>)
      tpu.yield
    }) : () -> ()
    %barrier3A = arith.constant 0 : index
    tpu.barrier barrier_id(%barrier3A)
    %scan3A_33 = arith.constant 0 : i32
    %scan3A_34 = arith.constant 0 : i32
    %scan3A_35 = arith.constant 6 : i32
    %scan3A_36 = arith.addi %scan3A_34, %scan3A_35 : i32
    %scan3A_37 = arith.constant 1 : i32
    scf.for %scan3A_46 = %scan3A_34 to %scan3A_36 step %scan3A_37  : i32 {
      %mul3A_47 = arith.constant 13 : i32
      %mul3A_48 = arith.muli %scan3A_46, %mul3A_47 : i32
      %add3A_49 = arith.constant 0 : i32
      %add3A_50 = arith.addi %mul3A_48, %add3A_49 : i32
      %dma_start3A_51 = arith.constant 0 : i32
      %dma_start3A_52 = tpu.memref_slice %arg4[%add3A_50, %dma_start3A_51] : memref<79x128xi32, #tpu.memory_space<vmem>> -> memref<1x128xi32, #tpu.memory_space<vmem>>
      %dma_start3A_53 = tpu.memref_squeeze %dma_start3A_52 : memref<1x128xi32, #tpu.memory_space<vmem>> -> memref<128xi32, #tpu.memory_space<vmem>>
      %dma_start3A_54 = arith.constant 0 : i32
      %dma_start3A_55 = arith.constant 0 : i32
      %dma_start3A_56 = tpu.memref_slice %arg8[%dma_start3A_54, %dma_start3A_55] : memref<10112x16xf32, #tpu.memory_space<vmem_shared>> -> memref<10112x16xf32, #tpu.memory_space<vmem_shared>>
      tpu.enqueue_indirect_dma source(%arg5 : memref<128x16xf32, #tpu.memory_space<vmem>>) target(%dma_start3A_56 : memref<10112x16xf32, #tpu.memory_space<vmem_shared>>) offsets(%dma_start3A_53 : memref<128xi32, #tpu.memory_space<vmem>>) semaphore(%arg7 : memref<!tpu.dma_semaphore, #tpu.memory_space<semaphore_mem>>) {add = true}
      %mul3A_57 = arith.constant 13 : i32
      %mul3A_58 = arith.muli %scan3A_46, %mul3A_57 : i32
      %add3A_59 = arith.constant 1 : i32
      %add3A_60 = arith.addi %mul3A_58, %add3A_59 : i32
      %dma_start3A_61 = arith.constant 0 : i32
      %dma_start3A_62 = tpu.memref_slice %arg4[%add3A_60, %dma_start3A_61] : memref<79x128xi32, #tpu.memory_space<vmem>> -> memref<1x128xi32, #tpu.memory_space<vmem>>
      %dma_start3A_63 = tpu.memref_squeeze %dma_start3A_62 : memref<1x128xi32, #tpu.memory_space<vmem>> -> memref<128xi32, #tpu.memory_space<vmem>>
      %dma_start3A_64 = arith.constant 0 : i32
      %dma_start3A_65 = arith.constant 0 : i32
      %dma_start3A_66 = tpu.memref_slice %arg8[%dma_start3A_64, %dma_start3A_65] : memref<10112x16xf32, #tpu.memory_space<vmem_shared>> -> memref<10112x16xf32, #tpu.memory_space<vmem_shared>>
      tpu.enqueue_indirect_dma source(%arg5 : memref<128x16xf32, #tpu.memory_space<vmem>>) target(%dma_start3A_66 : memref<10112x16xf32, #tpu.memory_space<vmem_shared>>) offsets(%dma_start3A_63 : memref<128xi32, #tpu.memory_space<vmem>>) semaphore(%arg7 : memref<!tpu.dma_semaphore, #tpu.memory_space<semaphore_mem>>) {add = true}
      %mul3A_67 = arith.constant 13 : i32
      %mul3A_68 = arith.muli %scan3A_46, %mul3A_67 : i32
      %add3A_69 = arith.constant 2 : i32
      %add3A_70 = arith.addi %mul3A_68, %add3A_69 : i32
      %dma_start3A_71 = arith.constant 0 : i32
      %dma_start3A_72 = tpu.memref_slice %arg4[%add3A_70, %dma_start3A_71] : memref<79x128xi32, #tpu.memory_space<vmem>> -> memref<1x128xi32, #tpu.memory_space<vmem>>
      %dma_start3A_73 = tpu.memref_squeeze %dma_start3A_72 : memref<1x128xi32, #tpu.memory_space<vmem>> -> memref<128xi32, #tpu.memory_space<vmem>>
      %dma_start3A_74 = arith.constant 0 : i32
      %dma_start3A_75 = arith.constant 0 : i32
      %dma_start3A_76 = tpu.memref_slice %arg8[%dma_start3A_74, %dma_start3A_75] : memref<10112x16xf32, #tpu.memory_space<vmem_shared>> -> memref<10112x16xf32, #tpu.memory_space<vmem_shared>>
      tpu.enqueue_indirect_dma source(%arg5 : memref<128x16xf32, #tpu.memory_space<vmem>>) target(%dma_start3A_76 : memref<10112x16xf32, #tpu.memory_space<vmem_shared>>) offsets(%dma_start3A_73 : memref<128xi32, #tpu.memory_space<vmem>>) semaphore(%arg7 : memref<!tpu.dma_semaphore, #tpu.memory_space<semaphore_mem>>) {add = true}
      %mul3A_77 = arith.constant 13 : i32
      %mul3A_78 = arith.muli %scan3A_46, %mul3A_77 : i32
      %add3A_79 = arith.constant 3 : i32
      %add3A_80 = arith.addi %mul3A_78, %add3A_79 : i32
      %dma_start3A_81 = arith.constant 0 : i32
      %dma_start3A_82 = tpu.memref_slice %arg4[%add3A_80, %dma_start3A_81] : memref<79x128xi32, #tpu.memory_space<vmem>> -> memref<1x128xi32, #tpu.memory_space<vmem>>
      %dma_start3A_83 = tpu.memref_squeeze %dma_start3A_82 : memref<1x128xi32, #tpu.memory_space<vmem>> -> memref<128xi32, #tpu.memory_space<vmem>>
      %dma_start3A_84 = arith.constant 0 : i32
      %dma_start3A_85 = arith.constant 0 : i32
      %dma_start3A_86 = tpu.memref_slice %arg8[%dma_start3A_84, %dma_start3A_85] : memref<10112x16xf32, #tpu.memory_space<vmem_shared>> -> memref<10112x16xf32, #tpu.memory_space<vmem_shared>>
      tpu.enqueue_indirect_dma source(%arg5 : memref<128x16xf32, #tpu.memory_space<vmem>>) target(%dma_start3A_86 : memref<10112x16xf32, #tpu.memory_space<vmem_shared>>) offsets(%dma_start3A_83 : memref<128xi32, #tpu.memory_space<vmem>>) semaphore(%arg7 : memref<!tpu.dma_semaphore, #tpu.memory_space<semaphore_mem>>) {add = true}
      %mul3A_87 = arith.constant 13 : i32
      %mul3A_88 = arith.muli %scan3A_46, %mul3A_87 : i32
      %add3A_89 = arith.constant 4 : i32
      %add3A_90 = arith.addi %mul3A_88, %add3A_89 : i32
      %dma_start3A_91 = arith.constant 0 : i32
      %dma_start3A_92 = tpu.memref_slice %arg4[%add3A_90, %dma_start3A_91] : memref<79x128xi32, #tpu.memory_space<vmem>> -> memref<1x128xi32, #tpu.memory_space<vmem>>
      %dma_start3A_93 = tpu.memref_squeeze %dma_start3A_92 : memref<1x128xi32, #tpu.memory_space<vmem>> -> memref<128xi32, #tpu.memory_space<vmem>>
      %dma_start3A_94 = arith.constant 0 : i32
      %dma_start3A_95 = arith.constant 0 : i32
      %dma_start3A_96 = tpu.memref_slice %arg8[%dma_start3A_94, %dma_start3A_95] : memref<10112x16xf32, #tpu.memory_space<vmem_shared>> -> memref<10112x16xf32, #tpu.memory_space<vmem_shared>>
      tpu.enqueue_indirect_dma source(%arg5 : memref<128x16xf32, #tpu.memory_space<vmem>>) target(%dma_start3A_96 : memref<10112x16xf32, #tpu.memory_space<vmem_shared>>) offsets(%dma_start3A_93 : memref<128xi32, #tpu.memory_space<vmem>>) semaphore(%arg7 : memref<!tpu.dma_semaphore, #tpu.memory_space<semaphore_mem>>) {add = true}
      %mul3A_97 = arith.constant 13 : i32
      %mul3A_98 = arith.muli %scan3A_46, %mul3A_97 : i32
      %add3A_99 = arith.constant 5 : i32
      %add3A_100 = arith.addi %mul3A_98, %add3A_99 : i32
      %dma_start3A_101 = arith.constant 0 : i32
      %dma_start3A_102 = tpu.memref_slice %arg4[%add3A_100, %dma_start3A_101] : memref<79x128xi32, #tpu.memory_space<vmem>> -> memref<1x128xi32, #tpu.memory_space<vmem>>
      %dma_start3A_103 = tpu.memref_squeeze %dma_start3A_102 : memref<1x128xi32, #tpu.memory_space<vmem>> -> memref<128xi32, #tpu.memory_space<vmem>>
      %dma_start3A_104 = arith.constant 0 : i32
      %dma_start3A_105 = arith.constant 0 : i32
      %dma_start3A_106 = tpu.memref_slice %arg8[%dma_start3A_104, %dma_start3A_105] : memref<10112x16xf32, #tpu.memory_space<vmem_shared>> -> memref<10112x16xf32, #tpu.memory_space<vmem_shared>>
      tpu.enqueue_indirect_dma source(%arg5 : memref<128x16xf32, #tpu.memory_space<vmem>>) target(%dma_start3A_106 : memref<10112x16xf32, #tpu.memory_space<vmem_shared>>) offsets(%dma_start3A_103 : memref<128xi32, #tpu.memory_space<vmem>>) semaphore(%arg7 : memref<!tpu.dma_semaphore, #tpu.memory_space<semaphore_mem>>) {add = true}
      %mul3A_107 = arith.constant 13 : i32
      %mul3A_108 = arith.muli %scan3A_46, %mul3A_107 : i32
      %add3A_109 = arith.constant 6 : i32
      %add3A_110 = arith.addi %mul3A_108, %add3A_109 : i32
      %dma_start3A_111 = arith.constant 0 : i32
      %dma_start3A_112 = tpu.memref_slice %arg4[%add3A_110, %dma_start3A_111] : memref<79x128xi32, #tpu.memory_space<vmem>> -> memref<1x128xi32, #tpu.memory_space<vmem>>
      %dma_start3A_113 = tpu.memref_squeeze %dma_start3A_112 : memref<1x128xi32, #tpu.memory_space<vmem>> -> memref<128xi32, #tpu.memory_space<vmem>>
      %dma_start3A_114 = arith.constant 0 : i32
      %dma_start3A_115 = arith.constant 0 : i32
      %dma_start3A_116 = tpu.memref_slice %arg8[%dma_start3A_114, %dma_start3A_115] : memref<10112x16xf32, #tpu.memory_space<vmem_shared>> -> memref<10112x16xf32, #tpu.memory_space<vmem_shared>>
      tpu.enqueue_indirect_dma source(%arg5 : memref<128x16xf32, #tpu.memory_space<vmem>>) target(%dma_start3A_116 : memref<10112x16xf32, #tpu.memory_space<vmem_shared>>) offsets(%dma_start3A_113 : memref<128xi32, #tpu.memory_space<vmem>>) semaphore(%arg7 : memref<!tpu.dma_semaphore, #tpu.memory_space<semaphore_mem>>) {add = true}
      %mul3A_117 = arith.constant 13 : i32
      %mul3A_118 = arith.muli %scan3A_46, %mul3A_117 : i32
      %add3A_119 = arith.constant 7 : i32
      %add3A_120 = arith.addi %mul3A_118, %add3A_119 : i32
      %dma_start3A_121 = arith.constant 0 : i32
      %dma_start3A_122 = tpu.memref_slice %arg4[%add3A_120, %dma_start3A_121] : memref<79x128xi32, #tpu.memory_space<vmem>> -> memref<1x128xi32, #tpu.memory_space<vmem>>
      %dma_start3A_123 = tpu.memref_squeeze %dma_start3A_122 : memref<1x128xi32, #tpu.memory_space<vmem>> -> memref<128xi32, #tpu.memory_space<vmem>>
      %dma_start3A_124 = arith.constant 0 : i32
      %dma_start3A_125 = arith.constant 0 : i32
      %dma_start3A_126 = tpu.memref_slice %arg8[%dma_start3A_124, %dma_start3A_125] : memref<10112x16xf32, #tpu.memory_space<vmem_shared>> -> memref<10112x16xf32, #tpu.memory_space<vmem_shared>>
      tpu.enqueue_indirect_dma source(%arg5 : memref<128x16xf32, #tpu.memory_space<vmem>>) target(%dma_start3A_126 : memref<10112x16xf32, #tpu.memory_space<vmem_shared>>) offsets(%dma_start3A_123 : memref<128xi32, #tpu.memory_space<vmem>>) semaphore(%arg7 : memref<!tpu.dma_semaphore, #tpu.memory_space<semaphore_mem>>) {add = true}
      %mul3A_127 = arith.constant 13 : i32
      %mul3A_128 = arith.muli %scan3A_46, %mul3A_127 : i32
      %add3A_129 = arith.constant 8 : i32
      %add3A_130 = arith.addi %mul3A_128, %add3A_129 : i32
      %dma_start3A_131 = arith.constant 0 : i32
      %dma_start3A_132 = tpu.memref_slice %arg4[%add3A_130, %dma_start3A_131] : memref<79x128xi32, #tpu.memory_space<vmem>> -> memref<1x128xi32, #tpu.memory_space<vmem>>
      %dma_start3A_133 = tpu.memref_squeeze %dma_start3A_132 : memref<1x128xi32, #tpu.memory_space<vmem>> -> memref<128xi32, #tpu.memory_space<vmem>>
      %dma_start3A_134 = arith.constant 0 : i32
      %dma_start3A_135 = arith.constant 0 : i32
      %dma_start3A_136 = tpu.memref_slice %arg8[%dma_start3A_134, %dma_start3A_135] : memref<10112x16xf32, #tpu.memory_space<vmem_shared>> -> memref<10112x16xf32, #tpu.memory_space<vmem_shared>>
      tpu.enqueue_indirect_dma source(%arg5 : memref<128x16xf32, #tpu.memory_space<vmem>>) target(%dma_start3A_136 : memref<10112x16xf32, #tpu.memory_space<vmem_shared>>) offsets(%dma_start3A_133 : memref<128xi32, #tpu.memory_space<vmem>>) semaphore(%arg7 : memref<!tpu.dma_semaphore, #tpu.memory_space<semaphore_mem>>) {add = true}
      %mul3A_137 = arith.constant 13 : i32
      %mul3A_138 = arith.muli %scan3A_46, %mul3A_137 : i32
      %add3A_139 = arith.constant 9 : i32
      %add3A_140 = arith.addi %mul3A_138, %add3A_139 : i32
      %dma_start3A_141 = arith.constant 0 : i32
      %dma_start3A_142 = tpu.memref_slice %arg4[%add3A_140, %dma_start3A_141] : memref<79x128xi32, #tpu.memory_space<vmem>> -> memref<1x128xi32, #tpu.memory_space<vmem>>
      %dma_start3A_143 = tpu.memref_squeeze %dma_start3A_142 : memref<1x128xi32, #tpu.memory_space<vmem>> -> memref<128xi32, #tpu.memory_space<vmem>>
      %dma_start3A_144 = arith.constant 0 : i32
      %dma_start3A_145 = arith.constant 0 : i32
      %dma_start3A_146 = tpu.memref_slice %arg8[%dma_start3A_144, %dma_start3A_145] : memref<10112x16xf32, #tpu.memory_space<vmem_shared>> -> memref<10112x16xf32, #tpu.memory_space<vmem_shared>>
      tpu.enqueue_indirect_dma source(%arg5 : memref<128x16xf32, #tpu.memory_space<vmem>>) target(%dma_start3A_146 : memref<10112x16xf32, #tpu.memory_space<vmem_shared>>) offsets(%dma_start3A_143 : memref<128xi32, #tpu.memory_space<vmem>>) semaphore(%arg7 : memref<!tpu.dma_semaphore, #tpu.memory_space<semaphore_mem>>) {add = true}
      %mul3A_147 = arith.constant 13 : i32
      %mul3A_148 = arith.muli %scan3A_46, %mul3A_147 : i32
      %add3A_149 = arith.constant 10 : i32
      %add3A_150 = arith.addi %mul3A_148, %add3A_149 : i32
      %dma_start3A_151 = arith.constant 0 : i32
      %dma_start3A_152 = tpu.memref_slice %arg4[%add3A_150, %dma_start3A_151] : memref<79x128xi32, #tpu.memory_space<vmem>> -> memref<1x128xi32, #tpu.memory_space<vmem>>
      %dma_start3A_153 = tpu.memref_squeeze %dma_start3A_152 : memref<1x128xi32, #tpu.memory_space<vmem>> -> memref<128xi32, #tpu.memory_space<vmem>>
      %dma_start3A_154 = arith.constant 0 : i32
      %dma_start3A_155 = arith.constant 0 : i32
      %dma_start3A_156 = tpu.memref_slice %arg8[%dma_start3A_154, %dma_start3A_155] : memref<10112x16xf32, #tpu.memory_space<vmem_shared>> -> memref<10112x16xf32, #tpu.memory_space<vmem_shared>>
      tpu.enqueue_indirect_dma source(%arg5 : memref<128x16xf32, #tpu.memory_space<vmem>>) target(%dma_start3A_156 : memref<10112x16xf32, #tpu.memory_space<vmem_shared>>) offsets(%dma_start3A_153 : memref<128xi32, #tpu.memory_space<vmem>>) semaphore(%arg7 : memref<!tpu.dma_semaphore, #tpu.memory_space<semaphore_mem>>) {add = true}
      %mul3A_157 = arith.constant 13 : i32
      %mul3A_158 = arith.muli %scan3A_46, %mul3A_157 : i32
      %add3A_159 = arith.constant 11 : i32
      %add3A_160 = arith.addi %mul3A_158, %add3A_159 : i32
      %dma_start3A_161 = arith.constant 0 : i32
      %dma_start3A_162 = tpu.memref_slice %arg4[%add3A_160, %dma_start3A_161] : memref<79x128xi32, #tpu.memory_space<vmem>> -> memref<1x128xi32, #tpu.memory_space<vmem>>
      %dma_start3A_163 = tpu.memref_squeeze %dma_start3A_162 : memref<1x128xi32, #tpu.memory_space<vmem>> -> memref<128xi32, #tpu.memory_space<vmem>>
      %dma_start3A_164 = arith.constant 0 : i32
      %dma_start3A_165 = arith.constant 0 : i32
      %dma_start3A_166 = tpu.memref_slice %arg8[%dma_start3A_164, %dma_start3A_165] : memref<10112x16xf32, #tpu.memory_space<vmem_shared>> -> memref<10112x16xf32, #tpu.memory_space<vmem_shared>>
      tpu.enqueue_indirect_dma source(%arg5 : memref<128x16xf32, #tpu.memory_space<vmem>>) target(%dma_start3A_166 : memref<10112x16xf32, #tpu.memory_space<vmem_shared>>) offsets(%dma_start3A_163 : memref<128xi32, #tpu.memory_space<vmem>>) semaphore(%arg7 : memref<!tpu.dma_semaphore, #tpu.memory_space<semaphore_mem>>) {add = true}
      %mul3A_167 = arith.constant 13 : i32
      %mul3A_168 = arith.muli %scan3A_46, %mul3A_167 : i32
      %add3A_169 = arith.constant 12 : i32
      %add3A_170 = arith.addi %mul3A_168, %add3A_169 : i32
      %dma_start3A_171 = arith.constant 0 : i32
      %dma_start3A_172 = tpu.memref_slice %arg4[%add3A_170, %dma_start3A_171] : memref<79x128xi32, #tpu.memory_space<vmem>> -> memref<1x128xi32, #tpu.memory_space<vmem>>
      %dma_start3A_173 = tpu.memref_squeeze %dma_start3A_172 : memref<1x128xi32, #tpu.memory_space<vmem>> -> memref<128xi32, #tpu.memory_space<vmem>>
      %dma_start3A_174 = arith.constant 0 : i32
      %dma_start3A_175 = arith.constant 0 : i32
      %dma_start3A_176 = tpu.memref_slice %arg8[%dma_start3A_174, %dma_start3A_175] : memref<10112x16xf32, #tpu.memory_space<vmem_shared>> -> memref<10112x16xf32, #tpu.memory_space<vmem_shared>>
      tpu.enqueue_indirect_dma source(%arg5 : memref<128x16xf32, #tpu.memory_space<vmem>>) target(%dma_start3A_176 : memref<10112x16xf32, #tpu.memory_space<vmem_shared>>) offsets(%dma_start3A_173 : memref<128xi32, #tpu.memory_space<vmem>>) semaphore(%arg7 : memref<!tpu.dma_semaphore, #tpu.memory_space<semaphore_mem>>) {add = true}
      %dma_wait3A_177 = arith.constant 0 : i32
      %dma_wait3A_178 = arith.constant 0 : i32
      %dma_wait3A_179 = tpu.memref_slice %arg4[%dma_wait3A_177, %dma_wait3A_178] : memref<79x128xi32, #tpu.memory_space<vmem>> -> memref<1x128xi32, #tpu.memory_space<vmem>>
      %dma_wait3A_180 = tpu.memref_squeeze %dma_wait3A_179 : memref<1x128xi32, #tpu.memory_space<vmem>> -> memref<128xi32, #tpu.memory_space<vmem>>
      %dma_wait3A_181 = arith.constant 0 : i32
      %dma_wait3A_182 = arith.constant 0 : i32
      %dma_wait3A_183 = tpu.memref_slice %arg8[%dma_wait3A_181, %dma_wait3A_182] : memref<10112x16xf32, #tpu.memory_space<vmem_shared>> -> memref<10112x16xf32, #tpu.memory_space<vmem_shared>>
      tpu.wait_indirect_dma semaphore(%arg7 : memref<!tpu.dma_semaphore, #tpu.memory_space<semaphore_mem>>) src(%arg5 : memref<128x16xf32, #tpu.memory_space<vmem>>) dst(%dma_wait3A_183 : memref<10112x16xf32, #tpu.memory_space<vmem_shared>>)
      %dma_wait3A_184 = arith.constant 0 : i32
      %dma_wait3A_185 = arith.constant 0 : i32
      %dma_wait3A_186 = tpu.memref_slice %arg4[%dma_wait3A_184, %dma_wait3A_185] : memref<79x128xi32, #tpu.memory_space<vmem>> -> memref<1x128xi32, #tpu.memory_space<vmem>>
      %dma_wait3A_187 = tpu.memref_squeeze %dma_wait3A_186 : memref<1x128xi32, #tpu.memory_space<vmem>> -> memref<128xi32, #tpu.memory_space<vmem>>
      %dma_wait3A_188 = arith.constant 0 : i32
      %dma_wait3A_189 = arith.constant 0 : i32
      %dma_wait3A_190 = tpu.memref_slice %arg8[%dma_wait3A_188, %dma_wait3A_189] : memref<10112x16xf32, #tpu.memory_space<vmem_shared>> -> memref<10112x16xf32, #tpu.memory_space<vmem_shared>>
      tpu.wait_indirect_dma semaphore(%arg7 : memref<!tpu.dma_semaphore, #tpu.memory_space<semaphore_mem>>) src(%arg5 : memref<128x16xf32, #tpu.memory_space<vmem>>) dst(%dma_wait3A_190 : memref<10112x16xf32, #tpu.memory_space<vmem_shared>>)
      %dma_wait3A_191 = arith.constant 0 : i32
      %dma_wait3A_192 = arith.constant 0 : i32
      %dma_wait3A_193 = tpu.memref_slice %arg4[%dma_wait3A_191, %dma_wait3A_192] : memref<79x128xi32, #tpu.memory_space<vmem>> -> memref<1x128xi32, #tpu.memory_space<vmem>>
      %dma_wait3A_194 = tpu.memref_squeeze %dma_wait3A_193 : memref<1x128xi32, #tpu.memory_space<vmem>> -> memref<128xi32, #tpu.memory_space<vmem>>
      %dma_wait3A_195 = arith.constant 0 : i32
      %dma_wait3A_196 = arith.constant 0 : i32
      %dma_wait3A_197 = tpu.memref_slice %arg8[%dma_wait3A_195, %dma_wait3A_196] : memref<10112x16xf32, #tpu.memory_space<vmem_shared>> -> memref<10112x16xf32, #tpu.memory_space<vmem_shared>>
      tpu.wait_indirect_dma semaphore(%arg7 : memref<!tpu.dma_semaphore, #tpu.memory_space<semaphore_mem>>) src(%arg5 : memref<128x16xf32, #tpu.memory_space<vmem>>) dst(%dma_wait3A_197 : memref<10112x16xf32, #tpu.memory_space<vmem_shared>>)
      %dma_wait3A_198 = arith.constant 0 : i32
      %dma_wait3A_199 = arith.constant 0 : i32
      %dma_wait3A_200 = tpu.memref_slice %arg4[%dma_wait3A_198, %dma_wait3A_199] : memref<79x128xi32, #tpu.memory_space<vmem>> -> memref<1x128xi32, #tpu.memory_space<vmem>>
      %dma_wait3A_201 = tpu.memref_squeeze %dma_wait3A_200 : memref<1x128xi32, #tpu.memory_space<vmem>> -> memref<128xi32, #tpu.memory_space<vmem>>
      %dma_wait3A_202 = arith.constant 0 : i32
      %dma_wait3A_203 = arith.constant 0 : i32
      %dma_wait3A_204 = tpu.memref_slice %arg8[%dma_wait3A_202, %dma_wait3A_203] : memref<10112x16xf32, #tpu.memory_space<vmem_shared>> -> memref<10112x16xf32, #tpu.memory_space<vmem_shared>>
      tpu.wait_indirect_dma semaphore(%arg7 : memref<!tpu.dma_semaphore, #tpu.memory_space<semaphore_mem>>) src(%arg5 : memref<128x16xf32, #tpu.memory_space<vmem>>) dst(%dma_wait3A_204 : memref<10112x16xf32, #tpu.memory_space<vmem_shared>>)
      %dma_wait3A_205 = arith.constant 0 : i32
      %dma_wait3A_206 = arith.constant 0 : i32
      %dma_wait3A_207 = tpu.memref_slice %arg4[%dma_wait3A_205, %dma_wait3A_206] : memref<79x128xi32, #tpu.memory_space<vmem>> -> memref<1x128xi32, #tpu.memory_space<vmem>>
      %dma_wait3A_208 = tpu.memref_squeeze %dma_wait3A_207 : memref<1x128xi32, #tpu.memory_space<vmem>> -> memref<128xi32, #tpu.memory_space<vmem>>
      %dma_wait3A_209 = arith.constant 0 : i32
      %dma_wait3A_210 = arith.constant 0 : i32
      %dma_wait3A_211 = tpu.memref_slice %arg8[%dma_wait3A_209, %dma_wait3A_210] : memref<10112x16xf32, #tpu.memory_space<vmem_shared>> -> memref<10112x16xf32, #tpu.memory_space<vmem_shared>>
      tpu.wait_indirect_dma semaphore(%arg7 : memref<!tpu.dma_semaphore, #tpu.memory_space<semaphore_mem>>) src(%arg5 : memref<128x16xf32, #tpu.memory_space<vmem>>) dst(%dma_wait3A_211 : memref<10112x16xf32, #tpu.memory_space<vmem_shared>>)
      %dma_wait3A_212 = arith.constant 0 : i32
      %dma_wait3A_213 = arith.constant 0 : i32
      %dma_wait3A_214 = tpu.memref_slice %arg4[%dma_wait3A_212, %dma_wait3A_213] : memref<79x128xi32, #tpu.memory_space<vmem>> -> memref<1x128xi32, #tpu.memory_space<vmem>>
      %dma_wait3A_215 = tpu.memref_squeeze %dma_wait3A_214 : memref<1x128xi32, #tpu.memory_space<vmem>> -> memref<128xi32, #tpu.memory_space<vmem>>
      %dma_wait3A_216 = arith.constant 0 : i32
      %dma_wait3A_217 = arith.constant 0 : i32
      %dma_wait3A_218 = tpu.memref_slice %arg8[%dma_wait3A_216, %dma_wait3A_217] : memref<10112x16xf32, #tpu.memory_space<vmem_shared>> -> memref<10112x16xf32, #tpu.memory_space<vmem_shared>>
      tpu.wait_indirect_dma semaphore(%arg7 : memref<!tpu.dma_semaphore, #tpu.memory_space<semaphore_mem>>) src(%arg5 : memref<128x16xf32, #tpu.memory_space<vmem>>) dst(%dma_wait3A_218 : memref<10112x16xf32, #tpu.memory_space<vmem_shared>>)
      %dma_wait3A_219 = arith.constant 0 : i32
      %dma_wait3A_220 = arith.constant 0 : i32
      %dma_wait3A_221 = tpu.memref_slice %arg4[%dma_wait3A_219, %dma_wait3A_220] : memref<79x128xi32, #tpu.memory_space<vmem>> -> memref<1x128xi32, #tpu.memory_space<vmem>>
      %dma_wait3A_222 = tpu.memref_squeeze %dma_wait3A_221 : memref<1x128xi32, #tpu.memory_space<vmem>> -> memref<128xi32, #tpu.memory_space<vmem>>
      %dma_wait3A_223 = arith.constant 0 : i32
      %dma_wait3A_224 = arith.constant 0 : i32
      %dma_wait3A_225 = tpu.memref_slice %arg8[%dma_wait3A_223, %dma_wait3A_224] : memref<10112x16xf32, #tpu.memory_space<vmem_shared>> -> memref<10112x16xf32, #tpu.memory_space<vmem_shared>>
      tpu.wait_indirect_dma semaphore(%arg7 : memref<!tpu.dma_semaphore, #tpu.memory_space<semaphore_mem>>) src(%arg5 : memref<128x16xf32, #tpu.memory_space<vmem>>) dst(%dma_wait3A_225 : memref<10112x16xf32, #tpu.memory_space<vmem_shared>>)
      %dma_wait3A_226 = arith.constant 0 : i32
      %dma_wait3A_227 = arith.constant 0 : i32
      %dma_wait3A_228 = tpu.memref_slice %arg4[%dma_wait3A_226, %dma_wait3A_227] : memref<79x128xi32, #tpu.memory_space<vmem>> -> memref<1x128xi32, #tpu.memory_space<vmem>>
      %dma_wait3A_229 = tpu.memref_squeeze %dma_wait3A_228 : memref<1x128xi32, #tpu.memory_space<vmem>> -> memref<128xi32, #tpu.memory_space<vmem>>
      %dma_wait3A_230 = arith.constant 0 : i32
      %dma_wait3A_231 = arith.constant 0 : i32
      %dma_wait3A_232 = tpu.memref_slice %arg8[%dma_wait3A_230, %dma_wait3A_231] : memref<10112x16xf32, #tpu.memory_space<vmem_shared>> -> memref<10112x16xf32, #tpu.memory_space<vmem_shared>>
      tpu.wait_indirect_dma semaphore(%arg7 : memref<!tpu.dma_semaphore, #tpu.memory_space<semaphore_mem>>) src(%arg5 : memref<128x16xf32, #tpu.memory_space<vmem>>) dst(%dma_wait3A_232 : memref<10112x16xf32, #tpu.memory_space<vmem_shared>>)
      %dma_wait3A_233 = arith.constant 0 : i32
      %dma_wait3A_234 = arith.constant 0 : i32
      %dma_wait3A_235 = tpu.memref_slice %arg4[%dma_wait3A_233, %dma_wait3A_234] : memref<79x128xi32, #tpu.memory_space<vmem>> -> memref<1x128xi32, #tpu.memory_space<vmem>>
      %dma_wait3A_236 = tpu.memref_squeeze %dma_wait3A_235 : memref<1x128xi32, #tpu.memory_space<vmem>> -> memref<128xi32, #tpu.memory_space<vmem>>
      %dma_wait3A_237 = arith.constant 0 : i32
      %dma_wait3A_238 = arith.constant 0 : i32
      %dma_wait3A_239 = tpu.memref_slice %arg8[%dma_wait3A_237, %dma_wait3A_238] : memref<10112x16xf32, #tpu.memory_space<vmem_shared>> -> memref<10112x16xf32, #tpu.memory_space<vmem_shared>>
      tpu.wait_indirect_dma semaphore(%arg7 : memref<!tpu.dma_semaphore, #tpu.memory_space<semaphore_mem>>) src(%arg5 : memref<128x16xf32, #tpu.memory_space<vmem>>) dst(%dma_wait3A_239 : memref<10112x16xf32, #tpu.memory_space<vmem_shared>>)
      %dma_wait3A_240 = arith.constant 0 : i32
      %dma_wait3A_241 = arith.constant 0 : i32
      %dma_wait3A_242 = tpu.memref_slice %arg4[%dma_wait3A_240, %dma_wait3A_241] : memref<79x128xi32, #tpu.memory_space<vmem>> -> memref<1x128xi32, #tpu.memory_space<vmem>>
      %dma_wait3A_243 = tpu.memref_squeeze %dma_wait3A_242 : memref<1x128xi32, #tpu.memory_space<vmem>> -> memref<128xi32, #tpu.memory_space<vmem>>
      %dma_wait3A_244 = arith.constant 0 : i32
      %dma_wait3A_245 = arith.constant 0 : i32
      %dma_wait3A_246 = tpu.memref_slice %arg8[%dma_wait3A_244, %dma_wait3A_245] : memref<10112x16xf32, #tpu.memory_space<vmem_shared>> -> memref<10112x16xf32, #tpu.memory_space<vmem_shared>>
      tpu.wait_indirect_dma semaphore(%arg7 : memref<!tpu.dma_semaphore, #tpu.memory_space<semaphore_mem>>) src(%arg5 : memref<128x16xf32, #tpu.memory_space<vmem>>) dst(%dma_wait3A_246 : memref<10112x16xf32, #tpu.memory_space<vmem_shared>>)
      %dma_wait3A_247 = arith.constant 0 : i32
      %dma_wait3A_248 = arith.constant 0 : i32
      %dma_wait3A_249 = tpu.memref_slice %arg4[%dma_wait3A_247, %dma_wait3A_248] : memref<79x128xi32, #tpu.memory_space<vmem>> -> memref<1x128xi32, #tpu.memory_space<vmem>>
      %dma_wait3A_250 = tpu.memref_squeeze %dma_wait3A_249 : memref<1x128xi32, #tpu.memory_space<vmem>> -> memref<128xi32, #tpu.memory_space<vmem>>
      %dma_wait3A_251 = arith.constant 0 : i32
      %dma_wait3A_252 = arith.constant 0 : i32
      %dma_wait3A_253 = tpu.memref_slice %arg8[%dma_wait3A_251, %dma_wait3A_252] : memref<10112x16xf32, #tpu.memory_space<vmem_shared>> -> memref<10112x16xf32, #tpu.memory_space<vmem_shared>>
      tpu.wait_indirect_dma semaphore(%arg7 : memref<!tpu.dma_semaphore, #tpu.memory_space<semaphore_mem>>) src(%arg5 : memref<128x16xf32, #tpu.memory_space<vmem>>) dst(%dma_wait3A_253 : memref<10112x16xf32, #tpu.memory_space<vmem_shared>>)
      %dma_wait3A_254 = arith.constant 0 : i32
      %dma_wait3A_255 = arith.constant 0 : i32
      %dma_wait3A_256 = tpu.memref_slice %arg4[%dma_wait3A_254, %dma_wait3A_255] : memref<79x128xi32, #tpu.memory_space<vmem>> -> memref<1x128xi32, #tpu.memory_space<vmem>>
      %dma_wait3A_257 = tpu.memref_squeeze %dma_wait3A_256 : memref<1x128xi32, #tpu.memory_space<vmem>> -> memref<128xi32, #tpu.memory_space<vmem>>
      %dma_wait3A_258 = arith.constant 0 : i32
      %dma_wait3A_259 = arith.constant 0 : i32
      %dma_wait3A_260 = tpu.memref_slice %arg8[%dma_wait3A_258, %dma_wait3A_259] : memref<10112x16xf32, #tpu.memory_space<vmem_shared>> -> memref<10112x16xf32, #tpu.memory_space<vmem_shared>>
      tpu.wait_indirect_dma semaphore(%arg7 : memref<!tpu.dma_semaphore, #tpu.memory_space<semaphore_mem>>) src(%arg5 : memref<128x16xf32, #tpu.memory_space<vmem>>) dst(%dma_wait3A_260 : memref<10112x16xf32, #tpu.memory_space<vmem_shared>>)
      %dma_wait3A_261 = arith.constant 0 : i32
      %dma_wait3A_262 = arith.constant 0 : i32
      %dma_wait3A_263 = tpu.memref_slice %arg4[%dma_wait3A_261, %dma_wait3A_262] : memref<79x128xi32, #tpu.memory_space<vmem>> -> memref<1x128xi32, #tpu.memory_space<vmem>>
      %dma_wait3A_264 = tpu.memref_squeeze %dma_wait3A_263 : memref<1x128xi32, #tpu.memory_space<vmem>> -> memref<128xi32, #tpu.memory_space<vmem>>
      %dma_wait3A_265 = arith.constant 0 : i32
      %dma_wait3A_266 = arith.constant 0 : i32
      %dma_wait3A_267 = tpu.memref_slice %arg8[%dma_wait3A_265, %dma_wait3A_266] : memref<10112x16xf32, #tpu.memory_space<vmem_shared>> -> memref<10112x16xf32, #tpu.memory_space<vmem_shared>>
      tpu.wait_indirect_dma semaphore(%arg7 : memref<!tpu.dma_semaphore, #tpu.memory_space<semaphore_mem>>) src(%arg5 : memref<128x16xf32, #tpu.memory_space<vmem>>) dst(%dma_wait3A_267 : memref<10112x16xf32, #tpu.memory_space<vmem_shared>>)
    }
    %scan3A_38 = arith.constant 6 : i32
    %ge3A = arith.constant 28 : i32
    %ge3A_39 = arith.cmpi sge, %add3A, %ge3A : i32
    %convert_element_type3A = arith.extui %ge3A_39 : i1 to i32
    %cond3A = arith.constant 0 : i32
    %cond3A_40 = arith.cmpi ne, %convert_element_type3A, %cond3A : i32
    scf.if %cond3A_40 {
      %run_scoped3A = arith.constant 78 : i32
      "tpu.region"() ({
        %run_scoped3A_46 = tpu.sem_alloc : memref<!tpu.dma_semaphore, #tpu.memory_space<semaphore_mem>>
        %dma_start3A_47 = arith.constant 0 : i32
        %dma_start3A_48 = tpu.memref_slice %arg4[%run_scoped3A, %dma_start3A_47] : memref<79x128xi32, #tpu.memory_space<vmem>> -> memref<1x128xi32, #tpu.memory_space<vmem>>
        %dma_start3A_49 = tpu.memref_squeeze %dma_start3A_48 : memref<1x128xi32, #tpu.memory_space<vmem>> -> memref<128xi32, #tpu.memory_space<vmem>>
        %dma_start3A_50 = arith.constant 0 : i32
        %dma_start3A_51 = arith.constant 0 : i32
        %dma_start3A_52 = tpu.memref_slice %arg8[%dma_start3A_50, %dma_start3A_51] : memref<10112x16xf32, #tpu.memory_space<vmem_shared>> -> memref<10112x16xf32, #tpu.memory_space<vmem_shared>>
        tpu.enqueue_indirect_dma source(%arg5 : memref<128x16xf32, #tpu.memory_space<vmem>>) target(%dma_start3A_52 : memref<10112x16xf32, #tpu.memory_space<vmem_shared>>) offsets(%dma_start3A_49 : memref<128xi32, #tpu.memory_space<vmem>>) semaphore(%run_scoped3A_46 : memref<!tpu.dma_semaphore, #tpu.memory_space<semaphore_mem>>) {add = true}
        %dma_wait3A_53 = arith.constant 0 : i32
        %dma_wait3A_54 = tpu.memref_slice %arg4[%run_scoped3A, %dma_wait3A_53] : memref<79x128xi32, #tpu.memory_space<vmem>> -> memref<1x128xi32, #tpu.memory_space<vmem>>
        %dma_wait3A_55 = tpu.memref_squeeze %dma_wait3A_54 : memref<1x128xi32, #tpu.memory_space<vmem>> -> memref<128xi32, #tpu.memory_space<vmem>>
        %dma_wait3A_56 = arith.constant 0 : i32
        %dma_wait3A_57 = arith.constant 0 : i32
        %dma_wait3A_58 = tpu.memref_slice %arg8[%dma_wait3A_56, %dma_wait3A_57] : memref<10112x16xf32, #tpu.memory_space<vmem_shared>> -> memref<10112x16xf32, #tpu.memory_space<vmem_shared>>
        tpu.wait_indirect_dma semaphore(%run_scoped3A_46 : memref<!tpu.dma_semaphore, #tpu.memory_space<semaphore_mem>>) src(%arg5 : memref<128x16xf32, #tpu.memory_space<vmem>>) dst(%dma_wait3A_58 : memref<10112x16xf32, #tpu.memory_space<vmem_shared>>)
        tpu.yield
      }) : () -> ()
    } else {
    }
    %barrier3A_41 = arith.constant 0 : index
    tpu.barrier barrier_id(%barrier3A_41)
    %mul3A_42 = arith.constant 632 : i32
    %mul3A_43 = arith.muli %arg1, %mul3A_42 : i32
    %mul3A_44 = arith.constant 632 : i32
    %mul3A_45 = arith.muli %arg1, %mul3A_44 : i32
    "tpu.region"() ({
      %run_scoped3A = tpu.sem_alloc : memref<!tpu.dma_semaphore, #tpu.memory_space<semaphore_mem>>
      %dma_start3A_46 = arith.constant 0 : i32
      %dma_start3A_47 = tpu.memref_slice %arg3[%arg0, %mul3A_45, %dma_start3A_46] : memref<2x10112x16xf32, #tpu.memory_space<hbm>> -> memref<1x632x16xf32, #tpu.memory_space<hbm>>
      %dma_start3A_48 = tpu.memref_squeeze %dma_start3A_47 : memref<1x632x16xf32, #tpu.memory_space<hbm>> -> memref<632x16xf32, #tpu.memory_space<hbm>>
      %dma_start3A_49 = arith.constant 0 : i32
      %dma_start3A_50 = tpu.memref_slice %arg8[%mul3A_43, %dma_start3A_49] : memref<10112x16xf32, #tpu.memory_space<vmem_shared>> -> memref<632x16xf32, #tpu.memory_space<vmem_shared>>
      tpu.enqueue_dma source(%dma_start3A_50 : memref<632x16xf32, #tpu.memory_space<vmem_shared>>) target(%dma_start3A_48 : memref<632x16xf32, #tpu.memory_space<hbm>>) target_semaphore(%run_scoped3A : memref<!tpu.dma_semaphore, #tpu.memory_space<semaphore_mem>>)
      %dma_wait3A_51 = arith.constant 0 : i32
      %dma_wait3A_52 = tpu.memref_slice %arg3[%arg0, %mul3A_45, %dma_wait3A_51] : memref<2x10112x16xf32, #tpu.memory_space<hbm>> -> memref<1x632x16xf32, #tpu.memory_space<hbm>>
      %dma_wait3A_53 = tpu.memref_squeeze %dma_wait3A_52 : memref<1x632x16xf32, #tpu.memory_space<hbm>> -> memref<632x16xf32, #tpu.memory_space<hbm>>
      %dma_wait3A_54 = arith.constant 0 : i32
      %dma_wait3A_55 = tpu.memref_slice %arg8[%mul3A_43, %dma_wait3A_54] : memref<10112x16xf32, #tpu.memory_space<vmem_shared>> -> memref<632x16xf32, #tpu.memory_space<vmem_shared>>
      tpu.wait_dma2 semaphore(%run_scoped3A : memref<!tpu.dma_semaphore, #tpu.memory_space<semaphore_mem>>) src(%dma_wait3A_55 : memref<632x16xf32, #tpu.memory_space<vmem_shared>>) dst(%dma_wait3A_53 : memref<632x16xf32, #tpu.memory_space<hbm>>)
      tpu.yield
    }) : () -> ()
    return
  }
}

#map = affine_map<(d0, d1) -> (0, 0, 0)>
#map1 = affine_map<(d0, d1) -> (0, 0)>
#map2 = affine_map<(d0, d1) -> (0)>
module attributes {stable_mosaic.version = 14 : i64} {
  func.func @_agg2_body(%arg0: i32, %arg1: i32, %arg2: memref<2x10112x16xf32, #tpu.memory_space<hbm>>, %arg3: memref<10112x16xf32, #tpu.memory_space<hbm>>, %arg4: memref<10112x16xf32, #tpu.memory_space<hbm>>, %arg5: memref<16xf32, #tpu.memory_space<hbm>>, %arg6: memref<2x2500x128xi32, #tpu.memory_space<hbm>>, %arg7: memref<2x10112x16xf32, #tpu.memory_space<hbm>>, %arg8: memref<10112x16xf32, #tpu.memory_space<hbm>>, %arg9: memref<79x128xi32, #tpu.memory_space<vmem>>, %arg10: memref<79x128xi32, #tpu.memory_space<vmem>>, %arg11: memref<128x16xf32, #tpu.memory_space<vmem>>, %arg12: memref<128x16xf32, #tpu.memory_space<vmem>>, %arg13: memref<632x16xf32, #tpu.memory_space<vmem>>, %arg14: memref<632x16xf32, #tpu.memory_space<vmem>>, %arg15: memref<632x16xf32, #tpu.memory_space<vmem>>, %arg16: memref<632x16xf32, #tpu.memory_space<vmem>>, %arg17: memref<632x16xf32, #tpu.memory_space<vmem>>, %arg18: memref<16xf32, #tpu.memory_space<vmem>>, %arg19: memref<!tpu.dma_semaphore, #tpu.memory_space<semaphore_mem>>, %arg20: memref<!tpu.dma_semaphore, #tpu.memory_space<semaphore_mem>>, %arg21: memref<!tpu.dma_semaphore, #tpu.memory_space<semaphore_mem>>, %arg22: memref<!tpu.dma_semaphore, #tpu.memory_space<semaphore_mem>>, %arg23: memref<10112x16xf32, #tpu.memory_space<vmem_shared>>, %arg24: memref<10112x16xf32, #tpu.memory_space<vmem_shared>>) attributes {dimension_semantics = [#tpu.dimension_semantics<core_parallel>, #tpu.dimension_semantics<subcore_parallel>], iteration_bounds = array<i64: 2, 16>, scalar_prefetch = 0 : i64, scratch_operands = 16 : i64, tpu.core_type = #tpu.core_type<sc_vector_subcore>, window_params = [{transform_indices = #map}, {transform_indices = #map1}, {transform_indices = #map1}, {transform_indices = #map2}, {transform_indices = #map}, {transform_indices = #map}, {transform_indices = #map1}]} {
    %mul3A = arith.constant 16 : i32
    %mul3A_0 = arith.muli %arg0, %mul3A : i32
    %add3A = arith.addi %mul3A_0, %arg1 : i32
    %mul3A_1 = arith.constant 632 : i32
    %mul3A_2 = arith.muli %arg1, %mul3A_1 : i32
    %dma_start3A = arith.constant 0 : i32
    %dma_start3A_3 = arith.constant 0 : i32
    %dma_start3A_4 = tpu.memref_slice %arg2[%dma_start3A, %mul3A_2, %dma_start3A_3] : memref<2x10112x16xf32, #tpu.memory_space<hbm>> -> memref<1x632x16xf32, #tpu.memory_space<hbm>>
    %dma_start3A_5 = tpu.memref_squeeze %dma_start3A_4 : memref<1x632x16xf32, #tpu.memory_space<hbm>> -> memref<632x16xf32, #tpu.memory_space<hbm>>
    %dma_start3A_6 = arith.constant 0 : i32
    %dma_start3A_7 = tpu.memref_slice %arg2[%dma_start3A, %mul3A_2, %dma_start3A_6] : memref<2x10112x16xf32, #tpu.memory_space<hbm>> -> memref<1x632x16xf32, #tpu.memory_space<hbm>>
    %dma_start3A_8 = tpu.memref_squeeze %dma_start3A_7 : memref<1x632x16xf32, #tpu.memory_space<hbm>> -> memref<632x16xf32, #tpu.memory_space<hbm>>
    tpu.enqueue_dma source(%dma_start3A_8 : memref<632x16xf32, #tpu.memory_space<hbm>>) target(%arg14 : memref<632x16xf32, #tpu.memory_space<vmem>>) target_semaphore(%arg19 : memref<!tpu.dma_semaphore, #tpu.memory_space<semaphore_mem>>)
    %dma_start3A_9 = arith.constant 1 : i32
    %dma_start3A_10 = arith.constant 0 : i32
    %dma_start3A_11 = tpu.memref_slice %arg2[%dma_start3A_9, %mul3A_2, %dma_start3A_10] : memref<2x10112x16xf32, #tpu.memory_space<hbm>> -> memref<1x632x16xf32, #tpu.memory_space<hbm>>
    %dma_start3A_12 = tpu.memref_squeeze %dma_start3A_11 : memref<1x632x16xf32, #tpu.memory_space<hbm>> -> memref<632x16xf32, #tpu.memory_space<hbm>>
    %dma_start3A_13 = arith.constant 0 : i32
    %dma_start3A_14 = tpu.memref_slice %arg2[%dma_start3A_9, %mul3A_2, %dma_start3A_13] : memref<2x10112x16xf32, #tpu.memory_space<hbm>> -> memref<1x632x16xf32, #tpu.memory_space<hbm>>
    %dma_start3A_15 = tpu.memref_squeeze %dma_start3A_14 : memref<1x632x16xf32, #tpu.memory_space<hbm>> -> memref<632x16xf32, #tpu.memory_space<hbm>>
    tpu.enqueue_dma source(%dma_start3A_15 : memref<632x16xf32, #tpu.memory_space<hbm>>) target(%arg15 : memref<632x16xf32, #tpu.memory_space<vmem>>) target_semaphore(%arg19 : memref<!tpu.dma_semaphore, #tpu.memory_space<semaphore_mem>>)
    %dma_start3A_16 = arith.constant 0 : i32
    %dma_start3A_17 = tpu.memref_slice %arg3[%mul3A_2, %dma_start3A_16] : memref<10112x16xf32, #tpu.memory_space<hbm>> -> memref<632x16xf32, #tpu.memory_space<hbm>>
    %dma_start3A_18 = arith.constant 0 : i32
    %dma_start3A_19 = tpu.memref_slice %arg3[%mul3A_2, %dma_start3A_18] : memref<10112x16xf32, #tpu.memory_space<hbm>> -> memref<632x16xf32, #tpu.memory_space<hbm>>
    tpu.enqueue_dma source(%dma_start3A_19 : memref<632x16xf32, #tpu.memory_space<hbm>>) target(%arg16 : memref<632x16xf32, #tpu.memory_space<vmem>>) target_semaphore(%arg19 : memref<!tpu.dma_semaphore, #tpu.memory_space<semaphore_mem>>)
    %dma_start3A_20 = arith.constant 0 : i32
    %dma_start3A_21 = tpu.memref_slice %arg4[%mul3A_2, %dma_start3A_20] : memref<10112x16xf32, #tpu.memory_space<hbm>> -> memref<632x16xf32, #tpu.memory_space<hbm>>
    %dma_start3A_22 = arith.constant 0 : i32
    %dma_start3A_23 = tpu.memref_slice %arg4[%mul3A_2, %dma_start3A_22] : memref<10112x16xf32, #tpu.memory_space<hbm>> -> memref<632x16xf32, #tpu.memory_space<hbm>>
    tpu.enqueue_dma source(%dma_start3A_23 : memref<632x16xf32, #tpu.memory_space<hbm>>) target(%arg17 : memref<632x16xf32, #tpu.memory_space<vmem>>) target_semaphore(%arg19 : memref<!tpu.dma_semaphore, #tpu.memory_space<semaphore_mem>>)
    tpu.enqueue_dma source(%arg5 : memref<16xf32, #tpu.memory_space<hbm>>) target(%arg18 : memref<16xf32, #tpu.memory_space<vmem>>) target_semaphore(%arg20 : memref<!tpu.dma_semaphore, #tpu.memory_space<semaphore_mem>>)
    %scan3A = arith.constant 0 : i32
    %scan3A_24 = arith.constant 0 : i32
    %scan3A_25 = arith.constant 632 : i32
    %scan3A_26 = arith.addi %scan3A_24, %scan3A_25 : i32
    %scan3A_27 = arith.constant 1 : i32
    scf.for %scan3A_135 = %scan3A_24 to %scan3A_26 step %scan3A_27  : i32 {
      %broadcast_in_dim3A = arith.constant 0.000000e+00 : f32
      %broadcast_in_dim3A_136 = vector.broadcast %broadcast_in_dim3A : f32 to vector<16xf32>
      %swap3A = arith.index_cast %scan3A_135 : i32 to index
      %swap3A_137 = arith.constant 0 : index
      %swap3A_138 = tpu.vector_load %arg13[%swap3A, %swap3A_137] {strides = array<i32>} : memref<632x16xf32, #tpu.memory_space<vmem>>, vector<1x16xf32>,
      %swap3A_139 = vector.shape_cast %swap3A_138 : vector<1x16xf32> to vector<16xf32>
      %swap3A_140 = vector.shape_cast %broadcast_in_dim3A_136 : vector<16xf32> to vector<1x16xf32>
      tpu.vector_store %arg13[%swap3A, %swap3A_137], %swap3A_140 {strides = array<i32>} : memref<632x16xf32, #tpu.memory_space<vmem>>, vector<1x16xf32>,
    }
    %scan3A_28 = arith.constant 632 : i32
    %mul3A_29 = arith.constant 632 : i32
    %mul3A_30 = arith.muli %arg1, %mul3A_29 : i32
    "tpu.region"() ({
      %run_scoped3A_135 = tpu.sem_alloc : memref<!tpu.dma_semaphore, #tpu.memory_space<semaphore_mem>>
      %dma_start3A_136 = arith.constant 0 : i32
      %dma_start3A_137 = tpu.memref_slice %arg24[%mul3A_30, %dma_start3A_136] : memref<10112x16xf32, #tpu.memory_space<vmem_shared>> -> memref<632x16xf32, #tpu.memory_space<vmem_shared>>
      %dma_start3A_138 = arith.constant 0 : i32
      %dma_start3A_139 = tpu.memref_slice %arg24[%mul3A_30, %dma_start3A_138] : memref<10112x16xf32, #tpu.memory_space<vmem_shared>> -> memref<632x16xf32, #tpu.memory_space<vmem_shared>>
      tpu.enqueue_dma source(%arg13 : memref<632x16xf32, #tpu.memory_space<vmem>>) target(%dma_start3A_139 : memref<632x16xf32, #tpu.memory_space<vmem_shared>>) target_semaphore(%run_scoped3A_135 : memref<!tpu.dma_semaphore, #tpu.memory_space<semaphore_mem>>)
      %dma_wait3A_140 = arith.constant 0 : i32
      %dma_wait3A_141 = tpu.memref_slice %arg24[%mul3A_30, %dma_wait3A_140] : memref<10112x16xf32, #tpu.memory_space<vmem_shared>> -> memref<632x16xf32, #tpu.memory_space<vmem_shared>>
      %dma_wait3A_142 = arith.constant 0 : i32
      %dma_wait3A_143 = tpu.memref_slice %arg24[%mul3A_30, %dma_wait3A_142] : memref<10112x16xf32, #tpu.memory_space<vmem_shared>> -> memref<632x16xf32, #tpu.memory_space<vmem_shared>>
      tpu.wait_dma2 semaphore(%run_scoped3A_135 : memref<!tpu.dma_semaphore, #tpu.memory_space<semaphore_mem>>) src(%arg13 : memref<632x16xf32, #tpu.memory_space<vmem>>) dst(%dma_wait3A_143 : memref<632x16xf32, #tpu.memory_space<vmem_shared>>)
      tpu.yield
    }) : () -> ()
    %dma_wait3A = arith.constant 0 : i32
    %dma_wait3A_31 = arith.constant 0 : i32
    %dma_wait3A_32 = tpu.memref_slice %arg2[%dma_wait3A, %mul3A_2, %dma_wait3A_31] : memref<2x10112x16xf32, #tpu.memory_space<hbm>> -> memref<1x632x16xf32, #tpu.memory_space<hbm>>
    %dma_wait3A_33 = tpu.memref_squeeze %dma_wait3A_32 : memref<1x632x16xf32, #tpu.memory_space<hbm>> -> memref<632x16xf32, #tpu.memory_space<hbm>>
    %dma_wait3A_34 = arith.constant 0 : i32
    %dma_wait3A_35 = tpu.memref_slice %arg2[%dma_wait3A, %mul3A_2, %dma_wait3A_34] : memref<2x10112x16xf32, #tpu.memory_space<hbm>> -> memref<1x632x16xf32, #tpu.memory_space<hbm>>
    %dma_wait3A_36 = tpu.memref_squeeze %dma_wait3A_35 : memref<1x632x16xf32, #tpu.memory_space<hbm>> -> memref<632x16xf32, #tpu.memory_space<hbm>>
    tpu.wait_dma2 semaphore(%arg19 : memref<!tpu.dma_semaphore, #tpu.memory_space<semaphore_mem>>) src(%dma_wait3A_36 : memref<632x16xf32, #tpu.memory_space<hbm>>) dst(%arg14 : memref<632x16xf32, #tpu.memory_space<vmem>>)
    %dma_wait3A_37 = arith.constant 1 : i32
    %dma_wait3A_38 = arith.constant 0 : i32
    %dma_wait3A_39 = tpu.memref_slice %arg2[%dma_wait3A_37, %mul3A_2, %dma_wait3A_38] : memref<2x10112x16xf32, #tpu.memory_space<hbm>> -> memref<1x632x16xf32, #tpu.memory_space<hbm>>
    %dma_wait3A_40 = tpu.memref_squeeze %dma_wait3A_39 : memref<1x632x16xf32, #tpu.memory_space<hbm>> -> memref<632x16xf32, #tpu.memory_space<hbm>>
    %dma_wait3A_41 = arith.constant 0 : i32
    %dma_wait3A_42 = tpu.memref_slice %arg2[%dma_wait3A_37, %mul3A_2, %dma_wait3A_41] : memref<2x10112x16xf32, #tpu.memory_space<hbm>> -> memref<1x632x16xf32, #tpu.memory_space<hbm>>
    %dma_wait3A_43 = tpu.memref_squeeze %dma_wait3A_42 : memref<1x632x16xf32, #tpu.memory_space<hbm>> -> memref<632x16xf32, #tpu.memory_space<hbm>>
    tpu.wait_dma2 semaphore(%arg19 : memref<!tpu.dma_semaphore, #tpu.memory_space<semaphore_mem>>) src(%dma_wait3A_43 : memref<632x16xf32, #tpu.memory_space<hbm>>) dst(%arg15 : memref<632x16xf32, #tpu.memory_space<vmem>>)
    %dma_wait3A_44 = arith.constant 0 : i32
    %dma_wait3A_45 = tpu.memref_slice %arg3[%mul3A_2, %dma_wait3A_44] : memref<10112x16xf32, #tpu.memory_space<hbm>> -> memref<632x16xf32, #tpu.memory_space<hbm>>
    %dma_wait3A_46 = arith.constant 0 : i32
    %dma_wait3A_47 = tpu.memref_slice %arg3[%mul3A_2, %dma_wait3A_46] : memref<10112x16xf32, #tpu.memory_space<hbm>> -> memref<632x16xf32, #tpu.memory_space<hbm>>
    tpu.wait_dma2 semaphore(%arg19 : memref<!tpu.dma_semaphore, #tpu.memory_space<semaphore_mem>>) src(%dma_wait3A_47 : memref<632x16xf32, #tpu.memory_space<hbm>>) dst(%arg16 : memref<632x16xf32, #tpu.memory_space<vmem>>)
    %dma_wait3A_48 = arith.constant 0 : i32
    %dma_wait3A_49 = tpu.memref_slice %arg4[%mul3A_2, %dma_wait3A_48] : memref<10112x16xf32, #tpu.memory_space<hbm>> -> memref<632x16xf32, #tpu.memory_space<hbm>>
    %dma_wait3A_50 = arith.constant 0 : i32
    %dma_wait3A_51 = tpu.memref_slice %arg4[%mul3A_2, %dma_wait3A_50] : memref<10112x16xf32, #tpu.memory_space<hbm>> -> memref<632x16xf32, #tpu.memory_space<hbm>>
    tpu.wait_dma2 semaphore(%arg19 : memref<!tpu.dma_semaphore, #tpu.memory_space<semaphore_mem>>) src(%dma_wait3A_51 : memref<632x16xf32, #tpu.memory_space<hbm>>) dst(%arg17 : memref<632x16xf32, #tpu.memory_space<vmem>>)
    tpu.wait_dma2 semaphore(%arg20 : memref<!tpu.dma_semaphore, #tpu.memory_space<semaphore_mem>>) src(%arg5 : memref<16xf32, #tpu.memory_space<hbm>>) dst(%arg18 : memref<16xf32, #tpu.memory_space<vmem>>)
    %get3A = arith.constant 0 : index
    %get3A_52 = tpu.vector_load %arg18[%get3A] {strides = array<i32>} : memref<16xf32, #tpu.memory_space<vmem>>, vector<16xf32>,
    %get3A_53 = vector.shape_cast %get3A_52 : vector<16xf32> to vector<16xf32>
    %scan3A_54 = arith.constant 0 : i32
    %scan3A_55 = arith.constant 0 : i32
    %scan3A_56 = arith.constant 632 : i32
    %scan3A_57 = arith.addi %scan3A_55, %scan3A_56 : i32
    %scan3A_58 = arith.constant 8 : i32
    scf.for %scan3A_135 = %scan3A_55 to %scan3A_57 step %scan3A_58  : i32 {
      %get3A_136 = arith.index_cast %scan3A_135 : i32 to index
      %get3A_137 = arith.constant 0 : index
      %get3A_138 = tpu.vector_load %arg17[%get3A_136, %get3A_137] {strides = array<i32>} : memref<632x16xf32, #tpu.memory_space<vmem>>, vector<1x16xf32>,
      %get3A_139 = vector.shape_cast %get3A_138 : vector<1x16xf32> to vector<16xf32>
      %get3A_140 = arith.index_cast %scan3A_135 : i32 to index
      %get3A_141 = arith.constant 0 : index
      %get3A_142 = tpu.vector_load %arg14[%get3A_140, %get3A_141] {strides = array<i32>} : memref<632x16xf32, #tpu.memory_space<vmem>>, vector<1x16xf32>,
      %get3A_143 = vector.shape_cast %get3A_142 : vector<1x16xf32> to vector<16xf32>
      %get3A_144 = arith.index_cast %scan3A_135 : i32 to index
      %get3A_145 = arith.constant 0 : index
      %get3A_146 = tpu.vector_load %arg15[%get3A_144, %get3A_145] {strides = array<i32>} : memref<632x16xf32, #tpu.memory_space<vmem>>, vector<1x16xf32>,
      %get3A_147 = vector.shape_cast %get3A_146 : vector<1x16xf32> to vector<16xf32>
      %add3A_148 = arith.addf %get3A_143, %get3A_147 : vector<16xf32>
      %get3A_149 = arith.index_cast %scan3A_135 : i32 to index
      %get3A_150 = arith.constant 0 : index
      %get3A_151 = tpu.vector_load %arg16[%get3A_149, %get3A_150] {strides = array<i32>} : memref<632x16xf32, #tpu.memory_space<vmem>>, vector<1x16xf32>,
      %get3A_152 = vector.shape_cast %get3A_151 : vector<1x16xf32> to vector<16xf32>
      %add3A_153 = arith.addf %add3A_148, %get3A_152 : vector<16xf32>
      %mul3A_154 = arith.mulf %add3A_153, %get3A_139 : vector<16xf32>
      %add3A_155 = arith.addf %mul3A_154, %get3A_53 : vector<16xf32>
      %max3A_156 = arith.constant 0.000000e+00 : f32
      %max3A_157 = vector.broadcast %max3A_156 : f32 to vector<16xf32>
      %max3A_158 = arith.maximumf %add3A_155, %max3A_157 : vector<16xf32>
      %mul3A_159 = arith.mulf %max3A_158, %get3A_139 : vector<16xf32>
      %swap3A = arith.index_cast %scan3A_135 : i32 to index
      %swap3A_160 = arith.constant 0 : index
      %swap3A_161 = tpu.vector_load %arg16[%swap3A, %swap3A_160] {strides = array<i32>} : memref<632x16xf32, #tpu.memory_space<vmem>>, vector<1x16xf32>,
      %swap3A_162 = vector.shape_cast %swap3A_161 : vector<1x16xf32> to vector<16xf32>
      %swap3A_163 = vector.shape_cast %mul3A_159 : vector<16xf32> to vector<1x16xf32>
      tpu.vector_store %arg16[%swap3A, %swap3A_160], %swap3A_163 {strides = array<i32>} : memref<632x16xf32, #tpu.memory_space<vmem>>, vector<1x16xf32>,
      %scan3A_164 = arith.constant 1 : i32
      %scan3A_165 = arith.addi %scan3A_135, %scan3A_164 : i32
      %get3A_166 = arith.index_cast %scan3A_165 : i32 to index
      %get3A_167 = arith.constant 0 : index
      %get3A_168 = tpu.vector_load %arg17[%get3A_166, %get3A_167] {strides = array<i32>} : memref<632x16xf32, #tpu.memory_space<vmem>>, vector<1x16xf32>,
      %get3A_169 = vector.shape_cast %get3A_168 : vector<1x16xf32> to vector<16xf32>
      %get3A_170 = arith.index_cast %scan3A_165 : i32 to index
      %get3A_171 = arith.constant 0 : index
      %get3A_172 = tpu.vector_load %arg14[%get3A_170, %get3A_171] {strides = array<i32>} : memref<632x16xf32, #tpu.memory_space<vmem>>, vector<1x16xf32>,
      %get3A_173 = vector.shape_cast %get3A_172 : vector<1x16xf32> to vector<16xf32>
      %get3A_174 = arith.index_cast %scan3A_165 : i32 to index
      %get3A_175 = arith.constant 0 : index
      %get3A_176 = tpu.vector_load %arg15[%get3A_174, %get3A_175] {strides = array<i32>} : memref<632x16xf32, #tpu.memory_space<vmem>>, vector<1x16xf32>,
      %get3A_177 = vector.shape_cast %get3A_176 : vector<1x16xf32> to vector<16xf32>
      %add3A_178 = arith.addf %get3A_173, %get3A_177 : vector<16xf32>
      %get3A_179 = arith.index_cast %scan3A_165 : i32 to index
      %get3A_180 = arith.constant 0 : index
      %get3A_181 = tpu.vector_load %arg16[%get3A_179, %get3A_180] {strides = array<i32>} : memref<632x16xf32, #tpu.memory_space<vmem>>, vector<1x16xf32>,
      %get3A_182 = vector.shape_cast %get3A_181 : vector<1x16xf32> to vector<16xf32>
      %add3A_183 = arith.addf %add3A_178, %get3A_182 : vector<16xf32>
      %mul3A_184 = arith.mulf %add3A_183, %get3A_169 : vector<16xf32>
      %add3A_185 = arith.addf %mul3A_184, %get3A_53 : vector<16xf32>
      %max3A_186 = arith.constant 0.000000e+00 : f32
      %max3A_187 = vector.broadcast %max3A_186 : f32 to vector<16xf32>
      %max3A_188 = arith.maximumf %add3A_185, %max3A_187 : vector<16xf32>
      %mul3A_189 = arith.mulf %max3A_188, %get3A_169 : vector<16xf32>
      %swap3A_190 = arith.index_cast %scan3A_165 : i32 to index
      %swap3A_191 = arith.constant 0 : index
      %swap3A_192 = tpu.vector_load %arg16[%swap3A_190, %swap3A_191] {strides = array<i32>} : memref<632x16xf32, #tpu.memory_space<vmem>>, vector<1x16xf32>,
      %swap3A_193 = vector.shape_cast %swap3A_192 : vector<1x16xf32> to vector<16xf32>
      %swap3A_194 = vector.shape_cast %mul3A_189 : vector<16xf32> to vector<1x16xf32>
      tpu.vector_store %arg16[%swap3A_190, %swap3A_191], %swap3A_194 {strides = array<i32>} : memref<632x16xf32, #tpu.memory_space<vmem>>, vector<1x16xf32>,
      %scan3A_195 = arith.constant 2 : i32
      %scan3A_196 = arith.addi %scan3A_135, %scan3A_195 : i32
      %get3A_197 = arith.index_cast %scan3A_196 : i32 to index
      %get3A_198 = arith.constant 0 : index
      %get3A_199 = tpu.vector_load %arg17[%get3A_197, %get3A_198] {strides = array<i32>} : memref<632x16xf32, #tpu.memory_space<vmem>>, vector<1x16xf32>,
      %get3A_200 = vector.shape_cast %get3A_199 : vector<1x16xf32> to vector<16xf32>
      %get3A_201 = arith.index_cast %scan3A_196 : i32 to index
      %get3A_202 = arith.constant 0 : index
      %get3A_203 = tpu.vector_load %arg14[%get3A_201, %get3A_202] {strides = array<i32>} : memref<632x16xf32, #tpu.memory_space<vmem>>, vector<1x16xf32>,
      %get3A_204 = vector.shape_cast %get3A_203 : vector<1x16xf32> to vector<16xf32>
      %get3A_205 = arith.index_cast %scan3A_196 : i32 to index
      %get3A_206 = arith.constant 0 : index
      %get3A_207 = tpu.vector_load %arg15[%get3A_205, %get3A_206] {strides = array<i32>} : memref<632x16xf32, #tpu.memory_space<vmem>>, vector<1x16xf32>,
      %get3A_208 = vector.shape_cast %get3A_207 : vector<1x16xf32> to vector<16xf32>
      %add3A_209 = arith.addf %get3A_204, %get3A_208 : vector<16xf32>
      %get3A_210 = arith.index_cast %scan3A_196 : i32 to index
      %get3A_211 = arith.constant 0 : index
      %get3A_212 = tpu.vector_load %arg16[%get3A_210, %get3A_211] {strides = array<i32>} : memref<632x16xf32, #tpu.memory_space<vmem>>, vector<1x16xf32>,
      %get3A_213 = vector.shape_cast %get3A_212 : vector<1x16xf32> to vector<16xf32>
      %add3A_214 = arith.addf %add3A_209, %get3A_213 : vector<16xf32>
      %mul3A_215 = arith.mulf %add3A_214, %get3A_200 : vector<16xf32>
      %add3A_216 = arith.addf %mul3A_215, %get3A_53 : vector<16xf32>
      %max3A_217 = arith.constant 0.000000e+00 : f32
      %max3A_218 = vector.broadcast %max3A_217 : f32 to vector<16xf32>
      %max3A_219 = arith.maximumf %add3A_216, %max3A_218 : vector<16xf32>
      %mul3A_220 = arith.mulf %max3A_219, %get3A_200 : vector<16xf32>
      %swap3A_221 = arith.index_cast %scan3A_196 : i32 to index
      %swap3A_222 = arith.constant 0 : index
      %swap3A_223 = tpu.vector_load %arg16[%swap3A_221, %swap3A_222] {strides = array<i32>} : memref<632x16xf32, #tpu.memory_space<vmem>>, vector<1x16xf32>,
      %swap3A_224 = vector.shape_cast %swap3A_223 : vector<1x16xf32> to vector<16xf32>
      %swap3A_225 = vector.shape_cast %mul3A_220 : vector<16xf32> to vector<1x16xf32>
      tpu.vector_store %arg16[%swap3A_221, %swap3A_222], %swap3A_225 {strides = array<i32>} : memref<632x16xf32, #tpu.memory_space<vmem>>, vector<1x16xf32>,
      %scan3A_226 = arith.constant 3 : i32
      %scan3A_227 = arith.addi %scan3A_135, %scan3A_226 : i32
      %get3A_228 = arith.index_cast %scan3A_227 : i32 to index
      %get3A_229 = arith.constant 0 : index
      %get3A_230 = tpu.vector_load %arg17[%get3A_228, %get3A_229] {strides = array<i32>} : memref<632x16xf32, #tpu.memory_space<vmem>>, vector<1x16xf32>,
      %get3A_231 = vector.shape_cast %get3A_230 : vector<1x16xf32> to vector<16xf32>
      %get3A_232 = arith.index_cast %scan3A_227 : i32 to index
      %get3A_233 = arith.constant 0 : index
      %get3A_234 = tpu.vector_load %arg14[%get3A_232, %get3A_233] {strides = array<i32>} : memref<632x16xf32, #tpu.memory_space<vmem>>, vector<1x16xf32>,
      %get3A_235 = vector.shape_cast %get3A_234 : vector<1x16xf32> to vector<16xf32>
      %get3A_236 = arith.index_cast %scan3A_227 : i32 to index
      %get3A_237 = arith.constant 0 : index
      %get3A_238 = tpu.vector_load %arg15[%get3A_236, %get3A_237] {strides = array<i32>} : memref<632x16xf32, #tpu.memory_space<vmem>>, vector<1x16xf32>,
      %get3A_239 = vector.shape_cast %get3A_238 : vector<1x16xf32> to vector<16xf32>
      %add3A_240 = arith.addf %get3A_235, %get3A_239 : vector<16xf32>
      %get3A_241 = arith.index_cast %scan3A_227 : i32 to index
      %get3A_242 = arith.constant 0 : index
      %get3A_243 = tpu.vector_load %arg16[%get3A_241, %get3A_242] {strides = array<i32>} : memref<632x16xf32, #tpu.memory_space<vmem>>, vector<1x16xf32>,
      %get3A_244 = vector.shape_cast %get3A_243 : vector<1x16xf32> to vector<16xf32>
      %add3A_245 = arith.addf %add3A_240, %get3A_244 : vector<16xf32>
      %mul3A_246 = arith.mulf %add3A_245, %get3A_231 : vector<16xf32>
      %add3A_247 = arith.addf %mul3A_246, %get3A_53 : vector<16xf32>
      %max3A_248 = arith.constant 0.000000e+00 : f32
      %max3A_249 = vector.broadcast %max3A_248 : f32 to vector<16xf32>
      %max3A_250 = arith.maximumf %add3A_247, %max3A_249 : vector<16xf32>
      %mul3A_251 = arith.mulf %max3A_250, %get3A_231 : vector<16xf32>
      %swap3A_252 = arith.index_cast %scan3A_227 : i32 to index
      %swap3A_253 = arith.constant 0 : index
      %swap3A_254 = tpu.vector_load %arg16[%swap3A_252, %swap3A_253] {strides = array<i32>} : memref<632x16xf32, #tpu.memory_space<vmem>>, vector<1x16xf32>,
      %swap3A_255 = vector.shape_cast %swap3A_254 : vector<1x16xf32> to vector<16xf32>
      %swap3A_256 = vector.shape_cast %mul3A_251 : vector<16xf32> to vector<1x16xf32>
      tpu.vector_store %arg16[%swap3A_252, %swap3A_253], %swap3A_256 {strides = array<i32>} : memref<632x16xf32, #tpu.memory_space<vmem>>, vector<1x16xf32>,
      %scan3A_257 = arith.constant 4 : i32
      %scan3A_258 = arith.addi %scan3A_135, %scan3A_257 : i32
      %get3A_259 = arith.index_cast %scan3A_258 : i32 to index
      %get3A_260 = arith.constant 0 : index
      %get3A_261 = tpu.vector_load %arg17[%get3A_259, %get3A_260] {strides = array<i32>} : memref<632x16xf32, #tpu.memory_space<vmem>>, vector<1x16xf32>,
      %get3A_262 = vector.shape_cast %get3A_261 : vector<1x16xf32> to vector<16xf32>
      %get3A_263 = arith.index_cast %scan3A_258 : i32 to index
      %get3A_264 = arith.constant 0 : index
      %get3A_265 = tpu.vector_load %arg14[%get3A_263, %get3A_264] {strides = array<i32>} : memref<632x16xf32, #tpu.memory_space<vmem>>, vector<1x16xf32>,
      %get3A_266 = vector.shape_cast %get3A_265 : vector<1x16xf32> to vector<16xf32>
      %get3A_267 = arith.index_cast %scan3A_258 : i32 to index
      %get3A_268 = arith.constant 0 : index
      %get3A_269 = tpu.vector_load %arg15[%get3A_267, %get3A_268] {strides = array<i32>} : memref<632x16xf32, #tpu.memory_space<vmem>>, vector<1x16xf32>,
      %get3A_270 = vector.shape_cast %get3A_269 : vector<1x16xf32> to vector<16xf32>
      %add3A_271 = arith.addf %get3A_266, %get3A_270 : vector<16xf32>
      %get3A_272 = arith.index_cast %scan3A_258 : i32 to index
      %get3A_273 = arith.constant 0 : index
      %get3A_274 = tpu.vector_load %arg16[%get3A_272, %get3A_273] {strides = array<i32>} : memref<632x16xf32, #tpu.memory_space<vmem>>, vector<1x16xf32>,
      %get3A_275 = vector.shape_cast %get3A_274 : vector<1x16xf32> to vector<16xf32>
      %add3A_276 = arith.addf %add3A_271, %get3A_275 : vector<16xf32>
      %mul3A_277 = arith.mulf %add3A_276, %get3A_262 : vector<16xf32>
      %add3A_278 = arith.addf %mul3A_277, %get3A_53 : vector<16xf32>
      %max3A_279 = arith.constant 0.000000e+00 : f32
      %max3A_280 = vector.broadcast %max3A_279 : f32 to vector<16xf32>
      %max3A_281 = arith.maximumf %add3A_278, %max3A_280 : vector<16xf32>
      %mul3A_282 = arith.mulf %max3A_281, %get3A_262 : vector<16xf32>
      %swap3A_283 = arith.index_cast %scan3A_258 : i32 to index
      %swap3A_284 = arith.constant 0 : index
      %swap3A_285 = tpu.vector_load %arg16[%swap3A_283, %swap3A_284] {strides = array<i32>} : memref<632x16xf32, #tpu.memory_space<vmem>>, vector<1x16xf32>,
      %swap3A_286 = vector.shape_cast %swap3A_285 : vector<1x16xf32> to vector<16xf32>
      %swap3A_287 = vector.shape_cast %mul3A_282 : vector<16xf32> to vector<1x16xf32>
      tpu.vector_store %arg16[%swap3A_283, %swap3A_284], %swap3A_287 {strides = array<i32>} : memref<632x16xf32, #tpu.memory_space<vmem>>, vector<1x16xf32>,
      %scan3A_288 = arith.constant 5 : i32
      %scan3A_289 = arith.addi %scan3A_135, %scan3A_288 : i32
      %get3A_290 = arith.index_cast %scan3A_289 : i32 to index
      %get3A_291 = arith.constant 0 : index
      %get3A_292 = tpu.vector_load %arg17[%get3A_290, %get3A_291] {strides = array<i32>} : memref<632x16xf32, #tpu.memory_space<vmem>>, vector<1x16xf32>,
      %get3A_293 = vector.shape_cast %get3A_292 : vector<1x16xf32> to vector<16xf32>
      %get3A_294 = arith.index_cast %scan3A_289 : i32 to index
      %get3A_295 = arith.constant 0 : index
      %get3A_296 = tpu.vector_load %arg14[%get3A_294, %get3A_295] {strides = array<i32>} : memref<632x16xf32, #tpu.memory_space<vmem>>, vector<1x16xf32>,
      %get3A_297 = vector.shape_cast %get3A_296 : vector<1x16xf32> to vector<16xf32>
      %get3A_298 = arith.index_cast %scan3A_289 : i32 to index
      %get3A_299 = arith.constant 0 : index
      %get3A_300 = tpu.vector_load %arg15[%get3A_298, %get3A_299] {strides = array<i32>} : memref<632x16xf32, #tpu.memory_space<vmem>>, vector<1x16xf32>,
      %get3A_301 = vector.shape_cast %get3A_300 : vector<1x16xf32> to vector<16xf32>
      %add3A_302 = arith.addf %get3A_297, %get3A_301 : vector<16xf32>
      %get3A_303 = arith.index_cast %scan3A_289 : i32 to index
      %get3A_304 = arith.constant 0 : index
      %get3A_305 = tpu.vector_load %arg16[%get3A_303, %get3A_304] {strides = array<i32>} : memref<632x16xf32, #tpu.memory_space<vmem>>, vector<1x16xf32>,
      %get3A_306 = vector.shape_cast %get3A_305 : vector<1x16xf32> to vector<16xf32>
      %add3A_307 = arith.addf %add3A_302, %get3A_306 : vector<16xf32>
      %mul3A_308 = arith.mulf %add3A_307, %get3A_293 : vector<16xf32>
      %add3A_309 = arith.addf %mul3A_308, %get3A_53 : vector<16xf32>
      %max3A_310 = arith.constant 0.000000e+00 : f32
      %max3A_311 = vector.broadcast %max3A_310 : f32 to vector<16xf32>
      %max3A_312 = arith.maximumf %add3A_309, %max3A_311 : vector<16xf32>
      %mul3A_313 = arith.mulf %max3A_312, %get3A_293 : vector<16xf32>
      %swap3A_314 = arith.index_cast %scan3A_289 : i32 to index
      %swap3A_315 = arith.constant 0 : index
      %swap3A_316 = tpu.vector_load %arg16[%swap3A_314, %swap3A_315] {strides = array<i32>} : memref<632x16xf32, #tpu.memory_space<vmem>>, vector<1x16xf32>,
      %swap3A_317 = vector.shape_cast %swap3A_316 : vector<1x16xf32> to vector<16xf32>
      %swap3A_318 = vector.shape_cast %mul3A_313 : vector<16xf32> to vector<1x16xf32>
      tpu.vector_store %arg16[%swap3A_314, %swap3A_315], %swap3A_318 {strides = array<i32>} : memref<632x16xf32, #tpu.memory_space<vmem>>, vector<1x16xf32>,
      %scan3A_319 = arith.constant 6 : i32
      %scan3A_320 = arith.addi %scan3A_135, %scan3A_319 : i32
      %get3A_321 = arith.index_cast %scan3A_320 : i32 to index
      %get3A_322 = arith.constant 0 : index
      %get3A_323 = tpu.vector_load %arg17[%get3A_321, %get3A_322] {strides = array<i32>} : memref<632x16xf32, #tpu.memory_space<vmem>>, vector<1x16xf32>,
      %get3A_324 = vector.shape_cast %get3A_323 : vector<1x16xf32> to vector<16xf32>
      %get3A_325 = arith.index_cast %scan3A_320 : i32 to index
      %get3A_326 = arith.constant 0 : index
      %get3A_327 = tpu.vector_load %arg14[%get3A_325, %get3A_326] {strides = array<i32>} : memref<632x16xf32, #tpu.memory_space<vmem>>, vector<1x16xf32>,
      %get3A_328 = vector.shape_cast %get3A_327 : vector<1x16xf32> to vector<16xf32>
      %get3A_329 = arith.index_cast %scan3A_320 : i32 to index
      %get3A_330 = arith.constant 0 : index
      %get3A_331 = tpu.vector_load %arg15[%get3A_329, %get3A_330] {strides = array<i32>} : memref<632x16xf32, #tpu.memory_space<vmem>>, vector<1x16xf32>,
      %get3A_332 = vector.shape_cast %get3A_331 : vector<1x16xf32> to vector<16xf32>
      %add3A_333 = arith.addf %get3A_328, %get3A_332 : vector<16xf32>
      %get3A_334 = arith.index_cast %scan3A_320 : i32 to index
      %get3A_335 = arith.constant 0 : index
      %get3A_336 = tpu.vector_load %arg16[%get3A_334, %get3A_335] {strides = array<i32>} : memref<632x16xf32, #tpu.memory_space<vmem>>, vector<1x16xf32>,
      %get3A_337 = vector.shape_cast %get3A_336 : vector<1x16xf32> to vector<16xf32>
      %add3A_338 = arith.addf %add3A_333, %get3A_337 : vector<16xf32>
      %mul3A_339 = arith.mulf %add3A_338, %get3A_324 : vector<16xf32>
      %add3A_340 = arith.addf %mul3A_339, %get3A_53 : vector<16xf32>
      %max3A_341 = arith.constant 0.000000e+00 : f32
      %max3A_342 = vector.broadcast %max3A_341 : f32 to vector<16xf32>
      %max3A_343 = arith.maximumf %add3A_340, %max3A_342 : vector<16xf32>
      %mul3A_344 = arith.mulf %max3A_343, %get3A_324 : vector<16xf32>
      %swap3A_345 = arith.index_cast %scan3A_320 : i32 to index
      %swap3A_346 = arith.constant 0 : index
      %swap3A_347 = tpu.vector_load %arg16[%swap3A_345, %swap3A_346] {strides = array<i32>} : memref<632x16xf32, #tpu.memory_space<vmem>>, vector<1x16xf32>,
      %swap3A_348 = vector.shape_cast %swap3A_347 : vector<1x16xf32> to vector<16xf32>
      %swap3A_349 = vector.shape_cast %mul3A_344 : vector<16xf32> to vector<1x16xf32>
      tpu.vector_store %arg16[%swap3A_345, %swap3A_346], %swap3A_349 {strides = array<i32>} : memref<632x16xf32, #tpu.memory_space<vmem>>, vector<1x16xf32>,
      %scan3A_350 = arith.constant 7 : i32
      %scan3A_351 = arith.addi %scan3A_135, %scan3A_350 : i32
      %get3A_352 = arith.index_cast %scan3A_351 : i32 to index
      %get3A_353 = arith.constant 0 : index
      %get3A_354 = tpu.vector_load %arg17[%get3A_352, %get3A_353] {strides = array<i32>} : memref<632x16xf32, #tpu.memory_space<vmem>>, vector<1x16xf32>,
      %get3A_355 = vector.shape_cast %get3A_354 : vector<1x16xf32> to vector<16xf32>
      %get3A_356 = arith.index_cast %scan3A_351 : i32 to index
      %get3A_357 = arith.constant 0 : index
      %get3A_358 = tpu.vector_load %arg14[%get3A_356, %get3A_357] {strides = array<i32>} : memref<632x16xf32, #tpu.memory_space<vmem>>, vector<1x16xf32>,
      %get3A_359 = vector.shape_cast %get3A_358 : vector<1x16xf32> to vector<16xf32>
      %get3A_360 = arith.index_cast %scan3A_351 : i32 to index
      %get3A_361 = arith.constant 0 : index
      %get3A_362 = tpu.vector_load %arg15[%get3A_360, %get3A_361] {strides = array<i32>} : memref<632x16xf32, #tpu.memory_space<vmem>>, vector<1x16xf32>,
      %get3A_363 = vector.shape_cast %get3A_362 : vector<1x16xf32> to vector<16xf32>
      %add3A_364 = arith.addf %get3A_359, %get3A_363 : vector<16xf32>
      %get3A_365 = arith.index_cast %scan3A_351 : i32 to index
      %get3A_366 = arith.constant 0 : index
      %get3A_367 = tpu.vector_load %arg16[%get3A_365, %get3A_366] {strides = array<i32>} : memref<632x16xf32, #tpu.memory_space<vmem>>, vector<1x16xf32>,
      %get3A_368 = vector.shape_cast %get3A_367 : vector<1x16xf32> to vector<16xf32>
      %add3A_369 = arith.addf %add3A_364, %get3A_368 : vector<16xf32>
      %mul3A_370 = arith.mulf %add3A_369, %get3A_355 : vector<16xf32>
      %add3A_371 = arith.addf %mul3A_370, %get3A_53 : vector<16xf32>
      %max3A_372 = arith.constant 0.000000e+00 : f32
      %max3A_373 = vector.broadcast %max3A_372 : f32 to vector<16xf32>
      %max3A_374 = arith.maximumf %add3A_371, %max3A_373 : vector<16xf32>
      %mul3A_375 = arith.mulf %max3A_374, %get3A_355 : vector<16xf32>
      %swap3A_376 = arith.index_cast %scan3A_351 : i32 to index
      %swap3A_377 = arith.constant 0 : index
      %swap3A_378 = tpu.vector_load %arg16[%swap3A_376, %swap3A_377] {strides = array<i32>} : memref<632x16xf32, #tpu.memory_space<vmem>>, vector<1x16xf32>,
      %swap3A_379 = vector.shape_cast %swap3A_378 : vector<1x16xf32> to vector<16xf32>
      %swap3A_380 = vector.shape_cast %mul3A_375 : vector<16xf32> to vector<1x16xf32>
      tpu.vector_store %arg16[%swap3A_376, %swap3A_377], %swap3A_380 {strides = array<i32>} : memref<632x16xf32, #tpu.memory_space<vmem>>, vector<1x16xf32>,
    }
    %scan3A_59 = arith.constant 632 : i32
    "tpu.region"() ({
      %run_scoped3A_135 = tpu.sem_alloc : memref<!tpu.dma_semaphore, #tpu.memory_space<semaphore_mem>>
      %dma_start3A_136 = arith.constant 0 : i32
      %dma_start3A_137 = tpu.memref_slice %arg23[%mul3A_2, %dma_start3A_136] : memref<10112x16xf32, #tpu.memory_space<vmem_shared>> -> memref<632x16xf32, #tpu.memory_space<vmem_shared>>
      %dma_start3A_138 = arith.constant 0 : i32
      %dma_start3A_139 = tpu.memref_slice %arg23[%mul3A_2, %dma_start3A_138] : memref<10112x16xf32, #tpu.memory_space<vmem_shared>> -> memref<632x16xf32, #tpu.memory_space<vmem_shared>>
      tpu.enqueue_dma source(%arg16 : memref<632x16xf32, #tpu.memory_space<vmem>>) target(%dma_start3A_139 : memref<632x16xf32, #tpu.memory_space<vmem_shared>>) target_semaphore(%run_scoped3A_135 : memref<!tpu.dma_semaphore, #tpu.memory_space<semaphore_mem>>)
      %dma_wait3A_140 = arith.constant 0 : i32
      %dma_wait3A_141 = tpu.memref_slice %arg23[%mul3A_2, %dma_wait3A_140] : memref<10112x16xf32, #tpu.memory_space<vmem_shared>> -> memref<632x16xf32, #tpu.memory_space<vmem_shared>>
      %dma_wait3A_142 = arith.constant 0 : i32
      %dma_wait3A_143 = tpu.memref_slice %arg23[%mul3A_2, %dma_wait3A_142] : memref<10112x16xf32, #tpu.memory_space<vmem_shared>> -> memref<632x16xf32, #tpu.memory_space<vmem_shared>>
      tpu.wait_dma2 semaphore(%run_scoped3A_135 : memref<!tpu.dma_semaphore, #tpu.memory_space<semaphore_mem>>) src(%arg16 : memref<632x16xf32, #tpu.memory_space<vmem>>) dst(%dma_wait3A_143 : memref<632x16xf32, #tpu.memory_space<vmem_shared>>)
      tpu.yield
    }) : () -> ()
    "tpu.region"() ({
      %run_scoped3A_135 = tpu.sem_alloc : memref<!tpu.dma_semaphore, #tpu.memory_space<semaphore_mem>>
      %dma_start3A_136 = arith.constant 0 : i32
      %dma_start3A_137 = tpu.memref_slice %arg8[%mul3A_2, %dma_start3A_136] : memref<10112x16xf32, #tpu.memory_space<hbm>> -> memref<632x16xf32, #tpu.memory_space<hbm>>
      %dma_start3A_138 = arith.constant 0 : i32
      %dma_start3A_139 = tpu.memref_slice %arg8[%mul3A_2, %dma_start3A_138] : memref<10112x16xf32, #tpu.memory_space<hbm>> -> memref<632x16xf32, #tpu.memory_space<hbm>>
      tpu.enqueue_dma source(%arg16 : memref<632x16xf32, #tpu.memory_space<vmem>>) target(%dma_start3A_139 : memref<632x16xf32, #tpu.memory_space<hbm>>) target_semaphore(%run_scoped3A_135 : memref<!tpu.dma_semaphore, #tpu.memory_space<semaphore_mem>>)
      %dma_wait3A_140 = arith.constant 0 : i32
      %dma_wait3A_141 = tpu.memref_slice %arg8[%mul3A_2, %dma_wait3A_140] : memref<10112x16xf32, #tpu.memory_space<hbm>> -> memref<632x16xf32, #tpu.memory_space<hbm>>
      %dma_wait3A_142 = arith.constant 0 : i32
      %dma_wait3A_143 = tpu.memref_slice %arg8[%mul3A_2, %dma_wait3A_142] : memref<10112x16xf32, #tpu.memory_space<hbm>> -> memref<632x16xf32, #tpu.memory_space<hbm>>
      tpu.wait_dma2 semaphore(%run_scoped3A_135 : memref<!tpu.dma_semaphore, #tpu.memory_space<semaphore_mem>>) src(%arg16 : memref<632x16xf32, #tpu.memory_space<vmem>>) dst(%dma_wait3A_143 : memref<632x16xf32, #tpu.memory_space<hbm>>)
      tpu.yield
    }) : () -> ()
    %barrier3A = arith.constant 0 : index
    tpu.barrier barrier_id(%barrier3A)
    %mul3A_60 = arith.constant 78 : i32
    %mul3A_61 = arith.muli %mul3A_60, %add3A : i32
    %sub3A = arith.constant 28 : i32
    %sub3A_62 = arith.subi %add3A, %sub3A : i32
    %max3A = arith.constant 0 : i32
    %max3A_63 = arith.maxsi %sub3A_62, %max3A : i32
    %add3A_64 = arith.addi %mul3A_61, %max3A_63 : i32
    %run_scoped3A = arith.constant 0 : i32
    "tpu.region"() ({
      %run_scoped3A_135 = tpu.sem_alloc : memref<!tpu.dma_semaphore, #tpu.memory_space<semaphore_mem>>
      %dma_start3A_136 = arith.constant 0 : i32
      %dma_start3A_137 = tpu.memref_slice %arg6[%run_scoped3A, %add3A_64, %dma_start3A_136] : memref<2x2500x128xi32, #tpu.memory_space<hbm>> -> memref<1x79x128xi32, #tpu.memory_space<hbm>>
      %dma_start3A_138 = tpu.memref_squeeze %dma_start3A_137 : memref<1x79x128xi32, #tpu.memory_space<hbm>> -> memref<79x128xi32, #tpu.memory_space<hbm>>
      %dma_start3A_139 = arith.constant 0 : i32
      %dma_start3A_140 = tpu.memref_slice %arg6[%run_scoped3A, %add3A_64, %dma_start3A_139] : memref<2x2500x128xi32, #tpu.memory_space<hbm>> -> memref<1x79x128xi32, #tpu.memory_space<hbm>>
      %dma_start3A_141 = tpu.memref_squeeze %dma_start3A_140 : memref<1x79x128xi32, #tpu.memory_space<hbm>> -> memref<79x128xi32, #tpu.memory_space<hbm>>
      tpu.enqueue_dma source(%dma_start3A_141 : memref<79x128xi32, #tpu.memory_space<hbm>>) target(%arg9 : memref<79x128xi32, #tpu.memory_space<vmem>>) target_semaphore(%run_scoped3A_135 : memref<!tpu.dma_semaphore, #tpu.memory_space<semaphore_mem>>)
      %dma_wait3A_142 = arith.constant 0 : i32
      %dma_wait3A_143 = tpu.memref_slice %arg6[%run_scoped3A, %add3A_64, %dma_wait3A_142] : memref<2x2500x128xi32, #tpu.memory_space<hbm>> -> memref<1x79x128xi32, #tpu.memory_space<hbm>>
      %dma_wait3A_144 = tpu.memref_squeeze %dma_wait3A_143 : memref<1x79x128xi32, #tpu.memory_space<hbm>> -> memref<79x128xi32, #tpu.memory_space<hbm>>
      %dma_wait3A_145 = arith.constant 0 : i32
      %dma_wait3A_146 = tpu.memref_slice %arg6[%run_scoped3A, %add3A_64, %dma_wait3A_145] : memref<2x2500x128xi32, #tpu.memory_space<hbm>> -> memref<1x79x128xi32, #tpu.memory_space<hbm>>
      %dma_wait3A_147 = tpu.memref_squeeze %dma_wait3A_146 : memref<1x79x128xi32, #tpu.memory_space<hbm>> -> memref<79x128xi32, #tpu.memory_space<hbm>>
      tpu.wait_dma2 semaphore(%run_scoped3A_135 : memref<!tpu.dma_semaphore, #tpu.memory_space<semaphore_mem>>) src(%dma_wait3A_147 : memref<79x128xi32, #tpu.memory_space<hbm>>) dst(%arg9 : memref<79x128xi32, #tpu.memory_space<vmem>>)
      tpu.yield
    }) : () -> ()
    %run_scoped3A_65 = arith.constant 1 : i32
    "tpu.region"() ({
      %run_scoped3A_135 = tpu.sem_alloc : memref<!tpu.dma_semaphore, #tpu.memory_space<semaphore_mem>>
      %dma_start3A_136 = arith.constant 0 : i32
      %dma_start3A_137 = tpu.memref_slice %arg6[%run_scoped3A_65, %add3A_64, %dma_start3A_136] : memref<2x2500x128xi32, #tpu.memory_space<hbm>> -> memref<1x79x128xi32, #tpu.memory_space<hbm>>
      %dma_start3A_138 = tpu.memref_squeeze %dma_start3A_137 : memref<1x79x128xi32, #tpu.memory_space<hbm>> -> memref<79x128xi32, #tpu.memory_space<hbm>>
      %dma_start3A_139 = arith.constant 0 : i32
      %dma_start3A_140 = tpu.memref_slice %arg6[%run_scoped3A_65, %add3A_64, %dma_start3A_139] : memref<2x2500x128xi32, #tpu.memory_space<hbm>> -> memref<1x79x128xi32, #tpu.memory_space<hbm>>
      %dma_start3A_141 = tpu.memref_squeeze %dma_start3A_140 : memref<1x79x128xi32, #tpu.memory_space<hbm>> -> memref<79x128xi32, #tpu.memory_space<hbm>>
      tpu.enqueue_dma source(%dma_start3A_141 : memref<79x128xi32, #tpu.memory_space<hbm>>) target(%arg10 : memref<79x128xi32, #tpu.memory_space<vmem>>) target_semaphore(%run_scoped3A_135 : memref<!tpu.dma_semaphore, #tpu.memory_space<semaphore_mem>>)
      %dma_wait3A_142 = arith.constant 0 : i32
      %dma_wait3A_143 = tpu.memref_slice %arg6[%run_scoped3A_65, %add3A_64, %dma_wait3A_142] : memref<2x2500x128xi32, #tpu.memory_space<hbm>> -> memref<1x79x128xi32, #tpu.memory_space<hbm>>
      %dma_wait3A_144 = tpu.memref_squeeze %dma_wait3A_143 : memref<1x79x128xi32, #tpu.memory_space<hbm>> -> memref<79x128xi32, #tpu.memory_space<hbm>>
      %dma_wait3A_145 = arith.constant 0 : i32
      %dma_wait3A_146 = tpu.memref_slice %arg6[%run_scoped3A_65, %add3A_64, %dma_wait3A_145] : memref<2x2500x128xi32, #tpu.memory_space<hbm>> -> memref<1x79x128xi32, #tpu.memory_space<hbm>>
      %dma_wait3A_147 = tpu.memref_squeeze %dma_wait3A_146 : memref<1x79x128xi32, #tpu.memory_space<hbm>> -> memref<79x128xi32, #tpu.memory_space<hbm>>
      tpu.wait_dma2 semaphore(%run_scoped3A_135 : memref<!tpu.dma_semaphore, #tpu.memory_space<semaphore_mem>>) src(%dma_wait3A_147 : memref<79x128xi32, #tpu.memory_space<hbm>>) dst(%arg10 : memref<79x128xi32, #tpu.memory_space<vmem>>)
      tpu.yield
    }) : () -> ()
    %dma_start3A_66 = arith.constant 0 : i32
    %dma_start3A_67 = arith.constant 0 : i32
    %dma_start3A_68 = tpu.memref_slice %arg9[%dma_start3A_66, %dma_start3A_67] : memref<79x128xi32, #tpu.memory_space<vmem>> -> memref<1x128xi32, #tpu.memory_space<vmem>>
    %dma_start3A_69 = tpu.memref_squeeze %dma_start3A_68 : memref<1x128xi32, #tpu.memory_space<vmem>> -> memref<128xi32, #tpu.memory_space<vmem>>
    %dma_start3A_70 = arith.constant 0 : i32
    %dma_start3A_71 = arith.constant 0 : i32
    %dma_start3A_72 = tpu.memref_slice %arg23[%dma_start3A_70, %dma_start3A_71] : memref<10112x16xf32, #tpu.memory_space<vmem_shared>> -> memref<10112x16xf32, #tpu.memory_space<vmem_shared>>
    tpu.enqueue_indirect_dma source(%dma_start3A_72 : memref<10112x16xf32, #tpu.memory_space<vmem_shared>>) target(%arg11 : memref<128x16xf32, #tpu.memory_space<vmem>>) offsets(%dma_start3A_69 : memref<128xi32, #tpu.memory_space<vmem>>) semaphore(%arg19 : memref<!tpu.dma_semaphore, #tpu.memory_space<semaphore_mem>>)
    %dma_start3A_73 = arith.constant 1 : i32
    %dma_start3A_74 = arith.constant 0 : i32
    %dma_start3A_75 = tpu.memref_slice %arg9[%dma_start3A_73, %dma_start3A_74] : memref<79x128xi32, #tpu.memory_space<vmem>> -> memref<1x128xi32, #tpu.memory_space<vmem>>
    %dma_start3A_76 = tpu.memref_squeeze %dma_start3A_75 : memref<1x128xi32, #tpu.memory_space<vmem>> -> memref<128xi32, #tpu.memory_space<vmem>>
    %dma_start3A_77 = arith.constant 0 : i32
    %dma_start3A_78 = arith.constant 0 : i32
    %dma_start3A_79 = tpu.memref_slice %arg23[%dma_start3A_77, %dma_start3A_78] : memref<10112x16xf32, #tpu.memory_space<vmem_shared>> -> memref<10112x16xf32, #tpu.memory_space<vmem_shared>>
    tpu.enqueue_indirect_dma source(%dma_start3A_79 : memref<10112x16xf32, #tpu.memory_space<vmem_shared>>) target(%arg12 : memref<128x16xf32, #tpu.memory_space<vmem>>) offsets(%dma_start3A_76 : memref<128xi32, #tpu.memory_space<vmem>>) semaphore(%arg20 : memref<!tpu.dma_semaphore, #tpu.memory_space<semaphore_mem>>)
    %dma_wait3A_80 = arith.constant 0 : i32
    %dma_wait3A_81 = arith.constant 0 : i32
    %dma_wait3A_82 = tpu.memref_slice %arg9[%dma_wait3A_80, %dma_wait3A_81] : memref<79x128xi32, #tpu.memory_space<vmem>> -> memref<1x128xi32, #tpu.memory_space<vmem>>
    %dma_wait3A_83 = tpu.memref_squeeze %dma_wait3A_82 : memref<1x128xi32, #tpu.memory_space<vmem>> -> memref<128xi32, #tpu.memory_space<vmem>>
    %dma_wait3A_84 = arith.constant 0 : i32
    %dma_wait3A_85 = arith.constant 0 : i32
    %dma_wait3A_86 = tpu.memref_slice %arg23[%dma_wait3A_84, %dma_wait3A_85] : memref<10112x16xf32, #tpu.memory_space<vmem_shared>> -> memref<10112x16xf32, #tpu.memory_space<vmem_shared>>
    tpu.wait_indirect_dma semaphore(%arg19 : memref<!tpu.dma_semaphore, #tpu.memory_space<semaphore_mem>>) src(%dma_wait3A_86 : memref<10112x16xf32, #tpu.memory_space<vmem_shared>>) dst(%arg11 : memref<128x16xf32, #tpu.memory_space<vmem>>)
    %dma_start3A_87 = arith.constant 0 : i32
    %dma_start3A_88 = arith.constant 0 : i32
    %dma_start3A_89 = tpu.memref_slice %arg10[%dma_start3A_87, %dma_start3A_88] : memref<79x128xi32, #tpu.memory_space<vmem>> -> memref<1x128xi32, #tpu.memory_space<vmem>>
    %dma_start3A_90 = tpu.memref_squeeze %dma_start3A_89 : memref<1x128xi32, #tpu.memory_space<vmem>> -> memref<128xi32, #tpu.memory_space<vmem>>
    %dma_start3A_91 = arith.constant 0 : i32
    %dma_start3A_92 = arith.constant 0 : i32
    %dma_start3A_93 = tpu.memref_slice %arg24[%dma_start3A_91, %dma_start3A_92] : memref<10112x16xf32, #tpu.memory_space<vmem_shared>> -> memref<10112x16xf32, #tpu.memory_space<vmem_shared>>
    tpu.enqueue_indirect_dma source(%arg11 : memref<128x16xf32, #tpu.memory_space<vmem>>) target(%dma_start3A_93 : memref<10112x16xf32, #tpu.memory_space<vmem_shared>>) offsets(%dma_start3A_90 : memref<128xi32, #tpu.memory_space<vmem>>) semaphore(%arg21 : memref<!tpu.dma_semaphore, #tpu.memory_space<semaphore_mem>>) {add = true}
    %dma_wait3A_94 = arith.constant 0 : i32
    %dma_wait3A_95 = arith.constant 0 : i32
    %dma_wait3A_96 = tpu.memref_slice %arg9[%dma_wait3A_94, %dma_wait3A_95] : memref<79x128xi32, #tpu.memory_space<vmem>> -> memref<1x128xi32, #tpu.memory_space<vmem>>
    %dma_wait3A_97 = tpu.memref_squeeze %dma_wait3A_96 : memref<1x128xi32, #tpu.memory_space<vmem>> -> memref<128xi32, #tpu.memory_space<vmem>>
    %dma_wait3A_98 = arith.constant 0 : i32
    %dma_wait3A_99 = arith.constant 0 : i32
    %dma_wait3A_100 = tpu.memref_slice %arg23[%dma_wait3A_98, %dma_wait3A_99] : memref<10112x16xf32, #tpu.memory_space<vmem_shared>> -> memref<10112x16xf32, #tpu.memory_space<vmem_shared>>
    tpu.wait_indirect_dma semaphore(%arg20 : memref<!tpu.dma_semaphore, #tpu.memory_space<semaphore_mem>>) src(%dma_wait3A_100 : memref<10112x16xf32, #tpu.memory_space<vmem_shared>>) dst(%arg12 : memref<128x16xf32, #tpu.memory_space<vmem>>)
    %dma_start3A_101 = arith.constant 1 : i32
    %dma_start3A_102 = arith.constant 0 : i32
    %dma_start3A_103 = tpu.memref_slice %arg10[%dma_start3A_101, %dma_start3A_102] : memref<79x128xi32, #tpu.memory_space<vmem>> -> memref<1x128xi32, #tpu.memory_space<vmem>>
    %dma_start3A_104 = tpu.memref_squeeze %dma_start3A_103 : memref<1x128xi32, #tpu.memory_space<vmem>> -> memref<128xi32, #tpu.memory_space<vmem>>
    %dma_start3A_105 = arith.constant 0 : i32
    %dma_start3A_106 = arith.constant 0 : i32
    %dma_start3A_107 = tpu.memref_slice %arg24[%dma_start3A_105, %dma_start3A_106] : memref<10112x16xf32, #tpu.memory_space<vmem_shared>> -> memref<10112x16xf32, #tpu.memory_space<vmem_shared>>
    tpu.enqueue_indirect_dma source(%arg12 : memref<128x16xf32, #tpu.memory_space<vmem>>) target(%dma_start3A_107 : memref<10112x16xf32, #tpu.memory_space<vmem_shared>>) offsets(%dma_start3A_104 : memref<128xi32, #tpu.memory_space<vmem>>) semaphore(%arg22 : memref<!tpu.dma_semaphore, #tpu.memory_space<semaphore_mem>>) {add = true}
    %scan3A_108 = arith.constant 0 : i32
    %scan3A_109 = arith.constant 0 : i32
    %scan3A_110 = arith.constant 38 : i32
    %scan3A_111 = arith.addi %scan3A_109, %scan3A_110 : i32
    %scan3A_112 = arith.constant 1 : i32
    scf.for %scan3A_135 = %scan3A_109 to %scan3A_111 step %scan3A_112  : i32 {
      %mul3A_136 = arith.constant 2 : i32
      %mul3A_137 = arith.muli %mul3A_136, %scan3A_135 : i32
      %dma_wait3A_138 = arith.constant 0 : i32
      %dma_wait3A_139 = arith.constant 0 : i32
      %dma_wait3A_140 = tpu.memref_slice %arg10[%dma_wait3A_138, %dma_wait3A_139] : memref<79x128xi32, #tpu.memory_space<vmem>> -> memref<1x128xi32, #tpu.memory_space<vmem>>
      %dma_wait3A_141 = tpu.memref_squeeze %dma_wait3A_140 : memref<1x128xi32, #tpu.memory_space<vmem>> -> memref<128xi32, #tpu.memory_space<vmem>>
      %dma_wait3A_142 = arith.constant 0 : i32
      %dma_wait3A_143 = arith.constant 0 : i32
      %dma_wait3A_144 = tpu.memref_slice %arg24[%dma_wait3A_142, %dma_wait3A_143] : memref<10112x16xf32, #tpu.memory_space<vmem_shared>> -> memref<10112x16xf32, #tpu.memory_space<vmem_shared>>
      tpu.wait_indirect_dma semaphore(%arg21 : memref<!tpu.dma_semaphore, #tpu.memory_space<semaphore_mem>>) src(%arg11 : memref<128x16xf32, #tpu.memory_space<vmem>>) dst(%dma_wait3A_144 : memref<10112x16xf32, #tpu.memory_space<vmem_shared>>)
      %add3A_145 = arith.constant 2 : i32
      %add3A_146 = arith.addi %mul3A_137, %add3A_145 : i32
      %dma_start3A_147 = arith.constant 0 : i32
      %dma_start3A_148 = tpu.memref_slice %arg9[%add3A_146, %dma_start3A_147] : memref<79x128xi32, #tpu.memory_space<vmem>> -> memref<1x128xi32, #tpu.memory_space<vmem>>
      %dma_start3A_149 = tpu.memref_squeeze %dma_start3A_148 : memref<1x128xi32, #tpu.memory_space<vmem>> -> memref<128xi32, #tpu.memory_space<vmem>>
      %dma_start3A_150 = arith.constant 0 : i32
      %dma_start3A_151 = arith.constant 0 : i32
      %dma_start3A_152 = tpu.memref_slice %arg23[%dma_start3A_150, %dma_start3A_151] : memref<10112x16xf32, #tpu.memory_space<vmem_shared>> -> memref<10112x16xf32, #tpu.memory_space<vmem_shared>>
      tpu.enqueue_indirect_dma source(%dma_start3A_152 : memref<10112x16xf32, #tpu.memory_space<vmem_shared>>) target(%arg11 : memref<128x16xf32, #tpu.memory_space<vmem>>) offsets(%dma_start3A_149 : memref<128xi32, #tpu.memory_space<vmem>>) semaphore(%arg19 : memref<!tpu.dma_semaphore, #tpu.memory_space<semaphore_mem>>)
      %dma_wait3A_153 = arith.constant 0 : i32
      %dma_wait3A_154 = arith.constant 0 : i32
      %dma_wait3A_155 = tpu.memref_slice %arg9[%dma_wait3A_153, %dma_wait3A_154] : memref<79x128xi32, #tpu.memory_space<vmem>> -> memref<1x128xi32, #tpu.memory_space<vmem>>
      %dma_wait3A_156 = tpu.memref_squeeze %dma_wait3A_155 : memref<1x128xi32, #tpu.memory_space<vmem>> -> memref<128xi32, #tpu.memory_space<vmem>>
      %dma_wait3A_157 = arith.constant 0 : i32
      %dma_wait3A_158 = arith.constant 0 : i32
      %dma_wait3A_159 = tpu.memref_slice %arg23[%dma_wait3A_157, %dma_wait3A_158] : memref<10112x16xf32, #tpu.memory_space<vmem_shared>> -> memref<10112x16xf32, #tpu.memory_space<vmem_shared>>
      tpu.wait_indirect_dma semaphore(%arg19 : memref<!tpu.dma_semaphore, #tpu.memory_space<semaphore_mem>>) src(%dma_wait3A_159 : memref<10112x16xf32, #tpu.memory_space<vmem_shared>>) dst(%arg11 : memref<128x16xf32, #tpu.memory_space<vmem>>)
      %add3A_160 = arith.constant 2 : i32
      %add3A_161 = arith.addi %mul3A_137, %add3A_160 : i32
      %dma_start3A_162 = arith.constant 0 : i32
      %dma_start3A_163 = tpu.memref_slice %arg10[%add3A_161, %dma_start3A_162] : memref<79x128xi32, #tpu.memory_space<vmem>> -> memref<1x128xi32, #tpu.memory_space<vmem>>
      %dma_start3A_164 = tpu.memref_squeeze %dma_start3A_163 : memref<1x128xi32, #tpu.memory_space<vmem>> -> memref<128xi32, #tpu.memory_space<vmem>>
      %dma_start3A_165 = arith.constant 0 : i32
      %dma_start3A_166 = arith.constant 0 : i32
      %dma_start3A_167 = tpu.memref_slice %arg24[%dma_start3A_165, %dma_start3A_166] : memref<10112x16xf32, #tpu.memory_space<vmem_shared>> -> memref<10112x16xf32, #tpu.memory_space<vmem_shared>>
      tpu.enqueue_indirect_dma source(%arg11 : memref<128x16xf32, #tpu.memory_space<vmem>>) target(%dma_start3A_167 : memref<10112x16xf32, #tpu.memory_space<vmem_shared>>) offsets(%dma_start3A_164 : memref<128xi32, #tpu.memory_space<vmem>>) semaphore(%arg21 : memref<!tpu.dma_semaphore, #tpu.memory_space<semaphore_mem>>) {add = true}
      %dma_wait3A_168 = arith.constant 0 : i32
      %dma_wait3A_169 = arith.constant 0 : i32
      %dma_wait3A_170 = tpu.memref_slice %arg10[%dma_wait3A_168, %dma_wait3A_169] : memref<79x128xi32, #tpu.memory_space<vmem>> -> memref<1x128xi32, #tpu.memory_space<vmem>>
      %dma_wait3A_171 = tpu.memref_squeeze %dma_wait3A_170 : memref<1x128xi32, #tpu.memory_space<vmem>> -> memref<128xi32, #tpu.memory_space<vmem>>
      %dma_wait3A_172 = arith.constant 0 : i32
      %dma_wait3A_173 = arith.constant 0 : i32
      %dma_wait3A_174 = tpu.memref_slice %arg24[%dma_wait3A_172, %dma_wait3A_173] : memref<10112x16xf32, #tpu.memory_space<vmem_shared>> -> memref<10112x16xf32, #tpu.memory_space<vmem_shared>>
      tpu.wait_indirect_dma semaphore(%arg22 : memref<!tpu.dma_semaphore, #tpu.memory_space<semaphore_mem>>) src(%arg12 : memref<128x16xf32, #tpu.memory_space<vmem>>) dst(%dma_wait3A_174 : memref<10112x16xf32, #tpu.memory_space<vmem_shared>>)
      %add3A_175 = arith.constant 3 : i32
      %add3A_176 = arith.addi %mul3A_137, %add3A_175 : i32
      %min3A = arith.constant 77 : i32
      %min3A_177 = arith.minsi %add3A_176, %min3A : i32
      %dma_start3A_178 = arith.constant 0 : i32
      %dma_start3A_179 = tpu.memref_slice %arg9[%min3A_177, %dma_start3A_178] : memref<79x128xi32, #tpu.memory_space<vmem>> -> memref<1x128xi32, #tpu.memory_space<vmem>>
      %dma_start3A_180 = tpu.memref_squeeze %dma_start3A_179 : memref<1x128xi32, #tpu.memory_space<vmem>> -> memref<128xi32, #tpu.memory_space<vmem>>
      %dma_start3A_181 = arith.constant 0 : i32
      %dma_start3A_182 = arith.constant 0 : i32
      %dma_start3A_183 = tpu.memref_slice %arg23[%dma_start3A_181, %dma_start3A_182] : memref<10112x16xf32, #tpu.memory_space<vmem_shared>> -> memref<10112x16xf32, #tpu.memory_space<vmem_shared>>
      tpu.enqueue_indirect_dma source(%dma_start3A_183 : memref<10112x16xf32, #tpu.memory_space<vmem_shared>>) target(%arg12 : memref<128x16xf32, #tpu.memory_space<vmem>>) offsets(%dma_start3A_180 : memref<128xi32, #tpu.memory_space<vmem>>) semaphore(%arg20 : memref<!tpu.dma_semaphore, #tpu.memory_space<semaphore_mem>>)
      %dma_wait3A_184 = arith.constant 0 : i32
      %dma_wait3A_185 = arith.constant 0 : i32
      %dma_wait3A_186 = tpu.memref_slice %arg9[%dma_wait3A_184, %dma_wait3A_185] : memref<79x128xi32, #tpu.memory_space<vmem>> -> memref<1x128xi32, #tpu.memory_space<vmem>>
      %dma_wait3A_187 = tpu.memref_squeeze %dma_wait3A_186 : memref<1x128xi32, #tpu.memory_space<vmem>> -> memref<128xi32, #tpu.memory_space<vmem>>
      %dma_wait3A_188 = arith.constant 0 : i32
      %dma_wait3A_189 = arith.constant 0 : i32
      %dma_wait3A_190 = tpu.memref_slice %arg23[%dma_wait3A_188, %dma_wait3A_189] : memref<10112x16xf32, #tpu.memory_space<vmem_shared>> -> memref<10112x16xf32, #tpu.memory_space<vmem_shared>>
      tpu.wait_indirect_dma semaphore(%arg20 : memref<!tpu.dma_semaphore, #tpu.memory_space<semaphore_mem>>) src(%dma_wait3A_190 : memref<10112x16xf32, #tpu.memory_space<vmem_shared>>) dst(%arg12 : memref<128x16xf32, #tpu.memory_space<vmem>>)
      %add3A_191 = arith.constant 3 : i32
      %add3A_192 = arith.addi %mul3A_137, %add3A_191 : i32
      %min3A_193 = arith.constant 77 : i32
      %min3A_194 = arith.minsi %add3A_192, %min3A_193 : i32
      %dma_start3A_195 = arith.constant 0 : i32
      %dma_start3A_196 = tpu.memref_slice %arg10[%min3A_194, %dma_start3A_195] : memref<79x128xi32, #tpu.memory_space<vmem>> -> memref<1x128xi32, #tpu.memory_space<vmem>>
      %dma_start3A_197 = tpu.memref_squeeze %dma_start3A_196 : memref<1x128xi32, #tpu.memory_space<vmem>> -> memref<128xi32, #tpu.memory_space<vmem>>
      %dma_start3A_198 = arith.constant 0 : i32
      %dma_start3A_199 = arith.constant 0 : i32
      %dma_start3A_200 = tpu.memref_slice %arg24[%dma_start3A_198, %dma_start3A_199] : memref<10112x16xf32, #tpu.memory_space<vmem_shared>> -> memref<10112x16xf32, #tpu.memory_space<vmem_shared>>
      tpu.enqueue_indirect_dma source(%arg12 : memref<128x16xf32, #tpu.memory_space<vmem>>) target(%dma_start3A_200 : memref<10112x16xf32, #tpu.memory_space<vmem_shared>>) offsets(%dma_start3A_197 : memref<128xi32, #tpu.memory_space<vmem>>) semaphore(%arg22 : memref<!tpu.dma_semaphore, #tpu.memory_space<semaphore_mem>>) {add = true}
    }
    %scan3A_113 = arith.constant 38 : i32
    %dma_wait3A_114 = arith.constant 0 : i32
    %dma_wait3A_115 = arith.constant 0 : i32
    %dma_wait3A_116 = tpu.memref_slice %arg10[%dma_wait3A_114, %dma_wait3A_115] : memref<79x128xi32, #tpu.memory_space<vmem>> -> memref<1x128xi32, #tpu.memory_space<vmem>>
    %dma_wait3A_117 = tpu.memref_squeeze %dma_wait3A_116 : memref<1x128xi32, #tpu.memory_space<vmem>> -> memref<128xi32, #tpu.memory_space<vmem>>
    %dma_wait3A_118 = arith.constant 0 : i32
    %dma_wait3A_119 = arith.constant 0 : i32
    %dma_wait3A_120 = tpu.memref_slice %arg24[%dma_wait3A_118, %dma_wait3A_119] : memref<10112x16xf32, #tpu.memory_space<vmem_shared>> -> memref<10112x16xf32, #tpu.memory_space<vmem_shared>>
    tpu.wait_indirect_dma semaphore(%arg21 : memref<!tpu.dma_semaphore, #tpu.memory_space<semaphore_mem>>) src(%arg11 : memref<128x16xf32, #tpu.memory_space<vmem>>) dst(%dma_wait3A_120 : memref<10112x16xf32, #tpu.memory_space<vmem_shared>>)
    %dma_wait3A_121 = arith.constant 0 : i32
    %dma_wait3A_122 = arith.constant 0 : i32
    %dma_wait3A_123 = tpu.memref_slice %arg10[%dma_wait3A_121, %dma_wait3A_122] : memref<79x128xi32, #tpu.memory_space<vmem>> -> memref<1x128xi32, #tpu.memory_space<vmem>>
    %dma_wait3A_124 = tpu.memref_squeeze %dma_wait3A_123 : memref<1x128xi32, #tpu.memory_space<vmem>> -> memref<128xi32, #tpu.memory_space<vmem>>
    %dma_wait3A_125 = arith.constant 0 : i32
    %dma_wait3A_126 = arith.constant 0 : i32
    %dma_wait3A_127 = tpu.memref_slice %arg24[%dma_wait3A_125, %dma_wait3A_126] : memref<10112x16xf32, #tpu.memory_space<vmem_shared>> -> memref<10112x16xf32, #tpu.memory_space<vmem_shared>>
    tpu.wait_indirect_dma semaphore(%arg22 : memref<!tpu.dma_semaphore, #tpu.memory_space<semaphore_mem>>) src(%arg12 : memref<128x16xf32, #tpu.memory_space<vmem>>) dst(%dma_wait3A_127 : memref<10112x16xf32, #tpu.memory_space<vmem_shared>>)
    %ge3A = arith.constant 28 : i32
    %ge3A_128 = arith.cmpi sge, %add3A, %ge3A : i32
    %convert_element_type3A = arith.extui %ge3A_128 : i1 to i32
    %cond3A = arith.constant 0 : i32
    %cond3A_129 = arith.cmpi ne, %convert_element_type3A, %cond3A : i32
    scf.if %cond3A_129 {
      %dma_start3A_135 = arith.constant 78 : i32
      %dma_start3A_136 = arith.constant 0 : i32
      %dma_start3A_137 = tpu.memref_slice %arg9[%dma_start3A_135, %dma_start3A_136] : memref<79x128xi32, #tpu.memory_space<vmem>> -> memref<1x128xi32, #tpu.memory_space<vmem>>
      %dma_start3A_138 = tpu.memref_squeeze %dma_start3A_137 : memref<1x128xi32, #tpu.memory_space<vmem>> -> memref<128xi32, #tpu.memory_space<vmem>>
      %dma_start3A_139 = arith.constant 0 : i32
      %dma_start3A_140 = arith.constant 0 : i32
      %dma_start3A_141 = tpu.memref_slice %arg23[%dma_start3A_139, %dma_start3A_140] : memref<10112x16xf32, #tpu.memory_space<vmem_shared>> -> memref<10112x16xf32, #tpu.memory_space<vmem_shared>>
      tpu.enqueue_indirect_dma source(%dma_start3A_141 : memref<10112x16xf32, #tpu.memory_space<vmem_shared>>) target(%arg11 : memref<128x16xf32, #tpu.memory_space<vmem>>) offsets(%dma_start3A_138 : memref<128xi32, #tpu.memory_space<vmem>>) semaphore(%arg19 : memref<!tpu.dma_semaphore, #tpu.memory_space<semaphore_mem>>)
      %dma_wait3A_142 = arith.constant 0 : i32
      %dma_wait3A_143 = arith.constant 0 : i32
      %dma_wait3A_144 = tpu.memref_slice %arg9[%dma_wait3A_142, %dma_wait3A_143] : memref<79x128xi32, #tpu.memory_space<vmem>> -> memref<1x128xi32, #tpu.memory_space<vmem>>
      %dma_wait3A_145 = tpu.memref_squeeze %dma_wait3A_144 : memref<1x128xi32, #tpu.memory_space<vmem>> -> memref<128xi32, #tpu.memory_space<vmem>>
      %dma_wait3A_146 = arith.constant 0 : i32
      %dma_wait3A_147 = arith.constant 0 : i32
      %dma_wait3A_148 = tpu.memref_slice %arg23[%dma_wait3A_146, %dma_wait3A_147] : memref<10112x16xf32, #tpu.memory_space<vmem_shared>> -> memref<10112x16xf32, #tpu.memory_space<vmem_shared>>
      tpu.wait_indirect_dma semaphore(%arg19 : memref<!tpu.dma_semaphore, #tpu.memory_space<semaphore_mem>>) src(%dma_wait3A_148 : memref<10112x16xf32, #tpu.memory_space<vmem_shared>>) dst(%arg11 : memref<128x16xf32, #tpu.memory_space<vmem>>)
      %run_scoped3A_149 = arith.constant 78 : i32
      "tpu.region"() ({
        %run_scoped3A_150 = tpu.sem_alloc : memref<!tpu.dma_semaphore, #tpu.memory_space<semaphore_mem>>
        %dma_start3A_151 = arith.constant 0 : i32
        %dma_start3A_152 = tpu.memref_slice %arg10[%run_scoped3A_149, %dma_start3A_151] : memref<79x128xi32, #tpu.memory_space<vmem>> -> memref<1x128xi32, #tpu.memory_space<vmem>>
        %dma_start3A_153 = tpu.memref_squeeze %dma_start3A_152 : memref<1x128xi32, #tpu.memory_space<vmem>> -> memref<128xi32, #tpu.memory_space<vmem>>
        %dma_start3A_154 = arith.constant 0 : i32
        %dma_start3A_155 = arith.constant 0 : i32
        %dma_start3A_156 = tpu.memref_slice %arg24[%dma_start3A_154, %dma_start3A_155] : memref<10112x16xf32, #tpu.memory_space<vmem_shared>> -> memref<10112x16xf32, #tpu.memory_space<vmem_shared>>
        tpu.enqueue_indirect_dma source(%arg11 : memref<128x16xf32, #tpu.memory_space<vmem>>) target(%dma_start3A_156 : memref<10112x16xf32, #tpu.memory_space<vmem_shared>>) offsets(%dma_start3A_153 : memref<128xi32, #tpu.memory_space<vmem>>) semaphore(%run_scoped3A_150 : memref<!tpu.dma_semaphore, #tpu.memory_space<semaphore_mem>>) {add = true}
        %dma_wait3A_157 = arith.constant 0 : i32
        %dma_wait3A_158 = tpu.memref_slice %arg10[%run_scoped3A_149, %dma_wait3A_157] : memref<79x128xi32, #tpu.memory_space<vmem>> -> memref<1x128xi32, #tpu.memory_space<vmem>>
        %dma_wait3A_159 = tpu.memref_squeeze %dma_wait3A_158 : memref<1x128xi32, #tpu.memory_space<vmem>> -> memref<128xi32, #tpu.memory_space<vmem>>
        %dma_wait3A_160 = arith.constant 0 : i32
        %dma_wait3A_161 = arith.constant 0 : i32
        %dma_wait3A_162 = tpu.memref_slice %arg24[%dma_wait3A_160, %dma_wait3A_161] : memref<10112x16xf32, #tpu.memory_space<vmem_shared>> -> memref<10112x16xf32, #tpu.memory_space<vmem_shared>>
        tpu.wait_indirect_dma semaphore(%run_scoped3A_150 : memref<!tpu.dma_semaphore, #tpu.memory_space<semaphore_mem>>) src(%arg11 : memref<128x16xf32, #tpu.memory_space<vmem>>) dst(%dma_wait3A_162 : memref<10112x16xf32, #tpu.memory_space<vmem_shared>>)
        tpu.yield
      }) : () -> ()
    } else {
    }
    %barrier3A_130 = arith.constant 0 : index
    tpu.barrier barrier_id(%barrier3A_130)
    %mul3A_131 = arith.constant 632 : i32
    %mul3A_132 = arith.muli %arg1, %mul3A_131 : i32
    %mul3A_133 = arith.constant 632 : i32
    %mul3A_134 = arith.muli %arg1, %mul3A_133 : i32
    "tpu.region"() ({
      %run_scoped3A_135 = tpu.sem_alloc : memref<!tpu.dma_semaphore, #tpu.memory_space<semaphore_mem>>
      %dma_start3A_136 = arith.constant 0 : i32
      %dma_start3A_137 = tpu.memref_slice %arg7[%arg0, %mul3A_134, %dma_start3A_136] : memref<2x10112x16xf32, #tpu.memory_space<hbm>> -> memref<1x632x16xf32, #tpu.memory_space<hbm>>
      %dma_start3A_138 = tpu.memref_squeeze %dma_start3A_137 : memref<1x632x16xf32, #tpu.memory_space<hbm>> -> memref<632x16xf32, #tpu.memory_space<hbm>>
      %dma_start3A_139 = arith.constant 0 : i32
      %dma_start3A_140 = tpu.memref_slice %arg24[%mul3A_132, %dma_start3A_139] : memref<10112x16xf32, #tpu.memory_space<vmem_shared>> -> memref<632x16xf32, #tpu.memory_space<vmem_shared>>
      tpu.enqueue_dma source(%dma_start3A_140 : memref<632x16xf32, #tpu.memory_space<vmem_shared>>) target(%dma_start3A_138 : memref<632x16xf32, #tpu.memory_space<hbm>>) target_semaphore(%run_scoped3A_135 : memref<!tpu.dma_semaphore, #tpu.memory_space<semaphore_mem>>)
      %dma_wait3A_141 = arith.constant 0 : i32
      %dma_wait3A_142 = tpu.memref_slice %arg7[%arg0, %mul3A_134, %dma_wait3A_141] : memref<2x10112x16xf32, #tpu.memory_space<hbm>> -> memref<1x632x16xf32, #tpu.memory_space<hbm>>
      %dma_wait3A_143 = tpu.memref_squeeze %dma_wait3A_142 : memref<1x632x16xf32, #tpu.memory_space<hbm>> -> memref<632x16xf32, #tpu.memory_space<hbm>>
      %dma_wait3A_144 = arith.constant 0 : i32
      %dma_wait3A_145 = tpu.memref_slice %arg24[%mul3A_132, %dma_wait3A_144] : memref<10112x16xf32, #tpu.memory_space<vmem_shared>> -> memref<632x16xf32, #tpu.memory_space<vmem_shared>>
      tpu.wait_dma2 semaphore(%run_scoped3A_135 : memref<!tpu.dma_semaphore, #tpu.memory_space<semaphore_mem>>) src(%dma_wait3A_145 : memref<632x16xf32, #tpu.memory_space<vmem_shared>>) dst(%dma_wait3A_143 : memref<632x16xf32, #tpu.memory_space<hbm>>)
      tpu.yield
    }) : () -> ()
    return
  }
}

module attributes {stable_mosaic.version = 14 : i64} {
  func.func @_tc1_body(%arg0: memref<1264x1024xf32, #tpu.memory_space<vmem>>, %arg1: memref<128x16xf32, #tpu.memory_space<vmem>>, %arg2: memref<2x1264x128xf32, #tpu.memory_space<vmem>>, %arg3: memref<1264x128xf32, #tpu.memory_space<vmem>>, %arg4: memref<1264x128xf32, #tpu.memory_space<vmem>>) attributes {dimension_semantics = [], scalar_prefetch = 0 : i64, scratch_operands = 0 : i64, tpu.core_type = #tpu.core_type<tc>} {
    %get3A = arith.constant 0 : index
    %get3A_0 = arith.constant 0 : index
    %get3A_1 = arith.constant 0 : index
    %get3A_2 = vector.load %arg2[%get3A, %get3A_0, %get3A_1] : memref<2x1264x128xf32, #tpu.memory_space<vmem>>, vector<1x1264x128xf32>
    %get3A_3 = vector.shape_cast %get3A_2 : vector<1x1264x128xf32> to vector<1264x128xf32>
    %get3A_4 = arith.constant 1 : index
    %get3A_5 = arith.constant 0 : index
    %get3A_6 = arith.constant 0 : index
    %get3A_7 = vector.load %arg2[%get3A_4, %get3A_5, %get3A_6] : memref<2x1264x128xf32, #tpu.memory_space<vmem>>, vector<1x1264x128xf32>
    %get3A_8 = vector.shape_cast %get3A_7 : vector<1x1264x128xf32> to vector<1264x128xf32>
    %add3A = arith.addf %get3A_3, %get3A_8 : vector<1264x128xf32>
    %add3A_9 = arith.constant 1.000000e+00 : f32
    %add3A_10 = vector.broadcast %add3A_9 : f32 to vector<1264x128xf32>
    %add3A_11 = arith.addf %add3A, %add3A_10 : vector<1264x128xf32>
    %rsqrt3A = math.rsqrt %add3A_11 : vector<1264x128xf32>
    %get3A_12 = arith.constant 0 : index
    %get3A_13 = arith.constant 0 : index
    %get3A_14 = vector.load %arg1[%get3A_12, %get3A_13] : memref<128x16xf32, #tpu.memory_space<vmem>>, vector<128x16xf32>
    %tile3A = tpu.concatenate %get3A_14, %get3A_14, %get3A_14, %get3A_14, %get3A_14, %get3A_14, %get3A_14, %get3A_14 in 0 : vector<128x16xf32>, vector<128x16xf32>, vector<128x16xf32>, vector<128x16xf32>, vector<128x16xf32>, vector<128x16xf32>, vector<128x16xf32>, vector<128x16xf32> -> vector<1024x16xf32>
    %tile3A_15 = tpu.concatenate %tile3A, %tile3A, %tile3A, %tile3A, %tile3A, %tile3A, %tile3A, %tile3A in 1 : vector<1024x16xf32>, vector<1024x16xf32>, vector<1024x16xf32>, vector<1024x16xf32>, vector<1024x16xf32>, vector<1024x16xf32>, vector<1024x16xf32>, vector<1024x16xf32> -> vector<1024x128xf32>
    %iota3A = tpu.iota {dimensions = array<i32: 0>} : vector<1024x128xi32>
    %jit3A = arith.constant 128 : i32
    %div3A = vector.broadcast %jit3A : i32 to vector<1024x128xi32>
    %div3A_16 = arith.divsi %iota3A, %div3A : vector<1024x128xi32>
    %sign3A = arith.constant 0 : i32
    %sign3A_17 = vector.broadcast %sign3A : i32 to vector<1024x128xi32>
    %sign3A_18 = arith.cmpi sgt, %iota3A, %sign3A_17 : vector<1024x128xi32>
    %sign3A_19 = arith.extui %sign3A_18 : vector<1024x128xi1> to vector<1024x128xi32>
    %sign3A_20 = arith.constant 0 : i32
    %sign3A_21 = vector.broadcast %sign3A_20 : i32 to vector<1024x128xi32>
    %sign3A_22 = arith.cmpi slt, %iota3A, %sign3A_21 : vector<1024x128xi32>
    %sign3A_23 = arith.extui %sign3A_22 : vector<1024x128xi1> to vector<1024x128xi32>
    %sign3A_24 = arith.subi %sign3A_19, %sign3A_23 : vector<1024x128xi32>
    %sign3A_25 = arith.constant 0 : i32
    %sign3A_26 = arith.cmpi sgt, %jit3A, %sign3A_25 : i32
    %sign3A_27 = arith.extui %sign3A_26 : i1 to i32
    %sign3A_28 = arith.constant 0 : i32
    %sign3A_29 = arith.cmpi slt, %jit3A, %sign3A_28 : i32
    %sign3A_30 = arith.extui %sign3A_29 : i1 to i32
    %sign3A_31 = arith.subi %sign3A_27, %sign3A_30 : i32
    %ne3A = vector.broadcast %sign3A_31 : i32 to vector<1024x128xi32>
    %ne3A_32 = arith.cmpi ne, %sign3A_24, %ne3A : vector<1024x128xi32>
    %rem3A = vector.broadcast %jit3A : i32 to vector<1024x128xi32>
    %rem3A_33 = arith.remsi %iota3A, %rem3A : vector<1024x128xi32>
    %ne3A_34 = arith.constant 0 : i32
    %ne3A_35 = vector.broadcast %ne3A_34 : i32 to vector<1024x128xi32>
    %ne3A_36 = arith.cmpi ne, %rem3A_33, %ne3A_35 : vector<1024x128xi32>
    %and3A = arith.andi %ne3A_32, %ne3A_36 : vector<1024x128xi1>
    %sub3A = arith.constant 1 : i32
    %sub3A_37 = vector.broadcast %sub3A : i32 to vector<1024x128xi32>
    %sub3A_38 = arith.subi %div3A_16, %sub3A_37 : vector<1024x128xi32>
    %select_n3A = arith.select %and3A, %sub3A_38, %div3A_16 : vector<1024x128xi1>, vector<1024x128xi32>
    %iota3A_39 = tpu.iota {dimensions = array<i32: 1>} : vector<1024x128xi32>
    %jit3A_40 = arith.constant 16 : i32
    %div3A_41 = vector.broadcast %jit3A_40 : i32 to vector<1024x128xi32>
    %div3A_42 = arith.divsi %iota3A_39, %div3A_41 : vector<1024x128xi32>
    %sign3A_43 = arith.constant 0 : i32
    %sign3A_44 = vector.broadcast %sign3A_43 : i32 to vector<1024x128xi32>
    %sign3A_45 = arith.cmpi sgt, %iota3A_39, %sign3A_44 : vector<1024x128xi32>
    %sign3A_46 = arith.extui %sign3A_45 : vector<1024x128xi1> to vector<1024x128xi32>
    %sign3A_47 = arith.constant 0 : i32
    %sign3A_48 = vector.broadcast %sign3A_47 : i32 to vector<1024x128xi32>
    %sign3A_49 = arith.cmpi slt, %iota3A_39, %sign3A_48 : vector<1024x128xi32>
    %sign3A_50 = arith.extui %sign3A_49 : vector<1024x128xi1> to vector<1024x128xi32>
    %sign3A_51 = arith.subi %sign3A_46, %sign3A_50 : vector<1024x128xi32>
    %sign3A_52 = arith.constant 0 : i32
    %sign3A_53 = arith.cmpi sgt, %jit3A_40, %sign3A_52 : i32
    %sign3A_54 = arith.extui %sign3A_53 : i1 to i32
    %sign3A_55 = arith.constant 0 : i32
    %sign3A_56 = arith.cmpi slt, %jit3A_40, %sign3A_55 : i32
    %sign3A_57 = arith.extui %sign3A_56 : i1 to i32
    %sign3A_58 = arith.subi %sign3A_54, %sign3A_57 : i32
    %ne3A_59 = vector.broadcast %sign3A_58 : i32 to vector<1024x128xi32>
    %ne3A_60 = arith.cmpi ne, %sign3A_51, %ne3A_59 : vector<1024x128xi32>
    %rem3A_61 = vector.broadcast %jit3A_40 : i32 to vector<1024x128xi32>
    %rem3A_62 = arith.remsi %iota3A_39, %rem3A_61 : vector<1024x128xi32>
    %ne3A_63 = arith.constant 0 : i32
    %ne3A_64 = vector.broadcast %ne3A_63 : i32 to vector<1024x128xi32>
    %ne3A_65 = arith.cmpi ne, %rem3A_62, %ne3A_64 : vector<1024x128xi32>
    %and3A_66 = arith.andi %ne3A_60, %ne3A_65 : vector<1024x128xi1>
    %sub3A_67 = arith.constant 1 : i32
    %sub3A_68 = vector.broadcast %sub3A_67 : i32 to vector<1024x128xi32>
    %sub3A_69 = arith.subi %div3A_42, %sub3A_68 : vector<1024x128xi32>
    %select_n3A_70 = arith.select %and3A_66, %sub3A_69, %div3A_42 : vector<1024x128xi1>, vector<1024x128xi32>
    %eq3A = arith.cmpi eq, %select_n3A, %select_n3A_70 : vector<1024x128xi32>
    %jit3A_71 = arith.constant 0.000000e+00 : f32
    %broadcast_in_dim3A = vector.broadcast %jit3A_71 : f32 to vector<1024x128xf32>
    %select_n3A_72 = arith.select %eq3A, %tile3A_15, %broadcast_in_dim3A : vector<1024x128xi1>, vector<1024x128xf32>
    %get3A_73 = arith.constant 0 : index
    %get3A_74 = arith.constant 0 : index
    %get3A_75 = vector.load %arg0[%get3A_73, %get3A_74] : memref<1264x1024xf32, #tpu.memory_space<vmem>>, vector<1264x1024xf32>
    %dot_general3A = arith.constant dense<0.000000e+00> : vector<1264x128xf32>
    %dot_general3A_76 = tpu.matmul %get3A_75, %select_n3A_72, %dot_general3A {dimension_numbers = #tpu.dot_dimension_numbers<[1], [0], [0], [1], [0, 0, 1, 1], [], []>, transpose_lhs_hint = false} : vector<1264x1024xf32>, vector<1024x128xf32>, vector<1264x128xf32> -> vector<1264x128xf32>
    %mul3A = arith.mulf %dot_general3A_76, %rsqrt3A : vector<1264x128xf32>
    %swap3A = arith.constant 0 : index
    %swap3A_77 = arith.constant 0 : index
    %swap3A_78 = vector.load %arg3[%swap3A, %swap3A_77] : memref<1264x128xf32, #tpu.memory_space<vmem>>, vector<1264x128xf32>
    tpu.vector_store %arg3[%swap3A, %swap3A_77], %mul3A {strides = array<i32>} : memref<1264x128xf32, #tpu.memory_space<vmem>>, vector<1264x128xf32>,
    %swap3A_79 = arith.constant 0 : index
    %swap3A_80 = arith.constant 0 : index
    %swap3A_81 = vector.load %arg4[%swap3A_79, %swap3A_80] : memref<1264x128xf32, #tpu.memory_space<vmem>>, vector<1264x128xf32>
    tpu.vector_store %arg4[%swap3A_79, %swap3A_80], %rsqrt3A {strides = array<i32>} : memref<1264x128xf32, #tpu.memory_space<vmem>>, vector<1264x128xf32>,
    return
  }
}

module attributes {stable_mosaic.version = 14 : i64} {
  func.func @_tc3_body(%arg0: memref<2x1264x128xf32, #tpu.memory_space<vmem>>, %arg1: memref<1264x128xf32, #tpu.memory_space<vmem>>, %arg2: memref<1264x128xf32, #tpu.memory_space<vmem>>, %arg3: memref<16x40xf32, #tpu.memory_space<vmem>>, %arg4: memref<1x40xf32, #tpu.memory_space<vmem>>, %arg5: memref<1264x320xf32, #tpu.memory_space<vmem>>) attributes {dimension_semantics = [], scalar_prefetch = 0 : i64, scratch_operands = 0 : i64, tpu.core_type = #tpu.core_type<tc>} {
    %get3A = arith.constant 0 : index
    %get3A_0 = arith.constant 0 : index
    %get3A_1 = arith.constant 0 : index
    %get3A_2 = vector.load %arg0[%get3A, %get3A_0, %get3A_1] : memref<2x1264x128xf32, #tpu.memory_space<vmem>>, vector<1x1264x128xf32>
    %get3A_3 = vector.shape_cast %get3A_2 : vector<1x1264x128xf32> to vector<1264x128xf32>
    %get3A_4 = arith.constant 1 : index
    %get3A_5 = arith.constant 0 : index
    %get3A_6 = arith.constant 0 : index
    %get3A_7 = vector.load %arg0[%get3A_4, %get3A_5, %get3A_6] : memref<2x1264x128xf32, #tpu.memory_space<vmem>>, vector<1x1264x128xf32>
    %get3A_8 = vector.shape_cast %get3A_7 : vector<1x1264x128xf32> to vector<1264x128xf32>
    %add3A = arith.addf %get3A_3, %get3A_8 : vector<1264x128xf32>
    %get3A_9 = arith.constant 0 : index
    %get3A_10 = arith.constant 0 : index
    %get3A_11 = vector.load %arg1[%get3A_9, %get3A_10] : memref<1264x128xf32, #tpu.memory_space<vmem>>, vector<1264x128xf32>
    %add3A_12 = arith.addf %add3A, %get3A_11 : vector<1264x128xf32>
    %get3A_13 = arith.constant 0 : index
    %get3A_14 = arith.constant 0 : index
    %get3A_15 = vector.load %arg2[%get3A_13, %get3A_14] : memref<1264x128xf32, #tpu.memory_space<vmem>>, vector<1264x128xf32>
    %mul3A = arith.mulf %add3A_12, %get3A_15 : vector<1264x128xf32>
    %get3A_16 = arith.constant 0 : index
    %get3A_17 = arith.constant 0 : index
    %get3A_18 = vector.load %arg3[%get3A_16, %get3A_17] : memref<16x40xf32, #tpu.memory_space<vmem>>, vector<16x40xf32>
    %tile3A = tpu.concatenate %get3A_18, %get3A_18, %get3A_18, %get3A_18, %get3A_18, %get3A_18, %get3A_18, %get3A_18 in 0 : vector<16x40xf32>, vector<16x40xf32>, vector<16x40xf32>, vector<16x40xf32>, vector<16x40xf32>, vector<16x40xf32>, vector<16x40xf32>, vector<16x40xf32> -> vector<128x40xf32>
    %tile3A_19 = tpu.concatenate %tile3A, %tile3A, %tile3A, %tile3A, %tile3A, %tile3A, %tile3A, %tile3A in 1 : vector<128x40xf32>, vector<128x40xf32>, vector<128x40xf32>, vector<128x40xf32>, vector<128x40xf32>, vector<128x40xf32>, vector<128x40xf32>, vector<128x40xf32> -> vector<128x320xf32>
    %iota3A = tpu.iota {dimensions = array<i32: 0>} : vector<128x320xi32>
    %jit3A = arith.constant 16 : i32
    %div3A = vector.broadcast %jit3A : i32 to vector<128x320xi32>
    %div3A_20 = arith.divsi %iota3A, %div3A : vector<128x320xi32>
    %sign3A = arith.constant 0 : i32
    %sign3A_21 = vector.broadcast %sign3A : i32 to vector<128x320xi32>
    %sign3A_22 = arith.cmpi sgt, %iota3A, %sign3A_21 : vector<128x320xi32>
    %sign3A_23 = arith.extui %sign3A_22 : vector<128x320xi1> to vector<128x320xi32>
    %sign3A_24 = arith.constant 0 : i32
    %sign3A_25 = vector.broadcast %sign3A_24 : i32 to vector<128x320xi32>
    %sign3A_26 = arith.cmpi slt, %iota3A, %sign3A_25 : vector<128x320xi32>
    %sign3A_27 = arith.extui %sign3A_26 : vector<128x320xi1> to vector<128x320xi32>
    %sign3A_28 = arith.subi %sign3A_23, %sign3A_27 : vector<128x320xi32>
    %sign3A_29 = arith.constant 0 : i32
    %sign3A_30 = arith.cmpi sgt, %jit3A, %sign3A_29 : i32
    %sign3A_31 = arith.extui %sign3A_30 : i1 to i32
    %sign3A_32 = arith.constant 0 : i32
    %sign3A_33 = arith.cmpi slt, %jit3A, %sign3A_32 : i32
    %sign3A_34 = arith.extui %sign3A_33 : i1 to i32
    %sign3A_35 = arith.subi %sign3A_31, %sign3A_34 : i32
    %ne3A = vector.broadcast %sign3A_35 : i32 to vector<128x320xi32>
    %ne3A_36 = arith.cmpi ne, %sign3A_28, %ne3A : vector<128x320xi32>
    %rem3A = vector.broadcast %jit3A : i32 to vector<128x320xi32>
    %rem3A_37 = arith.remsi %iota3A, %rem3A : vector<128x320xi32>
    %ne3A_38 = arith.constant 0 : i32
    %ne3A_39 = vector.broadcast %ne3A_38 : i32 to vector<128x320xi32>
    %ne3A_40 = arith.cmpi ne, %rem3A_37, %ne3A_39 : vector<128x320xi32>
    %and3A = arith.andi %ne3A_36, %ne3A_40 : vector<128x320xi1>
    %sub3A = arith.constant 1 : i32
    %sub3A_41 = vector.broadcast %sub3A : i32 to vector<128x320xi32>
    %sub3A_42 = arith.subi %div3A_20, %sub3A_41 : vector<128x320xi32>
    %select_n3A = arith.select %and3A, %sub3A_42, %div3A_20 : vector<128x320xi1>, vector<128x320xi32>
    %iota3A_43 = tpu.iota {dimensions = array<i32: 1>} : vector<128x320xi32>
    %jit3A_44 = arith.constant 40 : i32
    %div3A_45 = vector.broadcast %jit3A_44 : i32 to vector<128x320xi32>
    %div3A_46 = arith.divsi %iota3A_43, %div3A_45 : vector<128x320xi32>
    %sign3A_47 = arith.constant 0 : i32
    %sign3A_48 = vector.broadcast %sign3A_47 : i32 to vector<128x320xi32>
    %sign3A_49 = arith.cmpi sgt, %iota3A_43, %sign3A_48 : vector<128x320xi32>
    %sign3A_50 = arith.extui %sign3A_49 : vector<128x320xi1> to vector<128x320xi32>
    %sign3A_51 = arith.constant 0 : i32
    %sign3A_52 = vector.broadcast %sign3A_51 : i32 to vector<128x320xi32>
    %sign3A_53 = arith.cmpi slt, %iota3A_43, %sign3A_52 : vector<128x320xi32>
    %sign3A_54 = arith.extui %sign3A_53 : vector<128x320xi1> to vector<128x320xi32>
    %sign3A_55 = arith.subi %sign3A_50, %sign3A_54 : vector<128x320xi32>
    %sign3A_56 = arith.constant 0 : i32
    %sign3A_57 = arith.cmpi sgt, %jit3A_44, %sign3A_56 : i32
    %sign3A_58 = arith.extui %sign3A_57 : i1 to i32
    %sign3A_59 = arith.constant 0 : i32
    %sign3A_60 = arith.cmpi slt, %jit3A_44, %sign3A_59 : i32
    %sign3A_61 = arith.extui %sign3A_60 : i1 to i32
    %sign3A_62 = arith.subi %sign3A_58, %sign3A_61 : i32
    %ne3A_63 = vector.broadcast %sign3A_62 : i32 to vector<128x320xi32>
    %ne3A_64 = arith.cmpi ne, %sign3A_55, %ne3A_63 : vector<128x320xi32>
    %rem3A_65 = vector.broadcast %jit3A_44 : i32 to vector<128x320xi32>
    %rem3A_66 = arith.remsi %iota3A_43, %rem3A_65 : vector<128x320xi32>
    %ne3A_67 = arith.constant 0 : i32
    %ne3A_68 = vector.broadcast %ne3A_67 : i32 to vector<128x320xi32>
    %ne3A_69 = arith.cmpi ne, %rem3A_66, %ne3A_68 : vector<128x320xi32>
    %and3A_70 = arith.andi %ne3A_64, %ne3A_69 : vector<128x320xi1>
    %sub3A_71 = arith.constant 1 : i32
    %sub3A_72 = vector.broadcast %sub3A_71 : i32 to vector<128x320xi32>
    %sub3A_73 = arith.subi %div3A_46, %sub3A_72 : vector<128x320xi32>
    %select_n3A_74 = arith.select %and3A_70, %sub3A_73, %div3A_46 : vector<128x320xi1>, vector<128x320xi32>
    %eq3A = arith.cmpi eq, %select_n3A, %select_n3A_74 : vector<128x320xi32>
    %jit3A_75 = arith.constant 0.000000e+00 : f32
    %broadcast_in_dim3A = vector.broadcast %jit3A_75 : f32 to vector<128x320xf32>
    %select_n3A_76 = arith.select %eq3A, %tile3A_19, %broadcast_in_dim3A : vector<128x320xi1>, vector<128x320xf32>
    %dot_general3A = arith.constant dense<0.000000e+00> : vector<1264x320xf32>
    %dot_general3A_77 = tpu.matmul %mul3A, %select_n3A_76, %dot_general3A {dimension_numbers = #tpu.dot_dimension_numbers<[1], [0], [0], [1], [0, 0, 1, 1], [], []>, transpose_lhs_hint = false} : vector<1264x128xf32>, vector<128x320xf32>, vector<1264x320xf32> -> vector<1264x320xf32>
    %get3A_78 = arith.constant 0 : index
    %get3A_79 = arith.constant 0 : index
    %get3A_80 = vector.load %arg4[%get3A_78, %get3A_79] : memref<1x40xf32, #tpu.memory_space<vmem>>, vector<1x40xf32>
    %tile3A_81 = tpu.concatenate %get3A_80, %get3A_80, %get3A_80, %get3A_80, %get3A_80, %get3A_80, %get3A_80, %get3A_80 in 1 : vector<1x40xf32>, vector<1x40xf32>, vector<1x40xf32>, vector<1x40xf32>, vector<1x40xf32>, vector<1x40xf32>, vector<1x40xf32>, vector<1x40xf32> -> vector<1x320xf32>
    %add3A_82 = vector.broadcast %tile3A_81 : vector<1x320xf32> to vector<1264x320xf32>
    %add3A_83 = arith.addf %dot_general3A_77, %add3A_82 : vector<1264x320xf32>
    %iota3A_84 = tpu.iota {dimensions = array<i32: 0>} : vector<320x320xi32>
    %jit3A_85 = arith.constant 40 : i32
    %div3A_86 = vector.broadcast %jit3A_85 : i32 to vector<320x320xi32>
    %div3A_87 = arith.divsi %iota3A_84, %div3A_86 : vector<320x320xi32>
    %sign3A_88 = arith.constant 0 : i32
    %sign3A_89 = vector.broadcast %sign3A_88 : i32 to vector<320x320xi32>
    %sign3A_90 = arith.cmpi sgt, %iota3A_84, %sign3A_89 : vector<320x320xi32>
    %sign3A_91 = arith.extui %sign3A_90 : vector<320x320xi1> to vector<320x320xi32>
    %sign3A_92 = arith.constant 0 : i32
    %sign3A_93 = vector.broadcast %sign3A_92 : i32 to vector<320x320xi32>
    %sign3A_94 = arith.cmpi slt, %iota3A_84, %sign3A_93 : vector<320x320xi32>
    %sign3A_95 = arith.extui %sign3A_94 : vector<320x320xi1> to vector<320x320xi32>
    %sign3A_96 = arith.subi %sign3A_91, %sign3A_95 : vector<320x320xi32>
    %sign3A_97 = arith.constant 0 : i32
    %sign3A_98 = arith.cmpi sgt, %jit3A_85, %sign3A_97 : i32
    %sign3A_99 = arith.extui %sign3A_98 : i1 to i32
    %sign3A_100 = arith.constant 0 : i32
    %sign3A_101 = arith.cmpi slt, %jit3A_85, %sign3A_100 : i32
    %sign3A_102 = arith.extui %sign3A_101 : i1 to i32
    %sign3A_103 = arith.subi %sign3A_99, %sign3A_102 : i32
    %ne3A_104 = vector.broadcast %sign3A_103 : i32 to vector<320x320xi32>
    %ne3A_105 = arith.cmpi ne, %sign3A_96, %ne3A_104 : vector<320x320xi32>
    %rem3A_106 = vector.broadcast %jit3A_85 : i32 to vector<320x320xi32>
    %rem3A_107 = arith.remsi %iota3A_84, %rem3A_106 : vector<320x320xi32>
    %ne3A_108 = arith.constant 0 : i32
    %ne3A_109 = vector.broadcast %ne3A_108 : i32 to vector<320x320xi32>
    %ne3A_110 = arith.cmpi ne, %rem3A_107, %ne3A_109 : vector<320x320xi32>
    %and3A_111 = arith.andi %ne3A_105, %ne3A_110 : vector<320x320xi1>
    %sub3A_112 = arith.constant 1 : i32
    %sub3A_113 = vector.broadcast %sub3A_112 : i32 to vector<320x320xi32>
    %sub3A_114 = arith.subi %div3A_87, %sub3A_113 : vector<320x320xi32>
    %select_n3A_115 = arith.select %and3A_111, %sub3A_114, %div3A_87 : vector<320x320xi1>, vector<320x320xi32>
    %iota3A_116 = tpu.iota {dimensions = array<i32: 1>} : vector<320x320xi32>
    %jit3A_117 = arith.constant 40 : i32
    %div3A_118 = vector.broadcast %jit3A_117 : i32 to vector<320x320xi32>
    %div3A_119 = arith.divsi %iota3A_116, %div3A_118 : vector<320x320xi32>
    %sign3A_120 = arith.constant 0 : i32
    %sign3A_121 = vector.broadcast %sign3A_120 : i32 to vector<320x320xi32>
    %sign3A_122 = arith.cmpi sgt, %iota3A_116, %sign3A_121 : vector<320x320xi32>
    %sign3A_123 = arith.extui %sign3A_122 : vector<320x320xi1> to vector<320x320xi32>
    %sign3A_124 = arith.constant 0 : i32
    %sign3A_125 = vector.broadcast %sign3A_124 : i32 to vector<320x320xi32>
    %sign3A_126 = arith.cmpi slt, %iota3A_116, %sign3A_125 : vector<320x320xi32>
    %sign3A_127 = arith.extui %sign3A_126 : vector<320x320xi1> to vector<320x320xi32>
    %sign3A_128 = arith.subi %sign3A_123, %sign3A_127 : vector<320x320xi32>
    %sign3A_129 = arith.constant 0 : i32
    %sign3A_130 = arith.cmpi sgt, %jit3A_117, %sign3A_129 : i32
    %sign3A_131 = arith.extui %sign3A_130 : i1 to i32
    %sign3A_132 = arith.constant 0 : i32
    %sign3A_133 = arith.cmpi slt, %jit3A_117, %sign3A_132 : i32
    %sign3A_134 = arith.extui %sign3A_133 : i1 to i32
    %sign3A_135 = arith.subi %sign3A_131, %sign3A_134 : i32
    %ne3A_136 = vector.broadcast %sign3A_135 : i32 to vector<320x320xi32>
    %ne3A_137 = arith.cmpi ne, %sign3A_128, %ne3A_136 : vector<320x320xi32>
    %rem3A_138 = vector.broadcast %jit3A_117 : i32 to vector<320x320xi32>
    %rem3A_139 = arith.remsi %iota3A_116, %rem3A_138 : vector<320x320xi32>
    %ne3A_140 = arith.constant 0 : i32
    %ne3A_141 = vector.broadcast %ne3A_140 : i32 to vector<320x320xi32>
    %ne3A_142 = arith.cmpi ne, %rem3A_139, %ne3A_141 : vector<320x320xi32>
    %and3A_143 = arith.andi %ne3A_137, %ne3A_142 : vector<320x320xi1>
    %sub3A_144 = arith.constant 1 : i32
    %sub3A_145 = vector.broadcast %sub3A_144 : i32 to vector<320x320xi32>
    %sub3A_146 = arith.subi %div3A_119, %sub3A_145 : vector<320x320xi32>
    %select_n3A_147 = arith.select %and3A_143, %sub3A_146, %div3A_119 : vector<320x320xi1>, vector<320x320xi32>
    %eq3A_148 = arith.cmpi eq, %select_n3A_115, %select_n3A_147 : vector<320x320xi32>
    %convert_element_type3A = arith.extui %eq3A_148 : vector<320x320xi1> to vector<320x320xi32>
    %convert_element_type3A_149 = arith.sitofp %convert_element_type3A : vector<320x320xi32> to vector<320x320xf32>
    %exp3A = math.exp %add3A_83 : vector<1264x320xf32>
    %dot_general3A_150 = arith.constant dense<0.000000e+00> : vector<1264x320xf32>
    %dot_general3A_151 = tpu.matmul %exp3A, %convert_element_type3A_149, %dot_general3A_150 {dimension_numbers = #tpu.dot_dimension_numbers<[1], [0], [0], [1], [0, 0, 1, 1], [], []>, transpose_lhs_hint = false} : vector<1264x320xf32>, vector<320x320xf32>, vector<1264x320xf32> -> vector<1264x320xf32>
    %log3A = math.log %dot_general3A_151 : vector<1264x320xf32>
    %sub3A_152 = arith.subf %add3A_83, %log3A : vector<1264x320xf32>
    %swap3A = arith.constant 0 : index
    %swap3A_153 = arith.constant 0 : index
    %swap3A_154 = vector.load %arg5[%swap3A, %swap3A_153] : memref<1264x320xf32, #tpu.memory_space<vmem>>, vector<1264x320xf32>
    tpu.vector_store %arg5[%swap3A, %swap3A_153], %sub3A_152 {strides = array<i32>} : memref<1264x320xf32, #tpu.memory_space<vmem>>, vector<1264x320xf32>,
    return
  }
}

</mosaic_0001>

<sc_bundles>
// kernel: kernel.10.cloned.1.call-start
scs
__scs_entry_jumppad:
0x0: {  	(pc) =	sbr.rel $0x88, $3  }
0x1: {  	(tag) =	ssettag $0x0;
	lr =	simm.s32 $0x1  }
0x2: {  	[smem:$0x3F9B] =	sst lr;
	_ =	strace $0xD0000000  }
0x3: {  	_ = 	snop  }
0x4: {  	_ = 	snop  }
0x5: {  	_ = 	snop  }
0x6: {  	_ = 	snop  }
0x7: {  	_ = 	snop  }
__scs_overlays_trampoline_lowered:
0x8: {  	[smem:$0x3FAA] =	sst s0  }
0x9: {  	[smem:$0x3FAB] =	sst s1  }
0xa: {  	[smem:$0x3FAC] =	sst s2  }
0xb: {  	[smem:$0x3FAD] =	sst s3  }
0xc: {  	[smem:$0x3FAE] =	sst s4  }
0xd: {  	[smem:$0x3FAF] =	sst s5  }
0xe: {  	[smem:$0x3FB0] =	sst s6  }
0xf: {  	[smem:$0x3FB1] =	sst s7  }
0x10: {  	[smem:$0x3FB2] =	sst s8  }
0x11: {  	[smem:$0x3FB3] =	sst s9;
	s0 =	simm.s32 @!p0 $0x0  }
0x12: {  	s1 =	sld [smem:$0x3F99];
	s0 =	simm.s32 @p0 $0x1  }
0x13: {  	[smem:$0x3FB4] =	sst s0;
	s0 =	simm.s32 @!p1 $0x0  }
0x14: {  	s2 =	sld [smem:$0x3F98];
	s0 =	simm.s32 @p1 $0x1  }
0x15: {  	[smem:$0x3FB5] =	sst s0;
	s0 =	simm.s32 @!p2 $0x0  }
0x16: {  	s3 =	sld [smem:$0x3FDB];
	s0 =	simm.s32 @p2 $0x1  }
0x17: {  	s4 =	simm.s32 $0x1BF5;
	[smem:$0x3FB7] =	sst s0  }
0x18: {  	s0 =	sld [smem:$0x3F9A];
	_ =	swait.ge [sflag:s4], $0x0  }
0x19: {  	s7 =	sld [smem:$0x3F9B]  }
0x1a: {  	s8 =	sadd.s32 $0xFFFFE003, lr  }
0x1b: {  	s9 =	sadd.s32 $0xFFFFFEF7, lr;
	s5 =	simm.s32 $0xFFFFFFFF;
	p2 =	slt.u32 s8, $0xFFFFF086  }
0x1c: {  	p1 =	slt.u32 s9, $0xF7A;
	s5 =	simm.s32 @!p2 $0x0  }
0x1d: {  	s5 =	simm.s32 @p1 $0x1;
	p0 =	seq.s32 s7, s2  }
0x1e: {  	s7 =	smul.u32 @!p0 $0xF7A, s2;
	p2 =	seq.s32 @!p0 s5, $0x0  }
0x1f: {  	s9 =	smul.u32 $0xF7A, s1;
	s8 =	simm.s32 @!p0 $0x1BF5;
	p2 =	por !p2, p0  }
0x20: {  	[sflag:s8] =	ssyncset.s32 @!p0 $0xFFFFF086;
	s6 =	sadd.s32 @!p0 s3, s7;
	s7 =	simm.s32 @!p0 $0x108  }
0x21: {  	s3 =	sadd.s32 s3, s9;
	s6 =	sadd.s32 @!p0 $0x88, s6;
	s7 =	simm.s32 @p2 $0x1082  }
0x22: {  	[simem:s7], [sflag:s8] =	dma.local @!p0 [hbm:s6], $0xF7A  }
0x23: {  	s9 =	sor.u32 $0xD0000000, s2;
	s6 =	simm.s32 $0x108;
	_ =	swait.ge @!p0 [sflag:s8], $0x0  }
0x24: {  	s3 =	sadd.s32 $0x88, s3;
	s6 =	simm.s32 @!p1 $0x1082;
	[sflag:s4] =	ssyncset.s32 $0xFFFFF086  }
0x25: {  	[simem:s6], [sflag:s4] =	dma.local [hbm:s3], $0xF7A  }
0x26: {  	[smem:$0x3F9B] =	sst s1;
	(tag) =	ssettag s2;
	_ =	strace s9  }
0x27: {  	s1 =	sld [smem:$0x3FAB]  }
0x28: {  	s2 =	sld [smem:$0x3FAC]  }
0x29: {  	s4 =	sld [smem:$0x3FAE]  }
0x2a: {  	p0 =	seq.s32 s5, $0x0;
	s5 =	sld [smem:$0x3FAF]  }
0x2b: {  	s6 =	sld [smem:$0x3FB0]  }
0x2c: {  	s7 =	sld [smem:$0x3FB1]  }
0x2d: {  	s3 =	simm.s32 $0x108;
	s8 =	sld [smem:$0x3FB2]  }
0x2e: {  	s3 =	simm.s32 @!p0 $0x1082;
	s9 =	sld [smem:$0x3FB3]  }
0x2f: {  	lr =	sadd.s32 s0, s3;
	s0 =	sld [smem:$0x3FAA]  }
0x30: {  	s3 =	sld [smem:$0x3FAD]  }
0x31: {  	[smem:$0x3FB6] =	sst s10  }
0x32: {  	s10 =	sld [smem:$0x3FB4];
	_ =	sdelay $0x3  }
0x33: {  	p0 =	seq.s32 s10, $0x1;
	s10 =	sld [smem:$0x3FB6];
	_ =	sdelay $0x3  }
0x34: {  	[smem:$0x3FB6] =	sst s10  }
0x35: {  	s10 =	sld [smem:$0x3FB5];
	_ =	sdelay $0x3  }
0x36: {  	p1 =	seq.s32 s10, $0x1;
	s10 =	sld [smem:$0x3FB6];
	_ =	sdelay $0x3  }
0x37: {  	[smem:$0x3FB6] =	sst s10  }
0x38: {  	s10 =	sld [smem:$0x3FB7]  }
0x39: {  	_ = 	snop;
	(pc) =	sbr.ind lr, $3  }
0x3a: {  	_ = 	snop  }
0x3b: {  	_ = 	snop  }
0x3c: {  	p2 =	seq.s32 s10, $0x1;
	s10 =	sld [smem:$0x3FB6]  }
0x3d: {  	_ =	shalt  }
0x3e: {  	_ =	shalt  }
0x3f: {  	_ =	shalt  }
0x40: {  	_ =	shalt  }
0x41: {  	_ =	shalt  }
0x42: {  	_ =	shalt  }
0x43: {  	_ =	shalt  }
0x44: {  	_ =	shalt  }
0x45: {  	_ =	shalt  }
0x46: {  	_ =	shalt  }
0x47: {  	_ =	shalt  }
0x48: {  	_ =	shalt  }
0x49: {  	_ =	shalt  }
0x4a: {  	_ =	shalt  }
0x4b: {  	_ =	shalt  }
0x4c: {  	_ =	shalt  }
0x4d: {  	_ =	shalt  }
0x4e: {  	_ =	shalt  }
0x4f: {  	_ =	shalt  }
0x50: {  	_ =	shalt  }
0x51: {  	_ =	shalt  }
0x52: {  	_ =	shalt  }
0x53: {  	_ =	shalt  }
0x54: {  	_ =	shalt  }
0x55: {  	_ =	shalt  }
0x56: {  	_ =	shalt  }
0x57: {  	_ =	shalt  }
0x58: {  	_ =	shalt  }
0x59: {  	_ =	shalt  }
0x5a: {  	_ =	shalt  }
0x5b: {  	_ =	shalt  }
0x5c: {  	_ =	shalt  }
0x5d: {  	_ =	shalt  }
0x5e: {  	_ =	shalt  }
0x5f: {  	_ =	shalt  }
0x60: {  	_ =	shalt  }
0x61: {  	_ =	shalt  }
0x62: {  	_ =	shalt  }
0x63: {  	_ =	shalt  }
0x64: {  	_ =	shalt  }
0x65: {  	_ =	shalt  }
0x66: {  	_ =	shalt  }
0x67: {  	_ =	shalt  }
0x68: {  	_ =	shalt  }
0x69: {  	_ =	shalt  }
0x6a: {  	_ =	shalt  }
0x6b: {  	_ =	shalt  }
0x6c: {  	_ =	shalt  }
0x6d: {  	_ =	shalt  }
0x6e: {  	_ =	shalt  }
0x6f: {  	_ =	shalt  }
0x70: {  	_ =	shalt  }
0x71: {  	_ =	shalt  }
0x72: {  	_ =	shalt  }
0x73: {  	_ =	shalt  }
0x74: {  	_ =	shalt  }
0x75: {  	_ =	shalt  }
0x76: {  	_ =	shalt  }
0x77: {  	_ =	shalt  }
0x78: {  	_ =	shalt  }
0x79: {  	_ =	shalt  }
0x7a: {  	_ =	shalt  }
0x7b: {  	_ =	shalt  }
0x7c: {  	_ =	shalt  }
0x7d: {  	_ =	shalt  }
0x7e: {  	_ =	shalt  }
0x7f: {  	_ =	shalt  }
0x80: {  	_ =	shalt  }
0x81: {  	_ =	shalt  }
0x82: {  	_ =	shalt  }
0x83: {  	_ =	shalt  }
0x84: {  	_ =	shalt  }
0x85: {  	_ =	shalt  }
0x86: {  	_ =	shalt  }
0x87: {  	_ =	shalt  }
.Lfunc_end0:
.L_simem_size_0:
called_computation.1_lowered:
.L_overlay_start_0:
0x88: {  	s2 =	sld [smem:$0x3FD9]  }
0x89: {  	s3 =	sld [smem:$0x3FFE];
	_ =	sdelay $0x1  }
0x8a: {  	s1 =	srdreg.scid  }
0x8b: {  	s0 =	sand.u32 $0x1, s1  }
0x8c: {  	s16 =	sshll.u32 s0, $0xA;
	s2 =	sadd.s32 s3, s2  }
0x8d: {  	s2 =	sadd.s32 s2, s16  }
0x8e: {  	[smem:$0x3FC2] =	sst s2  }
0x8f: {  	_ = 	snop  }
0x90: {  	(tm) =	ssettm $0x1  }
0x91: {  	s17 =	sld [smem:$0x3FFB];
	_ =	sdelay $0x3  }
0x92: {  	_ =	strace s17  }
0x93: {  	s2 =	sld [smem:$0x3FFC];
	_ =	sdelay $0x3  }
0x94: {  	_ =	strace s2  }
0x95: {  	s2 =	sld [smem:$0x3FFD];
	_ =	sdelay $0x3  }
0x96: {  	_ =	strace s2  }
0x97: {  	_ =	strace $0x8FFFFFFF  }
0x98: {  	s18 =	sld [smem:$0x3FDB];
	_ =	sdelay $0x1  }
0x99: {  	s19 =	simm.s32 $_scs_section_size  }
0x9a: {  	s4 =	simm.s32 $_size__tile_overlayer_lowered;
	s5 =	simm.s32 $_tile_overlayer_lowered  }
0x9b: {  	s22 =	simm.s32 $0x1BFF;
	s21 =	sshll.u32 s5, $0x1;
	s2 =	sadd.s32 s19, s18  }
0x9c: {  	s6 =	simm.s32 $0x0;
	s20 =	sshll.u32 s4, $0x1;
	s4 =	sadd.s32 s21, s2  }
0x9d: {  	[timem:s6], [sflag:s22] =	dma.local [hbm:s4], s20  }
0x9e: {  	_ =	swait.ge [sflag:s22], s20  }
0x9f: {  	s3 =	ssub.s32 $0x0, s20;
	[sflag:s22] =	ssyncset.done $0x0  }
0xa0: {  	[sflag:s22] =	ssyncadd.s32 s3;
	_ =	sdelay $0x1  }
0xa1: {  	s23 =	simm.s32 $0x1B8B  }
0xa2: {  	_ =	swait.ge [sflag:s23], $0x1  }
0xa3: {  	[sflag:s23] =	ssyncset.done $0x0  }
0xa4: {  	s25 =	simm.s32 $0x1B8E;
	s24 =	sld [smem:$0x3FFE];
	[sflag:s23] =	ssyncadd.s32 $0xFFFFFFFF  }
0xa5: {  	s26 =	simm.s32 $execute0_lowered;
	[smem:$0x3FD2] =	sst s25  }
0xa6: {  	s4 =	sshll.u32 s26, $0x1;
	_ =	strace $0x80000049;
	[dreg:$0x1] =	wrdreg $0xFFFFFFFF  }
0xa7: {  	s28 =	simm.s32 $_size_execute0_lowered;
	s2 =	sadd.s32 s2, s4;
	[dreg:$0x0] =	wrdreg $0x0  }
0xa8: {  	s4 =	sshll.u32 s28, $0x1;
	[dreg:$0x2] =	wrdreg s2  }
0xa9: {  	[dreg:$0x3] =	wrdreg s4  }
0xaa: {  	[dreg:$0x4] =	wrdreg $0xC0  }
0xab: {  	_ =	task [dreg:s6], $0x5FFFF  }
0xac: {  	[dreg:$0x1] =	wrdreg $0xFFFFFFFF  }
0xad: {  	[dreg:$0x0] =	wrdreg $0x60  }
0xae: {  	[dreg:$0x2] =	wrdreg s24  }
0xaf: {  	[dreg:$0x3] =	wrdreg $0x86800  }
0xb0: {  	[dreg:$0x4] =	wrdreg $0xAE000  }
0xb1: {  	[dreg:$0x5] =	wrdreg $0x9  }
0xb2: {  	_ =	task.clear_ibuf [dreg:s6], $0x6FFFF;
	_ =	strace $0x90000049  }
0xb3: {  	s29 =	simm.s32 $0x9;
	_ =	strace $0x8000004B  }
0xb4: {  	_ =	swait.ge [sflag:s29], $0x1  }
0xb5: {  	[sflag:s29] =	ssyncadd.s32 $0xFFFFFFFF  }
0xb6: {  	_ =	strace $0x9000004B  }
0xb7: {  	_ =	sfence  }
0xb8: {  	s30 =	sld [smem:$0x0];
	_ =	sdelay $0x2  }
0xb9: {  	s31 =	sshll.u32 s1, $0xD;
	s1 =	sshrl.u32 s1, $0x2  }
0xba: {  	s3 =	sand.u32 $0x4000, s31;
	s1 =	sadd.s32 s1, s30  }
0xbb: {  	s0 =	sor.u32 s3, s0;
	s1 =	sshll.u32 s1, $0x11  }
0xbc: {  	s0 =	sor.u32 s1, s0  }
0xbd: {  	s0 =	sadd.s32 $0x8F2B, s0  }
0xbe: {  	[sflag:s0] =	ssyncadd.remote.s32 $0x1  }
0xbf: {  	_ =	sfence.sel $0xFFFF  }
0xc0: {  	[dreg:$0x0] =	wrdreg $0xFFFFFFFF;
	(pc) =	sbr.abs _section_cstart, $3  }
0xc1: {  	[dreg:$0x1] =	wrdreg $0xFFFFFFFF  }
0xc2: {  	_ =	task.clear_ibuf [dreg:s6], $0x2FFFF;
	_ =	strace $0x9FFFFFFF  }
0xc3: {  	(tm) =	ssettm $0x7FFFFFFF  }
tec
execute0_lowered:
.L_overlay_start_1:
0x0: {  	(tag) =	ssettag $0x1  }
0x1: {  	s9 =	rddreg [dreg:$0x0]  }
0x2: {  	s2 =	rddreg [dreg:$0x1]  }
0x3: {  	s3 =	rddreg [dreg:$0x2]  }
0x4: {  	s0 =	rddreg [dreg:$0x3];
	s1 =	stileid.u32  }
0x5: {  	s5 =	srdreg.scid;
	s4 =	simm.s32 $0x0;
	s15 =	simm.s32 $0x5F00  }
0x6: {  	s16 =	simm.s32 $0x5;
	s17 =	simm.s32 $0x2780;
	s18 =	simm.s32 $0x80  }
0x7: {  	s19 =	simm.s32 $0x4F00;
	s20 =	simm.s32 $0x5700;
	s21 =	simm.s32 $0x2  }
0x8: {  	s22 =	simm.s32 $0x2800;
	s23 =	simm.s32 $0x3;
	s24 =	simm.s32 $0x4  }
0x9: {  	s8 =	smul.u32 $0x2780, s1;
	s5 =	sand.u32 $0x1, s5;
	[smem:$0x7FF] =	sst s4  }
0xa: {  	s6 =	smul.u32 $0x27800, s5;
	_ =	strace $0x8000004A;
	s10 =	sshll.u32 s5, $0x4  }
0xb: {  	s5 =	ssub.s32 $0x2, s5;
	s7 =	sshrl.u32 s8, $0x3;
	s25 =	sor.u32 s1, s10  }
0xc: {  	s31 =	sshrl.u32 s5, $0x1;
	s14 =	sadd.s32 s8, s2;
	s7 =	sadd.s32 s7, s9  }
0xd: {  	s6 =	sadd.s32 s8, s6;
	s10 =	smul.u32 $0x4E, s25;
	s12 =	smax.u32 s25, $0x1C  }
0xe: {  	s13 =	ssub.s32 s5, s31;
	s8 =	sadd.s32 s8, s3;
	p0 =	slt.u32 s25, $0x1C  }
0xf: {  	s25 =	simm.s32 $0x0;
	s6 =	sshrl.u32 s6, $0x3;
	s5 =	sadd.s32 $0x16600, s7  }
0x10: {  	s11 =	sadd.s32 s6, s9;
	s10 =	sadd.s32 s10, s12;
	s6 =	sshll.u32 s1, $0x6  }
0x11: {  	s12 =	smax.u32 s13, $0x1;
	s13 =	sshrl.u32 s14, $0x3;
	s10 =	sshll.u32 s10, $0x4  }
0x12: {  	s14 =	simm.s32 $0x1;
	s7 =	sor.u32 $0x1C01, s6;
	s10 =	sadd.s32 s9, s10  }
0x13: {  	v0 =	vimm.f32 $0.0e+00;
	s11 =	sadd.s32 $0x20600, s11;
	s9 =	sadd.s32 $0x2A40, s10;
	s10 =	sadd.s32 $0xC680, s10  }
.LBB2_1:
0x14: {  	[spmem:s13], [sflag:s7] =	dma.local [hbm:s5], $0x4F0  }
0x15: {  	s26 =	simm.s32 $0x40;
	s28 =	simm.s32 $0x0  }
.LBB2_2:
0x16: {  	p1 =	sne.s32 s26, $0x9DC0;
	[tilespmem:s28+$0x5F00] =	vst v0;
	s28 =	smov.u32 s26;
	s26 =	sadd.s32 $0x40, s26  }
.Ltmp0:
0x17: {  	(pc) =	sbr.rel @p1 .LBB2_2-.Ltmp0, $2  }
0x18: {  	_ =	sdelay $0x2  }
0x19: {  	s28 =	sshra.s32 s28, $0x2  }
0x1a: {  	[tilespmem:s28+$0x5F00] =	vst v0  }
0x1b: {  	_ =	swait.ge [sflag:s14], $0x4F0  }
0x1c: {  	[sflag:s14] =	ssyncset.done $0x0  }
0x1d: {  	[sflag:s14] =	ssyncadd.s32 $0xFFFFFB10  }
0x1e: {  	[spmem:s8] =	stream.linear.scatter [tilespmem:s15], [sflag:$0x5], $0x2780, $0x38;
	[tilespmem:$0xD580] =	vst v63  }
0x1f: {  	_ =	swait.ge [sflag:s16], $0x2780  }
0x20: {  	[sflag:s16] =	ssyncset.done $0x0  }
0x21: {  	[sflag:s16] =	ssyncadd.s32 $0xFFFFD880  }
0x22: {  	[bflag:$0x0] =	sbarrier.arrive $0xFFFF  }
0x23: {  	[tilespmem:s4], [sflag:$0x5] =	stream.linear.gather [hbm4b:s9+s4], $0x2780, $0x38;
	[tilespmem:$0xD580] =	vst v63  }
0x24: {  	_ =	swait.ge [sflag:s16], $0x2780  }
0x25: {  	[sflag:s16] =	ssyncset.done $0x0  }
0x26: {  	[sflag:s16] =	ssyncadd.s32 $0xFFFFD880  }
0x27: {  	[tilespmem:s17], [sflag:$0x5] =	stream.linear.gather [hbm4b:s10+s4], $0x2780, $0x38;
	[tilespmem:$0xD580] =	vst v63  }
0x28: {  	_ =	swait.ge [sflag:s16], $0x2780  }
0x29: {  	[sflag:s16] =	ssyncset.done $0x0  }
0x2a: {  	[sflag:s16] =	ssyncadd.s32 $0xFFFFD880  }
0x2b: {  	[tilespmem:s19], [sflag:$0x1] =	stream.indirect.gather [spmem:s2], $0x10, s4, s18, $0xb8;
	[tilespmem:$0xD580] =	vst v63  }
0x2c: {  	_ = 	snop  }
0x2d: {  	[tilespmem:s20], [sflag:$0x2] =	stream.indirect.gather [spmem:s2], $0x10, s18, s18, $0xb8;
	[tilespmem:$0xD580] =	vst v63  }
0x2e: {  	_ =	swait.ge [sflag:s14], $0x800  }
0x2f: {  	[sflag:s14] =	ssyncset.done $0x0  }
0x30: {  	[sflag:s14] =	ssyncadd.s32 $0xFFFFF800  }
0x31: {  	[spmem:s3] =	stream.indirect.scatter.add.f32 [tilespmem:s19], [sflag:$0x3], $0x10, s17, s18, $0xb8;
	[tilespmem:$0xD580] =	vst v63  }
0x32: {  	_ =	swait.ge [sflag:s21], $0x800  }
0x33: {  	[sflag:s21] =	ssyncset.done $0x0  }
0x34: {  	[sflag:s21] =	ssyncadd.s32 $0xFFFFF800  }
0x35: {  	[spmem:s3] =	stream.indirect.scatter.add.f32 [tilespmem:s20], [sflag:$0x4], $0x10, s22, s18, $0xb8;
	[tilespmem:$0xD580] =	vst v63  }
0x36: {  	_ =	swait.ge [sflag:s23], $0x800  }
0x37: {  	[sflag:s23] =	ssyncset.done $0x0  }
0x38: {  	s26 =	simm.s32 $0x100;
	[sflag:s23] =	ssyncadd.s32 $0xFFFFF800  }
0x39: {  	[tilespmem:s19], [sflag:$0x1] =	stream.indirect.gather [spmem:s2], $0x10, s26, s18, $0xb8;
	[tilespmem:$0xD580] =	vst v63  }
0x3a: {  	_ =	swait.ge [sflag:s14], $0x800  }
0x3b: {  	[sflag:s14] =	ssyncset.done $0x0  }
0x3c: {  	s30 =	simm.s32 $0x2880;
	[sflag:s14] =	ssyncadd.s32 $0xFFFFF800  }
0x3d: {  	[spmem:s3] =	stream.indirect.scatter.add.f32 [tilespmem:s19], [sflag:$0x3], $0x10, s30, s18, $0xb8;
	[tilespmem:$0xD580] =	vst v63  }
0x3e: {  	_ =	swait.ge [sflag:s24], $0x800  }
0x3f: {  	[sflag:s24] =	ssyncset.done $0x0  }
0x40: {  	s31 =	simm.s32 $0x180;
	[sflag:s24] =	ssyncadd.s32 $0xFFFFF800  }
0x41: {  	[tilespmem:s20], [sflag:$0x2] =	stream.indirect.gather [spmem:s2], $0x10, s31, s18, $0xb8;
	[tilespmem:$0xD580] =	vst v63  }
0x42: {  	_ =	swait.ge [sflag:s21], $0x800  }
0x43: {  	[sflag:s21] =	ssyncset.done $0x0  }
0x44: {  	s28 =	simm.s32 $0x2900;
	s26 =	simm.s32 $0xFFFF6C00;
	[sflag:s21] =	ssyncadd.s32 $0xFFFFF800  }
.LBB2_4:
0x45: {  	[spmem:s3] =	stream.indirect.scatter.add.f32 [tilespmem:s20], [sflag:$0x4], $0x10, s28, s18, $0xb8;
	[tilespmem:$0xD580] =	vst v63  }
0x46: {  	s28 =	smov.u32 s26  }
0x47: {  	p1 =	sne.s32 s26, $0xFFFFFC00;
	s26 =	sadd.s32 $0x400, s26;
	_ =	swait.ge [sflag:s23], $0x800  }
0x48: {  	s28 =	sshra.s32 s28, $0x2;
	[sflag:s23] =	ssyncset.done $0x0  }
0x49: {  	s29 =	sadd.s32 $0x2700, s28;
	[sflag:s23] =	ssyncadd.s32 $0xFFFFF800  }
0x4a: {  	[tilespmem:s19], [sflag:$0x1] =	stream.indirect.gather [spmem:s2], $0x10, s29, s18, $0xb8;
	[tilespmem:$0xD580] =	vst v63  }
0x4b: {  	_ =	swait.ge [sflag:s14], $0x800  }
0x4c: {  	[sflag:s14] =	ssyncset.done $0x0  }
0x4d: {  	s29 =	sadd.s32 $0x4E80, s28;
	[sflag:s14] =	ssyncadd.s32 $0xFFFFF800  }
0x4e: {  	[spmem:s3] =	stream.indirect.scatter.add.f32 [tilespmem:s19], [sflag:$0x3], $0x10, s29, s18, $0xb8;
	[tilespmem:$0xD580] =	vst v63  }
0x4f: {  	_ =	swait.ge [sflag:s24], $0x800  }
0x50: {  	[sflag:s24] =	ssyncset.done $0x0  }
.Ltmp1:
0x51: {  	s29 =	sadd.s32 $0x2780, s28;
	[sflag:s24] =	ssyncadd.s32 $0xFFFFF800;
	(pc) =	sbr.rel @p1 .LBB2_4-.Ltmp1, $4  }
0x52: {  	[tilespmem:s20], [sflag:$0x2] =	stream.indirect.gather [spmem:s2], $0x10, s29, s18, $0xb8;
	[tilespmem:$0xD580] =	vst v63  }
0x53: {  	_ =	swait.ge [sflag:s21], $0x800  }
0x54: {  	[sflag:s21] =	ssyncset.done $0x0  }
0x55: {  	s28 =	sadd.s32 $0x4F00, s28;
	[sflag:s21] =	ssyncadd.s32 $0xFFFFF800  }
0x56: {  	[spmem:s3] =	stream.indirect.scatter.add.f32 [tilespmem:s20], [sflag:$0x4], $0x10, s28, s18, $0xb8;
	[tilespmem:$0xD580] =	vst v63  }
0x57: {  	_ =	swait.ge [sflag:s23], $0x800  }
0x58: {  	[sflag:s23] =	ssyncset.done $0x0  }
0x59: {  	[sflag:s23] =	ssyncadd.s32 $0xFFFFF800  }
0x5a: {  	_ =	swait.ge [sflag:s24], $0x800  }
0x5b: {  	s26 =	simm.s32 @!p0 $0x80;
	[sflag:s24] =	ssyncset.done $0x0  }
0x5c: {  	s28 =	simm.s32 @!p0 $0x2700;
	s29 =	simm.s32 @!p0 $0x4F00;
	[sflag:s24] =	ssyncadd.s32 $0xFFFFF800  }
0x5d: {  	[tilespmem:s29], [sflag:$0x1] =	stream.indirect.gather @!p0 [spmem:s2], $0x10, s28, s26, $0xb8;
	[tilespmem:$0xD580] =	vst v63  }
0x5e: {  	s28 =	simm.s32 @!p0 $0x1  }
0x5f: {  	_ =	swait.ge @!p0 [sflag:s28], $0x800  }
0x60: {  	[sflag:s28] =	ssyncset.done @!p0 $0x0  }
0x61: {  	[sflag:s28] =	ssyncadd.s32 @!p0 $0xFFFFF800;
	s28 =	simm.s32 @!p0 $0x4E80  }
0x62: {  	[spmem:s3] =	stream.indirect.scatter.add.f32 @!p0 [tilespmem:s29], [sflag:$0x5], $0x10, s28, s26, $0xb8;
	[tilespmem:$0xD580] =	vst v63  }
0x63: {  	s26 =	simm.s32 @!p0 $0x5  }
0x64: {  	_ =	swait.ge @!p0 [sflag:s26], $0x800  }
0x65: {  	s25 =	sadd.s32 $0x1, s25;
	[sflag:s26] =	ssyncset.done @!p0 $0x0  }
0x66: {  	s30 =	sor.u32 $0x1C05, s6;
	p1 =	sne.s32 s25, s12;
	[sflag:s26] =	ssyncadd.s32 @!p0 $0xFFFFF800  }
.Ltmp2:
0x67: {  	s31 =	sshrl.u32 s8, $0x3;
	[bflag:$0x0] =	sbarrier.arrive $0xFFFF;
	(pc) =	sbr.rel @p1 .LBB2_1-.Ltmp2, $4  }
0x68: {  	[hbm:s11], [sflag:s30] =	dma.local [spmem:s31], $0x4F0  }
0x69: {  	_ =	swait.ge [sflag:s16], $0x4F0  }
0x6a: {  	[sflag:s16] =	ssyncset.done $0x0  }
0x6b: {  	[sflag:s16] =	ssyncadd.s32 $0xFFFFFB10  }
0x6c: {  	_ =	sfence.sel $0x180000  }
0x6d: {  	[bflag:$0x0] =	sbarrier.arrive $0xFFFF  }
0x6e: {  	p0 =	sne.s32 s1, $0x0;
	_ =	strace $0x9000004A  }
0x6f: {  	s0 =	sadd.s32 @!p0 $0x100000, s0;
	[bflag:$0x2] =	sbarrier.arrive $0xFFFF  }
0x70: {  	[sflag:s0] =	ssyncadd.tile.s32 @!p0 $0x1;
	_ =	shalt  }
.Lfunc_end2:
_tile_overlayer_lowered:
.L_overlay_start_2:
0x71: {  	(tag) =	ssettag $0x2  }
0x72: {  	s0 =	rddreg [dreg:$0x0];
	s2 =	stileid.u32  }
0x73: {  	s1 =	rddreg [dreg:$0x1];
	p0 =	sne.s32 s2, $0x0  }
0x74: {  	s3 =	rddreg [dreg:$0x2];
	[bflag:$0x3] =	sbarrier.arrive $0xFFFF;
	s2 =	simm.s32 @!p0 $0x1C05  }
0x75: {  	[timem:s3], [sflag:s2] =	dma.local @!p0 [hbm:s0], s1  }
0x76: {  	s0 =	simm.s32 @!p0 $0x5  }
0x77: {  	_ =	swait.ge @!p0 [sflag:s0], s1  }
0x78: {  	s1 =	ssub.s32 @!p0 $0x0, s1;
	[sflag:s0] =	ssyncset.done @!p0 $0x0  }
0x79: {  	[sflag:s0] =	ssyncadd.s32 @!p0 s1  }
0x7a: {  	[bflag:$0x3] =	sbarrier.arrive $0xFFFF  }
0x7b: {  	_ =	shalt  }

// kernel: kernel.13.cloned.1.call-start
scs
__scs_entry_jumppad:
0x0: {  	(pc) =	sbr.rel $0x88, $3  }
0x1: {  	(tag) =	ssettag $0x0;
	lr =	simm.s32 $0x1  }
0x2: {  	[smem:$0x3F9B] =	sst lr;
	_ =	strace $0xD0000000  }
0x3: {  	_ = 	snop  }
0x4: {  	_ = 	snop  }
0x5: {  	_ = 	snop  }
0x6: {  	_ = 	snop  }
0x7: {  	_ = 	snop  }
__scs_overlays_trampoline_lowered:
0x8: {  	[smem:$0x3FAA] =	sst s0  }
0x9: {  	[smem:$0x3FAB] =	sst s1  }
0xa: {  	[smem:$0x3FAC] =	sst s2  }
0xb: {  	[smem:$0x3FAD] =	sst s3  }
0xc: {  	[smem:$0x3FAE] =	sst s4  }
0xd: {  	[smem:$0x3FAF] =	sst s5  }
0xe: {  	[smem:$0x3FB0] =	sst s6  }
0xf: {  	[smem:$0x3FB1] =	sst s7  }
0x10: {  	[smem:$0x3FB2] =	sst s8  }
0x11: {  	[smem:$0x3FB3] =	sst s9;
	s0 =	simm.s32 @!p0 $0x0  }
0x12: {  	s1 =	sld [smem:$0x3F99];
	s0 =	simm.s32 @p0 $0x1  }
0x13: {  	[smem:$0x3FB4] =	sst s0;
	s0 =	simm.s32 @!p1 $0x0  }
0x14: {  	s2 =	sld [smem:$0x3F98];
	s0 =	simm.s32 @p1 $0x1  }
0x15: {  	[smem:$0x3FB5] =	sst s0;
	s0 =	simm.s32 @!p2 $0x0  }
0x16: {  	s3 =	sld [smem:$0x3FDB];
	s0 =	simm.s32 @p2 $0x1  }
0x17: {  	s4 =	simm.s32 $0x1BF5;
	[smem:$0x3FB7] =	sst s0  }
0x18: {  	s0 =	sld [smem:$0x3F9A];
	_ =	swait.ge [sflag:s4], $0x0  }
0x19: {  	s7 =	sld [smem:$0x3F9B]  }
0x1a: {  	s8 =	sadd.s32 $0xFFFFE003, lr  }
0x1b: {  	s9 =	sadd.s32 $0xFFFFFEF7, lr;
	s5 =	simm.s32 $0xFFFFFFFF;
	p2 =	slt.u32 s8, $0xFFFFF086  }
0x1c: {  	p1 =	slt.u32 s9, $0xF7A;
	s5 =	simm.s32 @!p2 $0x0  }
0x1d: {  	s5 =	simm.s32 @p1 $0x1;
	p0 =	seq.s32 s7, s2  }
0x1e: {  	s7 =	smul.u32 @!p0 $0xF7A, s2;
	p2 =	seq.s32 @!p0 s5, $0x0  }
0x1f: {  	s9 =	smul.u32 $0xF7A, s1;
	s8 =	simm.s32 @!p0 $0x1BF5;
	p2 =	por !p2, p0  }
0x20: {  	[sflag:s8] =	ssyncset.s32 @!p0 $0xFFFFF086;
	s6 =	sadd.s32 @!p0 s3, s7;
	s7 =	simm.s32 @!p0 $0x108  }
0x21: {  	s3 =	sadd.s32 s3, s9;
	s6 =	sadd.s32 @!p0 $0x88, s6;
	s7 =	simm.s32 @p2 $0x1082  }
0x22: {  	[simem:s7], [sflag:s8] =	dma.local @!p0 [hbm:s6], $0xF7A  }
0x23: {  	s9 =	sor.u32 $0xD0000000, s2;
	s6 =	simm.s32 $0x108;
	_ =	swait.ge @!p0 [sflag:s8], $0x0  }
0x24: {  	s3 =	sadd.s32 $0x88, s3;
	s6 =	simm.s32 @!p1 $0x1082;
	[sflag:s4] =	ssyncset.s32 $0xFFFFF086  }
0x25: {  	[simem:s6], [sflag:s4] =	dma.local [hbm:s3], $0xF7A  }
0x26: {  	[smem:$0x3F9B] =	sst s1;
	(tag) =	ssettag s2;
	_ =	strace s9  }
0x27: {  	s1 =	sld [smem:$0x3FAB]  }
0x28: {  	s2 =	sld [smem:$0x3FAC]  }
0x29: {  	s4 =	sld [smem:$0x3FAE]  }
0x2a: {  	p0 =	seq.s32 s5, $0x0;
	s5 =	sld [smem:$0x3FAF]  }
0x2b: {  	s6 =	sld [smem:$0x3FB0]  }
0x2c: {  	s7 =	sld [smem:$0x3FB1]  }
0x2d: {  	s3 =	simm.s32 $0x108;
	s8 =	sld [smem:$0x3FB2]  }
0x2e: {  	s3 =	simm.s32 @!p0 $0x1082;
	s9 =	sld [smem:$0x3FB3]  }
0x2f: {  	lr =	sadd.s32 s0, s3;
	s0 =	sld [smem:$0x3FAA]  }
0x30: {  	s3 =	sld [smem:$0x3FAD]  }
0x31: {  	[smem:$0x3FB6] =	sst s10  }
0x32: {  	s10 =	sld [smem:$0x3FB4];
	_ =	sdelay $0x3  }
0x33: {  	p0 =	seq.s32 s10, $0x1;
	s10 =	sld [smem:$0x3FB6];
	_ =	sdelay $0x3  }
0x34: {  	[smem:$0x3FB6] =	sst s10  }
0x35: {  	s10 =	sld [smem:$0x3FB5];
	_ =	sdelay $0x3  }
0x36: {  	p1 =	seq.s32 s10, $0x1;
	s10 =	sld [smem:$0x3FB6];
	_ =	sdelay $0x3  }
0x37: {  	[smem:$0x3FB6] =	sst s10  }
0x38: {  	s10 =	sld [smem:$0x3FB7]  }
0x39: {  	_ = 	snop;
	(pc) =	sbr.ind lr, $3  }
0x3a: {  	_ = 	snop  }
0x3b: {  	_ = 	snop  }
0x3c: {  	p2 =	seq.s32 s10, $0x1;
	s10 =	sld [smem:$0x3FB6]  }
0x3d: {  	_ =	shalt  }
0x3e: {  	_ =	shalt  }
0x3f: {  	_ =	shalt  }
0x40: {  	_ =	shalt  }
0x41: {  	_ =	shalt  }
0x42: {  	_ =	shalt  }
0x43: {  	_ =	shalt  }
0x44: {  	_ =	shalt  }
0x45: {  	_ =	shalt  }
0x46: {  	_ =	shalt  }
0x47: {  	_ =	shalt  }
0x48: {  	_ =	shalt  }
0x49: {  	_ =	shalt  }
0x4a: {  	_ =	shalt  }
0x4b: {  	_ =	shalt  }
0x4c: {  	_ =	shalt  }
0x4d: {  	_ =	shalt  }
0x4e: {  	_ =	shalt  }
0x4f: {  	_ =	shalt  }
0x50: {  	_ =	shalt  }
0x51: {  	_ =	shalt  }
0x52: {  	_ =	shalt  }
0x53: {  	_ =	shalt  }
0x54: {  	_ =	shalt  }
0x55: {  	_ =	shalt  }
0x56: {  	_ =	shalt  }
0x57: {  	_ =	shalt  }
0x58: {  	_ =	shalt  }
0x59: {  	_ =	shalt  }
0x5a: {  	_ =	shalt  }
0x5b: {  	_ =	shalt  }
0x5c: {  	_ =	shalt  }
0x5d: {  	_ =	shalt  }
0x5e: {  	_ =	shalt  }
0x5f: {  	_ =	shalt  }
0x60: {  	_ =	shalt  }
0x61: {  	_ =	shalt  }
0x62: {  	_ =	shalt  }
0x63: {  	_ =	shalt  }
0x64: {  	_ =	shalt  }
0x65: {  	_ =	shalt  }
0x66: {  	_ =	shalt  }
0x67: {  	_ =	shalt  }
0x68: {  	_ =	shalt  }
0x69: {  	_ =	shalt  }
0x6a: {  	_ =	shalt  }
0x6b: {  	_ =	shalt  }
0x6c: {  	_ =	shalt  }
0x6d: {  	_ =	shalt  }
0x6e: {  	_ =	shalt  }
0x6f: {  	_ =	shalt  }
0x70: {  	_ =	shalt  }
0x71: {  	_ =	shalt  }
0x72: {  	_ =	shalt  }
0x73: {  	_ =	shalt  }
0x74: {  	_ =	shalt  }
0x75: {  	_ =	shalt  }
0x76: {  	_ =	shalt  }
0x77: {  	_ =	shalt  }
0x78: {  	_ =	shalt  }
0x79: {  	_ =	shalt  }
0x7a: {  	_ =	shalt  }
0x7b: {  	_ =	shalt  }
0x7c: {  	_ =	shalt  }
0x7d: {  	_ =	shalt  }
0x7e: {  	_ =	shalt  }
0x7f: {  	_ =	shalt  }
0x80: {  	_ =	shalt  }
0x81: {  	_ =	shalt  }
0x82: {  	_ =	shalt  }
0x83: {  	_ =	shalt  }
0x84: {  	_ =	shalt  }
0x85: {  	_ =	shalt  }
0x86: {  	_ =	shalt  }
0x87: {  	_ =	shalt  }
.Lfunc_end0:
.L_simem_size_0:
called_computation.2_lowered:
.L_overlay_start_0:
0x88: {  	s2 =	sld [smem:$0x3FD9]  }
0x89: {  	s3 =	sld [smem:$0x3FFE];
	_ =	sdelay $0x1  }
0x8a: {  	s1 =	srdreg.scid  }
0x8b: {  	s0 =	sand.u32 $0x1, s1  }
0x8c: {  	s17 =	sshll.u32 s0, $0xA;
	s2 =	sadd.s32 s3, s2  }
0x8d: {  	s2 =	sadd.s32 s2, s17  }
0x8e: {  	[smem:$0x3FC2] =	sst s2  }
0x8f: {  	_ = 	snop  }
0x90: {  	s2 =	sld [smem:$0x3FC6]  }
0x91: {  	s18 =	sld [smem:$0x3FD0];
	(tm) =	ssettm $0x1  }
0x92: {  	s4 =	sld [smem:$0x3FFB];
	_ =	sdelay $0x3  }
0x93: {  	_ =	strace s4  }
0x94: {  	s4 =	sld [smem:$0x3FFC];
	_ =	sdelay $0x3  }
0x95: {  	_ =	strace s4  }
0x96: {  	s4 =	sld [smem:$0x3FFD];
	_ =	sdelay $0x3  }
0x97: {  	_ =	strace s4  }
0x98: {  	_ =	strace $0x8FFFFFFF  }
0x99: {  	s19 =	sld [smem:$0x3FDB];
	_ =	sdelay $0x1  }
0x9a: {  	s5 =	simm.s32 $_scs_section_size  }
0x9b: {  	s6 =	simm.s32 $_size__tile_overlayer_lowered;
	s7 =	simm.s32 $_tile_overlayer_lowered  }
0x9c: {  	s22 =	simm.s32 $0x1BFF;
	s21 =	sshll.u32 s7, $0x1;
	s4 =	sadd.s32 s5, s19  }
0x9d: {  	s8 =	simm.s32 $0x0;
	s20 =	sshll.u32 s6, $0x1;
	s6 =	sadd.s32 s21, s4  }
0x9e: {  	[timem:s8], [sflag:s22] =	dma.local [hbm:s6], s20  }
0x9f: {  	_ =	swait.ge [sflag:s22], s20  }
0xa0: {  	s5 =	ssub.s32 $0x0, s20;
	[sflag:s22] =	ssyncset.done $0x0  }
0xa1: {  	[sflag:s22] =	ssyncadd.s32 s5;
	_ =	sdelay $0x1  }
0xa2: {  	s23 =	simm.s32 $0x1B8B  }
0xa3: {  	_ =	swait.ge [sflag:s23], $0x1  }
0xa4: {  	[sflag:s23] =	ssyncset.done $0x0  }
0xa5: {  	s25 =	simm.s32 $0x1B8E;
	s24 =	sld [smem:$0x3FFE];
	[sflag:s23] =	ssyncadd.s32 $0xFFFFFFFF  }
0xa6: {  	s26 =	simm.s32 $execute0_lowered;
	[smem:$0x3FD2] =	sst s25  }
0xa7: {  	s6 =	sshll.u32 s26, $0x1;
	_ =	strace $0x8000004C;
	[dreg:$0x1] =	wrdreg $0xFFFFFFFF  }
0xa8: {  	s28 =	simm.s32 $_size_execute0_lowered;
	s4 =	sadd.s32 s4, s6;
	[dreg:$0x0] =	wrdreg $0x0  }
0xa9: {  	s6 =	sshll.u32 s28, $0x1;
	[dreg:$0x2] =	wrdreg s4  }
0xaa: {  	[dreg:$0x3] =	wrdreg s6  }
0xab: {  	[dreg:$0x4] =	wrdreg $0xC0  }
0xac: {  	_ =	task [dreg:s8], $0x5FFFF  }
0xad: {  	[dreg:$0x1] =	wrdreg $0xFFFFFFFF  }
0xae: {  	[dreg:$0x0] =	wrdreg $0x60  }
0xaf: {  	[dreg:$0x2] =	wrdreg s24  }
0xb0: {  	[dreg:$0x3] =	wrdreg s2  }
0xb1: {  	[dreg:$0x4] =	wrdreg s18  }
0xb2: {  	[dreg:$0x5] =	wrdreg $0x14C100  }
0xb3: {  	[dreg:$0x6] =	wrdreg $0x124900  }
0xb4: {  	[dreg:$0x7] =	wrdreg $0x9  }
0xb5: {  	_ =	task.clear_ibuf [dreg:s8], $0x8FFFF;
	_ =	strace $0x9000004C  }
0xb6: {  	s29 =	simm.s32 $0x9;
	_ =	strace $0x8000004E  }
0xb7: {  	_ =	swait.ge [sflag:s29], $0x1  }
0xb8: {  	[sflag:s29] =	ssyncadd.s32 $0xFFFFFFFF  }
0xb9: {  	_ =	strace $0x9000004E  }
0xba: {  	_ =	sfence  }
0xbb: {  	s30 =	sld [smem:$0x0];
	_ =	sdelay $0x2  }
0xbc: {  	s31 =	sshll.u32 s1, $0xD;
	s1 =	sshrl.u32 s1, $0x2  }
0xbd: {  	s3 =	sand.u32 $0x4000, s31;
	s1 =	sadd.s32 s1, s30  }
0xbe: {  	s0 =	sor.u32 s3, s0;
	s1 =	sshll.u32 s1, $0x11  }
0xbf: {  	s0 =	sor.u32 s1, s0  }
0xc0: {  	s0 =	sadd.s32 $0x8F2B, s0  }
0xc1: {  	[sflag:s0] =	ssyncadd.remote.s32 $0x1  }
0xc2: {  	_ =	sfence.sel $0xFFFF  }
0xc3: {  	[dreg:$0x0] =	wrdreg $0xFFFFFFFF;
	(pc) =	sbr.abs _section_cstart, $3  }
0xc4: {  	[dreg:$0x1] =	wrdreg $0xFFFFFFFF  }
0xc5: {  	_ =	task.clear_ibuf [dreg:s8], $0x2FFFF;
	_ =	strace $0x9FFFFFFF  }
0xc6: {  	(tm) =	ssettm $0x7FFFFFFF  }
0xc7: {  	_ =	shalt  }
tec
execute0_lowered:
.L_overlay_start_1:
0x0: {  	(tag) =	ssettag $0x1  }
0x1: {  	s0 =	rddreg [dreg:$0x0]  }
0x2: {  	s1 =	rddreg [dreg:$0x2]  }
0x3: {  	s3 =	rddreg [dreg:$0x3]  }
0x4: {  	s4 =	rddreg [dreg:$0x4]  }
0x5: {  	s5 =	simm.s32 $0x0;
	s10 =	stileid.u32;
	s2 =	srdreg.scid  }
0x6: {  	s19 =	simm.s32 $0xD580;
	s23 =	simm.s32 $0x5;
	s24 =	simm.s32 $0x1  }
0x7: {  	s25 =	simm.s32 $0x2;
	s26 =	simm.s32 $0x2780;
	s28 =	simm.s32 $0x80  }
0x8: {  	s29 =	simm.s32 $0x4F00;
	s30 =	simm.s32 $0x5700;
	[smem:$0x7FF] =	sst s5  }
0x9: {  	s12 =	smul.u32 $0x2780, s10;
	s2 =	sand.u32 $0x1, s2;
	_ =	strace $0x8000004D  }
0xa: {  	s6 =	ssub.s32 $0x2, s2;
	s7 =	sshll.u32 s2, $0x4;
	s2 =	smul.u32 $0x27800, s2  }
0xb: {  	s8 =	sshrl.u32 s12, $0x3;
	s9 =	sshrl.u32 s6, $0x1;
	s17 =	sor.u32 s10, s7  }
0xc: {  	s13 =	sadd.s32 s8, s0;
	s16 =	ssub.s32 s6, s9;
	s31 =	smul.u32 $0x4E, s17  }
0xd: {  	s10 =	smax.u32 s17, $0x1C;
	s2 =	sadd.s32 s12, s2;
	p0 =	slt.u32 s17, $0x1C  }
0xe: {  	s17 =	simm.s32 $0x0;
	s6 =	sadd.s32 $0x20600, s13;
	s7 =	sadd.s32 $0x25500, s13  }
0xf: {  	s8 =	sadd.s32 $0x16600, s13;
	s9 =	sadd.s32 $0x1B600, s13;
	s2 =	sshrl.u32 s2, $0x3  }
0x10: {  	s16 =	smax.u32 s16, $0x1;
	s11 =	sadd.s32 s31, s10;
	s10 =	sadd.s32 s12, s3  }
0x11: {  	s15 =	sadd.s32 s1, s2;
	s1 =	simm.s32 $0x4;
	s14 =	sshll.u32 s11, $0x4  }
0x12: {  	s11 =	sadd.s32 s12, s4;
	s12 =	sadd.s32 $0x2A400, s13;
	s0 =	sadd.s32 s0, s14  }
0x13: {  	v0 =	vimm.f32 $0.0e+00;
	s13 =	sadd.s32 $0x2A40, s0;
	s14 =	sadd.s32 $0xC680, s0;
	s0 =	simm.s32 $0x3  }
.LBB2_1:
0x14: {  	s2 =	simm.s32 $0x8680  }
0x15: {  	[tilespmem:s2], [sflag:$0x1] =	stream.linear.gather [hbm4b:s6+s5], $0x2780, $0x38;
	[tilespmem:$0x17390] =	vst v63  }
0x16: {  	s21 =	simm.s32 $0xAE00  }
0x17: {  	[tilespmem:s21], [sflag:$0x1] =	stream.linear.gather [hbm4b:s7+s5], $0x2780, $0x38;
	[tilespmem:$0x17390] =	vst v63  }
0x18: {  	_ = 	snop  }
0x19: {  	[tilespmem:s19], [sflag:$0x1] =	stream.linear.gather [hbm4b:s8+s5], $0x2780, $0x38;
	[tilespmem:$0x17390] =	vst v63  }
0x1a: {  	s22 =	simm.s32 $0xFD00  }
0x1b: {  	[tilespmem:s22], [sflag:$0x1] =	stream.linear.gather [hbm4b:s9+s5], $0x2780, $0x38;
	[tilespmem:$0x17390] =	vst v63  }
0x1c: {  	s31 =	rddreg [dreg:$0x1];
	s18 =	simm.s32 $0x12480  }
0x1d: {  	[tilespmem:s18], [sflag:$0x2] =	stream.linear.gather [hbm4b:s31+s5], $0x10, $0x38;
	[tilespmem:$0x17390] =	vst v63  }
0x1e: {  	s2 =	simm.s32 $0x40;
	s18 =	simm.s32 $0x0  }
.LBB2_2:
0x1f: {  	p1 =	sne.s32 s2, $0x9DC0;
	[tilespmem:s18+$0x5F00] =	vst v0;
	s18 =	smov.u32 s2;
	s2 =	sadd.s32 $0x40, s2  }
.Ltmp0:
0x20: {  	(pc) =	sbr.rel @p1 .LBB2_2-.Ltmp0, $2  }
0x21: {  	_ =	sdelay $0x2  }
0x22: {  	s18 =	sshra.s32 s18, $0x2  }
0x23: {  	[tilespmem:s18+$0x5F00] =	vst v0;
	s2 =	simm.s32 $0x5F00  }
0x24: {  	[spmem:s10] =	stream.linear.scatter [tilespmem:s2], [sflag:$0x5], $0x2780, $0x38;
	[tilespmem:$0x17390] =	vst v63  }
0x25: {  	_ =	swait.ge [sflag:s23], $0x2780  }
0x26: {  	[sflag:s23] =	ssyncset.done $0x0  }
0x27: {  	[sflag:s23] =	ssyncadd.s32 $0xFFFFD880  }
0x28: {  	_ =	swait.ge [sflag:s24], $0x2780  }
0x29: {  	[sflag:s24] =	ssyncset.done $0x0  }
0x2a: {  	[sflag:s24] =	ssyncadd.s32 $0xFFFFD880  }
0x2b: {  	_ =	swait.ge [sflag:s24], $0x2780  }
0x2c: {  	[sflag:s24] =	ssyncset.done $0x0  }
0x2d: {  	[sflag:s24] =	ssyncadd.s32 $0xFFFFD880  }
0x2e: {  	_ =	swait.ge [sflag:s24], $0x2780  }
0x2f: {  	[sflag:s24] =	ssyncset.done $0x0  }
0x30: {  	[sflag:s24] =	ssyncadd.s32 $0xFFFFD880  }
0x31: {  	_ =	swait.ge [sflag:s24], $0x2780  }
0x32: {  	[sflag:s24] =	ssyncset.done $0x0  }
0x33: {  	[sflag:s24] =	ssyncadd.s32 $0xFFFFD880  }
0x34: {  	_ =	swait.ge [sflag:s25], $0x10  }
0x35: {  	[sflag:s25] =	ssyncset.done $0x0  }
0x36: {  	s21 =	simm.s32 $0x86C0;
	[sflag:s25] =	ssyncadd.s32 $0xFFFFFFF0  }
0x37: {  	s18 =	simm.s32 $0xAE40;
	v1 =	vld [tilespmem:s21+$0xFFFFFFC0]  }
0x38: {  	v2 =	vld [tilespmem:s18+$0xFFFFFFC0]  }
0x39: {  	s20 =	simm.s32 $0xD5C0  }
0x3a: {  	v3 =	vld [tilespmem:s20+$0xFFFFFFC0]  }
0x3b: {  	s22 =	simm.s32 $0xFD40  }
0x3c: {  	v4 =	vld [tilespmem:s22+$0xFFFFFFC0]  }
0x3d: {  	v2 =	vadd.f32 v2, v1  }
0x3e: {  	v1 =	vld [tilespmem:$0x12480]  }
0x3f: {  	v2 =	vadd.f32 v3, v2;
	_ =	sdelay $0x1  }
0x40: {  	v2 =	vmul.f32 v2, v4;
	_ =	sdelay $0x1  }
0x41: {  	v2 =	vadd.f32 v2, v1;
	_ =	sdelay $0x1  }
0x42: {  	v2 =	vmax.f32 v2, $0.0e+00  }
0x43: {  	v2 =	vmul.f32 v2, v4;
	_ =	sdelay $0x1  }
0x44: {  	[tilespmem:s20+$0xFFFFFFC0] =	vst v2  }
0x45: {  	v2 =	vld [tilespmem:s21+$0xFFFFFFD0]  }
0x46: {  	v3 =	vld [tilespmem:s18+$0xFFFFFFD0];
	_ =	sdelay $0x1  }
0x47: {  	v4 =	vld [tilespmem:s20+$0xFFFFFFD0];
	_ =	sdelay $0x1  }
0x48: {  	v5 =	vld [tilespmem:s22+$0xFFFFFFD0]  }
0x49: {  	v2 =	vadd.f32 v3, v2;
	_ =	sdelay $0x1  }
0x4a: {  	v2 =	vadd.f32 v4, v2;
	_ =	sdelay $0x1  }
0x4b: {  	v2 =	vmul.f32 v2, v5;
	_ =	sdelay $0x1  }
0x4c: {  	v2 =	vadd.f32 v2, v1;
	_ =	sdelay $0x1  }
0x4d: {  	v2 =	vmax.f32 v2, $0.0e+00  }
0x4e: {  	v2 =	vmul.f32 v2, v5;
	_ =	sdelay $0x1  }
0x4f: {  	[tilespmem:s20+$0xFFFFFFD0] =	vst v2  }
0x50: {  	v2 =	vld [tilespmem:s21+$0xFFFFFFE0]  }
0x51: {  	v3 =	vld [tilespmem:s18+$0xFFFFFFE0];
	_ =	sdelay $0x1  }
0x52: {  	v4 =	vld [tilespmem:s20+$0xFFFFFFE0];
	_ =	sdelay $0x1  }
0x53: {  	v5 =	vld [tilespmem:s22+$0xFFFFFFE0]  }
0x54: {  	v2 =	vadd.f32 v3, v2;
	_ =	sdelay $0x1  }
0x55: {  	v2 =	vadd.f32 v4, v2;
	_ =	sdelay $0x1  }
0x56: {  	v2 =	vmul.f32 v2, v5;
	_ =	sdelay $0x1  }
0x57: {  	v2 =	vadd.f32 v2, v1;
	_ =	sdelay $0x1  }
0x58: {  	v2 =	vmax.f32 v2, $0.0e+00  }
0x59: {  	v2 =	vmul.f32 v2, v5;
	_ =	sdelay $0x1  }
0x5a: {  	[tilespmem:s20+$0xFFFFFFE0] =	vst v2  }
0x5b: {  	v2 =	vld [tilespmem:s21+$0xFFFFFFF0]  }
0x5c: {  	v3 =	vld [tilespmem:s18+$0xFFFFFFF0];
	_ =	sdelay $0x1  }
0x5d: {  	v4 =	vld [tilespmem:s20+$0xFFFFFFF0];
	_ =	sdelay $0x1  }
0x5e: {  	v5 =	vld [tilespmem:s22+$0xFFFFFFF0]  }
0x5f: {  	v2 =	vadd.f32 v3, v2;
	_ =	sdelay $0x1  }
0x60: {  	v2 =	vadd.f32 v4, v2;
	_ =	sdelay $0x1  }
0x61: {  	v2 =	vmul.f32 v2, v5;
	_ =	sdelay $0x1  }
0x62: {  	v2 =	vadd.f32 v2, v1;
	_ =	sdelay $0x1  }
0x63: {  	v2 =	vmax.f32 v2, $0.0e+00  }
0x64: {  	v2 =	vmul.f32 v2, v5;
	_ =	sdelay $0x1  }
0x65: {  	[tilespmem:s20+$0xFFFFFFF0] =	vst v2  }
0x66: {  	v2 =	vld [tilespmem:s21+$0x0]  }
0x67: {  	v3 =	vld [tilespmem:s18+$0x0];
	_ =	sdelay $0x1  }
0x68: {  	v4 =	vld [tilespmem:s20+$0x0];
	_ =	sdelay $0x1  }
0x69: {  	v5 =	vld [tilespmem:s22+$0x0]  }
0x6a: {  	v2 =	vadd.f32 v3, v2;
	_ =	sdelay $0x1  }
0x6b: {  	v2 =	vadd.f32 v4, v2;
	_ =	sdelay $0x1  }
0x6c: {  	v2 =	vmul.f32 v2, v5;
	_ =	sdelay $0x1  }
0x6d: {  	v2 =	vadd.f32 v2, v1;
	_ =	sdelay $0x1  }
0x6e: {  	v2 =	vmax.f32 v2, $0.0e+00  }
0x6f: {  	v2 =	vmul.f32 v2, v5;
	_ =	sdelay $0x1  }
0x70: {  	[tilespmem:s20+$0x0] =	vst v2  }
0x71: {  	v2 =	vld [tilespmem:s21+$0x10]  }
0x72: {  	v3 =	vld [tilespmem:s18+$0x10];
	_ =	sdelay $0x1  }
0x73: {  	v4 =	vld [tilespmem:s20+$0x10];
	_ =	sdelay $0x1  }
0x74: {  	v5 =	vld [tilespmem:s22+$0x10]  }
0x75: {  	v2 =	vadd.f32 v3, v2;
	_ =	sdelay $0x1  }
0x76: {  	v2 =	vadd.f32 v4, v2;
	_ =	sdelay $0x1  }
0x77: {  	v2 =	vmul.f32 v2, v5;
	_ =	sdelay $0x1  }
0x78: {  	v2 =	vadd.f32 v2, v1;
	_ =	sdelay $0x1  }
0x79: {  	v2 =	vmax.f32 v2, $0.0e+00  }
0x7a: {  	v2 =	vmul.f32 v2, v5;
	_ =	sdelay $0x1  }
0x7b: {  	[tilespmem:s20+$0x10] =	vst v2  }
0x7c: {  	v2 =	vld [tilespmem:s18+$0x20]  }
0x7d: {  	v3 =	vld [tilespmem:s21+$0x20];
	_ =	sdelay $0x1  }
0x7e: {  	v4 =	vld [tilespmem:s20+$0x20];
	_ =	sdelay $0x1  }
0x7f: {  	v5 =	vld [tilespmem:s22+$0x20]  }
0x80: {  	v2 =	vadd.f32 v2, v3;
	_ =	sdelay $0x1  }
0x81: {  	v2 =	vadd.f32 v4, v2;
	_ =	sdelay $0x1  }
0x82: {  	v2 =	vmul.f32 v2, v5;
	_ =	sdelay $0x1  }
0x83: {  	v2 =	vadd.f32 v2, v1;
	_ =	sdelay $0x1  }
0x84: {  	v2 =	vmax.f32 v2, $0.0e+00  }
0x85: {  	v2 =	vmul.f32 v2, v5;
	_ =	sdelay $0x1  }
0x86: {  	[tilespmem:s20+$0x20] =	vst v2  }
0x87: {  	v2 =	vld [tilespmem:s21+$0x30]  }
0x88: {  	v3 =	vld [tilespmem:s18+$0x30];
	_ =	sdelay $0x2  }
0x89: {  	v4 =	vld [tilespmem:s20+$0x30];
	_ =	sdelay $0x1  }
0x8a: {  	v3 =	vadd.f32 v3, v2;
	v2 =	vld [tilespmem:s22+$0x30];
	_ =	sdelay $0x1  }
0x8b: {  	s31 =	simm.s32 $0xFDC0  }
0x8c: {  	s2 =	simm.s32 $0x8740;
	s21 =	simm.s32 $0x0;
	s22 =	simm.s32 $0xD5C0;
	v3 =	vadd.f32 v4, v3  }
.LBB2_4:
0x8d: {  	s21 =	sadd.s32 $0x8, s21;
	s20 =	sadd.s32 $0x80, s20;
	s18 =	sadd.s32 $0x80, s18  }
0x8e: {  	p1 =	slt.u32 s21, $0x270;
	v3 =	vmul.f32 v3, v2;
	_ =	sdelay $0x1  }
0x8f: {  	v3 =	vadd.f32 v3, v1;
	_ =	sdelay $0x1  }
0x90: {  	v3 =	vmax.f32 v3, $0.0e+00  }
0x91: {  	v2 =	vmul.f32 v3, v2;
	_ =	sdelay $0x1  }
0x92: {  	[tilespmem:s22+$0x30] =	vst v2;
	s22 =	smov.u32 s20  }
0x93: {  	v2 =	vld [tilespmem:s2+$0xFFFFFFC0]  }
0x94: {  	v3 =	vld [tilespmem:s18+$0xFFFFFFC0];
	_ =	sdelay $0x1  }
0x95: {  	v4 =	vld [tilespmem:s20+$0xFFFFFFC0];
	_ =	sdelay $0x1  }
0x96: {  	v5 =	vld [tilespmem:s31+$0xFFFFFFC0]  }
0x97: {  	v2 =	vadd.f32 v3, v2;
	_ =	sdelay $0x1  }
0x98: {  	v2 =	vadd.f32 v4, v2;
	_ =	sdelay $0x1  }
0x99: {  	v2 =	vmul.f32 v2, v5;
	_ =	sdelay $0x1  }
0x9a: {  	v2 =	vadd.f32 v2, v1;
	_ =	sdelay $0x1  }
0x9b: {  	v2 =	vmax.f32 v2, $0.0e+00  }
0x9c: {  	v2 =	vmul.f32 v2, v5;
	_ =	sdelay $0x1  }
0x9d: {  	[tilespmem:s20+$0xFFFFFFC0] =	vst v2  }
0x9e: {  	v2 =	vld [tilespmem:s2+$0xFFFFFFD0]  }
0x9f: {  	v3 =	vld [tilespmem:s18+$0xFFFFFFD0];
	_ =	sdelay $0x1  }
0xa0: {  	v4 =	vld [tilespmem:s20+$0xFFFFFFD0];
	_ =	sdelay $0x1  }
0xa1: {  	v5 =	vld [tilespmem:s31+$0xFFFFFFD0]  }
0xa2: {  	v2 =	vadd.f32 v3, v2;
	_ =	sdelay $0x1  }
0xa3: {  	v2 =	vadd.f32 v4, v2;
	_ =	sdelay $0x1  }
0xa4: {  	v2 =	vmul.f32 v2, v5;
	_ =	sdelay $0x1  }
0xa5: {  	v2 =	vadd.f32 v2, v1;
	_ =	sdelay $0x1  }
0xa6: {  	v2 =	vmax.f32 v2, $0.0e+00  }
0xa7: {  	v2 =	vmul.f32 v2, v5;
	_ =	sdelay $0x1  }
0xa8: {  	[tilespmem:s20+$0xFFFFFFD0] =	vst v2  }
0xa9: {  	v2 =	vld [tilespmem:s2+$0xFFFFFFE0]  }
0xaa: {  	v3 =	vld [tilespmem:s18+$0xFFFFFFE0];
	_ =	sdelay $0x1  }
0xab: {  	v4 =	vld [tilespmem:s20+$0xFFFFFFE0];
	_ =	sdelay $0x1  }
0xac: {  	v5 =	vld [tilespmem:s31+$0xFFFFFFE0]  }
0xad: {  	v2 =	vadd.f32 v3, v2;
	_ =	sdelay $0x1  }
0xae: {  	v2 =	vadd.f32 v4, v2;
	_ =	sdelay $0x1  }
0xaf: {  	v2 =	vmul.f32 v2, v5;
	_ =	sdelay $0x1  }
0xb0: {  	v2 =	vadd.f32 v2, v1;
	_ =	sdelay $0x1  }
0xb1: {  	v2 =	vmax.f32 v2, $0.0e+00  }
0xb2: {  	v2 =	vmul.f32 v2, v5;
	_ =	sdelay $0x1  }
0xb3: {  	[tilespmem:s20+$0xFFFFFFE0] =	vst v2  }
0xb4: {  	v2 =	vld [tilespmem:s2+$0xFFFFFFF0]  }
0xb5: {  	v3 =	vld [tilespmem:s18+$0xFFFFFFF0];
	_ =	sdelay $0x1  }
0xb6: {  	v4 =	vld [tilespmem:s20+$0xFFFFFFF0];
	_ =	sdelay $0x1  }
0xb7: {  	v5 =	vld [tilespmem:s31+$0xFFFFFFF0]  }
0xb8: {  	v2 =	vadd.f32 v3, v2;
	_ =	sdelay $0x1  }
0xb9: {  	v2 =	vadd.f32 v4, v2;
	_ =	sdelay $0x1  }
0xba: {  	v2 =	vmul.f32 v2, v5;
	_ =	sdelay $0x1  }
0xbb: {  	v2 =	vadd.f32 v2, v1;
	_ =	sdelay $0x1  }
0xbc: {  	v2 =	vmax.f32 v2, $0.0e+00  }
0xbd: {  	v2 =	vmul.f32 v2, v5;
	_ =	sdelay $0x1  }
0xbe: {  	[tilespmem:s20+$0xFFFFFFF0] =	vst v2  }
0xbf: {  	v2 =	vld [tilespmem:s2+$0x0]  }
0xc0: {  	v3 =	vld [tilespmem:s18+$0x0];
	_ =	sdelay $0x1  }
0xc1: {  	v4 =	vld [tilespmem:s20+$0x0];
	_ =	sdelay $0x1  }
0xc2: {  	v5 =	vld [tilespmem:s31+$0x0]  }
0xc3: {  	v2 =	vadd.f32 v3, v2;
	_ =	sdelay $0x1  }
0xc4: {  	v2 =	vadd.f32 v4, v2;
	_ =	sdelay $0x1  }
0xc5: {  	v2 =	vmul.f32 v2, v5;
	_ =	sdelay $0x1  }
0xc6: {  	v2 =	vadd.f32 v2, v1;
	_ =	sdelay $0x1  }
0xc7: {  	v2 =	vmax.f32 v2, $0.0e+00  }
0xc8: {  	v2 =	vmul.f32 v2, v5;
	_ =	sdelay $0x1  }
0xc9: {  	[tilespmem:s20+$0x0] =	vst v2  }
0xca: {  	v2 =	vld [tilespmem:s2+$0x10]  }
0xcb: {  	v3 =	vld [tilespmem:s18+$0x10];
	_ =	sdelay $0x1  }
0xcc: {  	v4 =	vld [tilespmem:s20+$0x10];
	_ =	sdelay $0x1  }
0xcd: {  	v5 =	vld [tilespmem:s31+$0x10]  }
0xce: {  	v2 =	vadd.f32 v3, v2;
	_ =	sdelay $0x1  }
0xcf: {  	v2 =	vadd.f32 v4, v2;
	_ =	sdelay $0x1  }
0xd0: {  	v2 =	vmul.f32 v2, v5;
	_ =	sdelay $0x1  }
0xd1: {  	v2 =	vadd.f32 v2, v1;
	_ =	sdelay $0x1  }
0xd2: {  	v2 =	vmax.f32 v2, $0.0e+00  }
0xd3: {  	v2 =	vmul.f32 v2, v5;
	_ =	sdelay $0x1  }
0xd4: {  	[tilespmem:s20+$0x10] =	vst v2  }
0xd5: {  	v2 =	vld [tilespmem:s18+$0x20]  }
0xd6: {  	v3 =	vld [tilespmem:s2+$0x20]  }
0xd7: {  	v4 =	vld [tilespmem:s31+$0x20]  }
0xd8: {  	v5 =	vld [tilespmem:s20+$0x20];
	_ =	sdelay $0x2  }
0xd9: {  	v2 =	vadd.f32 v2, v3;
	_ =	sdelay $0x1  }
0xda: {  	v2 =	vadd.f32 v5, v2;
	_ =	sdelay $0x1  }
0xdb: {  	v2 =	vmul.f32 v2, v4;
	_ =	sdelay $0x1  }
0xdc: {  	v2 =	vadd.f32 v2, v1;
	_ =	sdelay $0x1  }
0xdd: {  	v2 =	vmax.f32 v2, $0.0e+00  }
0xde: {  	v2 =	vmul.f32 v2, v4;
	_ =	sdelay $0x1  }
0xdf: {  	[tilespmem:s20+$0x20] =	vst v2;
	v3 =	vld [tilespmem:s20+$0x30]  }
0xe0: {  	v4 =	vld [tilespmem:s2+$0x30]  }
0xe1: {  	v5 =	vld [tilespmem:s18+$0x30]  }
0xe2: {  	v2 =	vld [tilespmem:s31+$0x30];
	_ =	sdelay $0x1  }
.Ltmp1:
0xe3: {  	(pc) =	sbr.rel @p1 .LBB2_4-.Ltmp1, $3  }
0xe4: {  	_ = 	snop  }
0xe5: {  	v4 =	vadd.f32 v5, v4;
	_ =	sdelay $0x1  }
0xe6: {  	s2 =	sadd.s32 $0x80, s2;
	s31 =	sadd.s32 $0x80, s31;
	v3 =	vadd.f32 v3, v4  }
0xe7: {  	_ = 	snop  }
0xe8: {  	v3 =	vmul.f32 v3, v2;
	_ =	sdelay $0x1  }
0xe9: {  	v1 =	vadd.f32 v3, v1;
	_ =	sdelay $0x1  }
0xea: {  	v1 =	vmax.f32 v1, $0.0e+00  }
0xeb: {  	v1 =	vmul.f32 v1, v2;
	_ =	sdelay $0x1  }
0xec: {  	[tilespmem:s22+$0x30] =	vst v1  }
0xed: {  	[spmem:s11] =	stream.linear.scatter [tilespmem:s19], [sflag:$0x5], $0x2780, $0x38;
	[tilespmem:$0x17390] =	vst v63  }
0xee: {  	_ =	swait.ge [sflag:s23], $0x2780  }
0xef: {  	[sflag:s23] =	ssyncset.done $0x0  }
0xf0: {  	[sflag:s23] =	ssyncadd.s32 $0xFFFFD880  }
0xf1: {  	[hbm4b:s12+s5] =	stream.linear.scatter [tilespmem:s19], [sflag:$0x5], $0x2780, $0x38;
	[tilespmem:$0x17390] =	vst v63  }
0xf2: {  	_ =	swait.ge [sflag:s23], $0x2780  }
0xf3: {  	[sflag:s23] =	ssyncset.done $0x0  }
0xf4: {  	[sflag:s23] =	ssyncadd.s32 $0xFFFFD880  }
0xf5: {  	[bflag:$0x0] =	sbarrier.arrive $0xFFFF  }
0xf6: {  	[tilespmem:s5], [sflag:$0x5] =	stream.linear.gather [hbm4b:s13+s5], $0x2780, $0x38;
	[tilespmem:$0x17390] =	vst v63  }
0xf7: {  	_ =	swait.ge [sflag:s23], $0x2780  }
0xf8: {  	[sflag:s23] =	ssyncset.done $0x0  }
0xf9: {  	[sflag:s23] =	ssyncadd.s32 $0xFFFFD880  }
0xfa: {  	[tilespmem:s26], [sflag:$0x5] =	stream.linear.gather [hbm4b:s14+s5], $0x2780, $0x38;
	[tilespmem:$0x17390] =	vst v63  }
0xfb: {  	_ =	swait.ge [sflag:s23], $0x2780  }
0xfc: {  	[sflag:s23] =	ssyncset.done $0x0  }
0xfd: {  	[sflag:s23] =	ssyncadd.s32 $0xFFFFD880  }
0xfe: {  	[tilespmem:s29], [sflag:$0x1] =	stream.indirect.gather [spmem:s4], $0x10, s5, s28, $0xb8;
	[tilespmem:$0x17390] =	vst v63  }
0xff: {  	_ = 	snop  }
0x100: {  	[tilespmem:s30], [sflag:$0x2] =	stream.indirect.gather [spmem:s4], $0x10, s28, s28, $0xb8;
	[tilespmem:$0x17390] =	vst v63  }
0x101: {  	_ =	swait.ge [sflag:s24], $0x800  }
0x102: {  	[sflag:s24] =	ssyncset.done $0x0  }
0x103: {  	[sflag:s24] =	ssyncadd.s32 $0xFFFFF800  }
0x104: {  	[spmem:s3] =	stream.indirect.scatter.add.f32 [tilespmem:s29], [sflag:$0x3], $0x10, s26, s28, $0xb8;
	[tilespmem:$0x17390] =	vst v63  }
0x105: {  	_ =	swait.ge [sflag:s25], $0x800  }
0x106: {  	[sflag:s25] =	ssyncset.done $0x0  }
0x107: {  	s2 =	simm.s32 $0x2800;
	[sflag:s25] =	ssyncadd.s32 $0xFFFFF800  }
0x108: {  	[spmem:s3] =	stream.indirect.scatter.add.f32 [tilespmem:s30], [sflag:$0x4], $0x10, s2, s28, $0xb8;
	[tilespmem:$0x17390] =	vst v63  }
0x109: {  	_ =	swait.ge [sflag:s0], $0x800  }
0x10a: {  	[sflag:s0] =	ssyncset.done $0x0  }
0x10b: {  	s21 =	simm.s32 $0x100;
	[sflag:s0] =	ssyncadd.s32 $0xFFFFF800  }
0x10c: {  	[tilespmem:s29], [sflag:$0x1] =	stream.indirect.gather [spmem:s4], $0x10, s21, s28, $0xb8;
	[tilespmem:$0x17390] =	vst v63  }
0x10d: {  	_ =	swait.ge [sflag:s24], $0x800  }
0x10e: {  	[sflag:s24] =	ssyncset.done $0x0  }
0x10f: {  	s22 =	simm.s32 $0x2880;
	[sflag:s24] =	ssyncadd.s32 $0xFFFFF800  }
0x110: {  	[spmem:s3] =	stream.indirect.scatter.add.f32 [tilespmem:s29], [sflag:$0x3], $0x10, s22, s28, $0xb8;
	[tilespmem:$0x17390] =	vst v63  }
0x111: {  	_ =	swait.ge [sflag:s1], $0x800  }
0x112: {  	[sflag:s1] =	ssyncset.done $0x0  }
0x113: {  	s31 =	simm.s32 $0x180;
	[sflag:s1] =	ssyncadd.s32 $0xFFFFF800  }
0x114: {  	[tilespmem:s30], [sflag:$0x2] =	stream.indirect.gather [spmem:s4], $0x10, s31, s28, $0xb8;
	[tilespmem:$0x17390] =	vst v63  }
0x115: {  	_ =	swait.ge [sflag:s25], $0x800  }
0x116: {  	[sflag:s25] =	ssyncset.done $0x0  }
0x117: {  	s18 =	simm.s32 $0x2900;
	s2 =	simm.s32 $0xFFFF6C00;
	[sflag:s25] =	ssyncadd.s32 $0xFFFFF800  }
.LBB2_6:
0x118: {  	[spmem:s3] =	stream.indirect.scatter.add.f32 [tilespmem:s30], [sflag:$0x4], $0x10, s18, s28, $0xb8;
	[tilespmem:$0x17390] =	vst v63  }
0x119: {  	s18 =	smov.u32 s2  }
0x11a: {  	p1 =	sne.s32 s2, $0xFFFFFC00;
	s2 =	sadd.s32 $0x400, s2;
	_ =	swait.ge [sflag:s0], $0x800  }
0x11b: {  	s18 =	sshra.s32 s18, $0x2;
	[sflag:s0] =	ssyncset.done $0x0  }
0x11c: {  	s20 =	sadd.s32 $0x2700, s18;
	[sflag:s0] =	ssyncadd.s32 $0xFFFFF800  }
0x11d: {  	[tilespmem:s29], [sflag:$0x1] =	stream.indirect.gather [spmem:s4], $0x10, s20, s28, $0xb8;
	[tilespmem:$0x17390] =	vst v63  }
0x11e: {  	_ =	swait.ge [sflag:s24], $0x800  }
0x11f: {  	[sflag:s24] =	ssyncset.done $0x0  }
0x120: {  	s20 =	sadd.s32 $0x4E80, s18;
	[sflag:s24] =	ssyncadd.s32 $0xFFFFF800  }
0x121: {  	[spmem:s3] =	stream.indirect.scatter.add.f32 [tilespmem:s29], [sflag:$0x3], $0x10, s20, s28, $0xb8;
	[tilespmem:$0x17390] =	vst v63  }
0x122: {  	_ =	swait.ge [sflag:s1], $0x800  }
0x123: {  	[sflag:s1] =	ssyncset.done $0x0  }
.Ltmp2:
0x124: {  	s20 =	sadd.s32 $0x2780, s18;
	[sflag:s1] =	ssyncadd.s32 $0xFFFFF800;
	(pc) =	sbr.rel @p1 .LBB2_6-.Ltmp2, $4  }
0x125: {  	[tilespmem:s30], [sflag:$0x2] =	stream.indirect.gather [spmem:s4], $0x10, s20, s28, $0xb8;
	[tilespmem:$0x17390] =	vst v63  }
0x126: {  	_ =	swait.ge [sflag:s25], $0x800  }
0x127: {  	[sflag:s25] =	ssyncset.done $0x0  }
0x128: {  	s18 =	sadd.s32 $0x4F00, s18;
	[sflag:s25] =	ssyncadd.s32 $0xFFFFF800  }
0x129: {  	[spmem:s3] =	stream.indirect.scatter.add.f32 [tilespmem:s30], [sflag:$0x4], $0x10, s18, s28, $0xb8;
	[tilespmem:$0x17390] =	vst v63  }
0x12a: {  	_ =	swait.ge [sflag:s0], $0x800  }
0x12b: {  	[sflag:s0] =	ssyncset.done $0x0  }
0x12c: {  	[sflag:s0] =	ssyncadd.s32 $0xFFFFF800  }
0x12d: {  	_ =	swait.ge [sflag:s1], $0x800  }
0x12e: {  	s2 =	simm.s32 @!p0 $0x80;
	[sflag:s1] =	ssyncset.done $0x0  }
0x12f: {  	s18 =	simm.s32 @!p0 $0x2700;
	s20 =	simm.s32 @!p0 $0x4F00;
	[sflag:s1] =	ssyncadd.s32 $0xFFFFF800  }
0x130: {  	[tilespmem:s20], [sflag:$0x1] =	stream.indirect.gather @!p0 [spmem:s4], $0x10, s18, s2, $0xb8;
	[tilespmem:$0x17390] =	vst v63  }
0x131: {  	s18 =	simm.s32 @!p0 $0x1  }
0x132: {  	_ =	swait.ge @!p0 [sflag:s18], $0x800  }
0x133: {  	[sflag:s18] =	ssyncset.done @!p0 $0x0  }
0x134: {  	[sflag:s18] =	ssyncadd.s32 @!p0 $0xFFFFF800;
	s18 =	simm.s32 @!p0 $0x4E80  }
0x135: {  	[spmem:s3] =	stream.indirect.scatter.add.f32 @!p0 [tilespmem:s20], [sflag:$0x5], $0x10, s18, s2, $0xb8;
	[tilespmem:$0x17390] =	vst v63  }
0x136: {  	s2 =	simm.s32 @!p0 $0x5  }
0x137: {  	s22 =	stileid.u32;
	_ =	swait.ge @!p0 [sflag:s2], $0x800  }
0x138: {  	s31 =	sshrl.u32 s10, $0x3;
	s17 =	sadd.s32 $0x1, s17;
	[sflag:s2] =	ssyncset.done @!p0 $0x0  }
0x139: {  	p1 =	sne.s32 s17, s16;
	[sflag:s2] =	ssyncadd.s32 @!p0 $0xFFFFF800;
	s2 =	sshll.u32 s22, $0x6  }
.Ltmp3:
0x13a: {  	[bflag:$0x0] =	sbarrier.arrive $0xFFFF;
	s2 =	sor.u32 $0x1C05, s2;
	(pc) =	sbr.rel @p1 .LBB2_1-.Ltmp3, $4  }
0x13b: {  	[hbm:s15], [sflag:s2] =	dma.local [spmem:s31], $0x4F0  }
0x13c: {  	_ =	swait.ge [sflag:s23], $0x4F0  }
0x13d: {  	[sflag:s23] =	ssyncset.done $0x0  }
0x13e: {  	[sflag:s23] =	ssyncadd.s32 $0xFFFFFB10  }
0x13f: {  	_ =	sfence.sel $0x180000  }
0x140: {  	[bflag:$0x0] =	sbarrier.arrive $0xFFFF  }
0x141: {  	_ =	strace $0x9000004D  }
0x142: {  	s0 =	stileid.u32;
	[bflag:$0x2] =	sbarrier.arrive $0xFFFF  }
0x143: {  	p0 =	sne.s32 s0, $0x0;
	s0 =	rddreg [dreg:$0x5]  }
0x144: {  	s0 =	sadd.s32 @!p0 $0x100000, s0  }
0x145: {  	[sflag:s0] =	ssyncadd.tile.s32 @!p0 $0x1;
	_ =	shalt  }
.Lfunc_end2:
_tile_overlayer_lowered:
.L_overlay_start_2:
0x146: {  	(tag) =	ssettag $0x2  }
0x147: {  	s0 =	rddreg [dreg:$0x0];
	s2 =	stileid.u32  }
0x148: {  	s1 =	rddreg [dreg:$0x1];
	p0 =	sne.s32 s2, $0x0  }
0x149: {  	s3 =	rddreg [dreg:$0x2];
	[bflag:$0x3] =	sbarrier.arrive $0xFFFF;
	s2 =	simm.s32 @!p0 $0x1C05  }
0x14a: {  	[timem:s3], [sflag:s2] =	dma.local @!p0 [hbm:s0], s1  }
0x14b: {  	s0 =	simm.s32 @!p0 $0x5  }
0x14c: {  	_ =	swait.ge @!p0 [sflag:s0], s1  }
0x14d: {  	s1 =	ssub.s32 @!p0 $0x0, s1;
	[sflag:s0] =	ssyncset.done @!p0 $0x0  }
0x14e: {  	[sflag:s0] =	ssyncadd.s32 @!p0 s1  }
0x14f: {  	[bflag:$0x3] =	sbarrier.arrive $0xFFFF  }
0x150: {  	_ =	shalt  }

// kernel: kernel.7.cloned.1.call-start
scs
__scs_entry_jumppad:
0x0: {  	(pc) =	sbr.rel $0x88, $3  }
0x1: {  	(tag) =	ssettag $0x0;
	lr =	simm.s32 $0x1  }
0x2: {  	[smem:$0x3F9B] =	sst lr;
	_ =	strace $0xD0000000  }
0x3: {  	_ = 	snop  }
0x4: {  	_ = 	snop  }
0x5: {  	_ = 	snop  }
0x6: {  	_ = 	snop  }
0x7: {  	_ = 	snop  }
__scs_overlays_trampoline_lowered:
0x8: {  	[smem:$0x3FAA] =	sst s0  }
0x9: {  	[smem:$0x3FAB] =	sst s1  }
0xa: {  	[smem:$0x3FAC] =	sst s2  }
0xb: {  	[smem:$0x3FAD] =	sst s3  }
0xc: {  	[smem:$0x3FAE] =	sst s4  }
0xd: {  	[smem:$0x3FAF] =	sst s5  }
0xe: {  	[smem:$0x3FB0] =	sst s6  }
0xf: {  	[smem:$0x3FB1] =	sst s7  }
0x10: {  	[smem:$0x3FB2] =	sst s8  }
0x11: {  	[smem:$0x3FB3] =	sst s9;
	s0 =	simm.s32 @!p0 $0x0  }
0x12: {  	s1 =	sld [smem:$0x3F99];
	s0 =	simm.s32 @p0 $0x1  }
0x13: {  	[smem:$0x3FB4] =	sst s0;
	s0 =	simm.s32 @!p1 $0x0  }
0x14: {  	s2 =	sld [smem:$0x3F98];
	s0 =	simm.s32 @p1 $0x1  }
0x15: {  	[smem:$0x3FB5] =	sst s0;
	s0 =	simm.s32 @!p2 $0x0  }
0x16: {  	s3 =	sld [smem:$0x3FDB];
	s0 =	simm.s32 @p2 $0x1  }
0x17: {  	s4 =	simm.s32 $0x1BF5;
	[smem:$0x3FB7] =	sst s0  }
0x18: {  	s0 =	sld [smem:$0x3F9A];
	_ =	swait.ge [sflag:s4], $0x0  }
0x19: {  	s7 =	sld [smem:$0x3F9B]  }
0x1a: {  	s8 =	sadd.s32 $0xFFFFE003, lr  }
0x1b: {  	s9 =	sadd.s32 $0xFFFFFEF7, lr;
	s5 =	simm.s32 $0xFFFFFFFF;
	p2 =	slt.u32 s8, $0xFFFFF086  }
0x1c: {  	p1 =	slt.u32 s9, $0xF7A;
	s5 =	simm.s32 @!p2 $0x0  }
0x1d: {  	s5 =	simm.s32 @p1 $0x1;
	p0 =	seq.s32 s7, s2  }
0x1e: {  	s7 =	smul.u32 @!p0 $0xF7A, s2;
	p2 =	seq.s32 @!p0 s5, $0x0  }
0x1f: {  	s9 =	smul.u32 $0xF7A, s1;
	s8 =	simm.s32 @!p0 $0x1BF5;
	p2 =	por !p2, p0  }
0x20: {  	[sflag:s8] =	ssyncset.s32 @!p0 $0xFFFFF086;
	s6 =	sadd.s32 @!p0 s3, s7;
	s7 =	simm.s32 @!p0 $0x108  }
0x21: {  	s3 =	sadd.s32 s3, s9;
	s6 =	sadd.s32 @!p0 $0x88, s6;
	s7 =	simm.s32 @p2 $0x1082  }
0x22: {  	[simem:s7], [sflag:s8] =	dma.local @!p0 [hbm:s6], $0xF7A  }
0x23: {  	s9 =	sor.u32 $0xD0000000, s2;
	s6 =	simm.s32 $0x108;
	_ =	swait.ge @!p0 [sflag:s8], $0x0  }
0x24: {  	s3 =	sadd.s32 $0x88, s3;
	s6 =	simm.s32 @!p1 $0x1082;
	[sflag:s4] =	ssyncset.s32 $0xFFFFF086  }
0x25: {  	[simem:s6], [sflag:s4] =	dma.local [hbm:s3], $0xF7A  }
0x26: {  	[smem:$0x3F9B] =	sst s1;
	(tag) =	ssettag s2;
	_ =	strace s9  }
0x27: {  	s1 =	sld [smem:$0x3FAB]  }
0x28: {  	s2 =	sld [smem:$0x3FAC]  }
0x29: {  	s4 =	sld [smem:$0x3FAE]  }
0x2a: {  	p0 =	seq.s32 s5, $0x0;
	s5 =	sld [smem:$0x3FAF]  }
0x2b: {  	s6 =	sld [smem:$0x3FB0]  }
0x2c: {  	s7 =	sld [smem:$0x3FB1]  }
0x2d: {  	s3 =	simm.s32 $0x108;
	s8 =	sld [smem:$0x3FB2]  }
0x2e: {  	s3 =	simm.s32 @!p0 $0x1082;
	s9 =	sld [smem:$0x3FB3]  }
0x2f: {  	lr =	sadd.s32 s0, s3;
	s0 =	sld [smem:$0x3FAA]  }
0x30: {  	s3 =	sld [smem:$0x3FAD]  }
0x31: {  	[smem:$0x3FB6] =	sst s10  }
0x32: {  	s10 =	sld [smem:$0x3FB4];
	_ =	sdelay $0x3  }
0x33: {  	p0 =	seq.s32 s10, $0x1;
	s10 =	sld [smem:$0x3FB6];
	_ =	sdelay $0x3  }
0x34: {  	[smem:$0x3FB6] =	sst s10  }
0x35: {  	s10 =	sld [smem:$0x3FB5];
	_ =	sdelay $0x3  }
0x36: {  	p1 =	seq.s32 s10, $0x1;
	s10 =	sld [smem:$0x3FB6];
	_ =	sdelay $0x3  }
0x37: {  	[smem:$0x3FB6] =	sst s10  }
0x38: {  	s10 =	sld [smem:$0x3FB7]  }
0x39: {  	_ = 	snop;
	(pc) =	sbr.ind lr, $3  }
0x3a: {  	_ = 	snop  }
0x3b: {  	_ = 	snop  }
0x3c: {  	p2 =	seq.s32 s10, $0x1;
	s10 =	sld [smem:$0x3FB6]  }
0x3d: {  	_ =	shalt  }
0x3e: {  	_ =	shalt  }
0x3f: {  	_ =	shalt  }
0x40: {  	_ =	shalt  }
0x41: {  	_ =	shalt  }
0x42: {  	_ =	shalt  }
0x43: {  	_ =	shalt  }
0x44: {  	_ =	shalt  }
0x45: {  	_ =	shalt  }
0x46: {  	_ =	shalt  }
0x47: {  	_ =	shalt  }
0x48: {  	_ =	shalt  }
0x49: {  	_ =	shalt  }
0x4a: {  	_ =	shalt  }
0x4b: {  	_ =	shalt  }
0x4c: {  	_ =	shalt  }
0x4d: {  	_ =	shalt  }
0x4e: {  	_ =	shalt  }
0x4f: {  	_ =	shalt  }
0x50: {  	_ =	shalt  }
0x51: {  	_ =	shalt  }
0x52: {  	_ =	shalt  }
0x53: {  	_ =	shalt  }
0x54: {  	_ =	shalt  }
0x55: {  	_ =	shalt  }
0x56: {  	_ =	shalt  }
0x57: {  	_ =	shalt  }
0x58: {  	_ =	shalt  }
0x59: {  	_ =	shalt  }
0x5a: {  	_ =	shalt  }
0x5b: {  	_ =	shalt  }
0x5c: {  	_ =	shalt  }
0x5d: {  	_ =	shalt  }
0x5e: {  	_ =	shalt  }
0x5f: {  	_ =	shalt  }
0x60: {  	_ =	shalt  }
0x61: {  	_ =	shalt  }
0x62: {  	_ =	shalt  }
0x63: {  	_ =	shalt  }
0x64: {  	_ =	shalt  }
0x65: {  	_ =	shalt  }
0x66: {  	_ =	shalt  }
0x67: {  	_ =	shalt  }
0x68: {  	_ =	shalt  }
0x69: {  	_ =	shalt  }
0x6a: {  	_ =	shalt  }
0x6b: {  	_ =	shalt  }
0x6c: {  	_ =	shalt  }
0x6d: {  	_ =	shalt  }
0x6e: {  	_ =	shalt  }
0x6f: {  	_ =	shalt  }
0x70: {  	_ =	shalt  }
0x71: {  	_ =	shalt  }
0x72: {  	_ =	shalt  }
0x73: {  	_ =	shalt  }
0x74: {  	_ =	shalt  }
0x75: {  	_ =	shalt  }
0x76: {  	_ =	shalt  }
0x77: {  	_ =	shalt  }
0x78: {  	_ =	shalt  }
0x79: {  	_ =	shalt  }
0x7a: {  	_ =	shalt  }
0x7b: {  	_ =	shalt  }
0x7c: {  	_ =	shalt  }
0x7d: {  	_ =	shalt  }
0x7e: {  	_ =	shalt  }
0x7f: {  	_ =	shalt  }
0x80: {  	_ =	shalt  }
0x81: {  	_ =	shalt  }
0x82: {  	_ =	shalt  }
0x83: {  	_ =	shalt  }
0x84: {  	_ =	shalt  }
0x85: {  	_ =	shalt  }
0x86: {  	_ =	shalt  }
0x87: {  	_ =	shalt  }
.Lfunc_end0:
.L_simem_size_0:
called_computation_lowered:
.L_overlay_start_0:
0x88: {  	s2 =	sld [smem:$0x3FD9]  }
0x89: {  	s3 =	sld [smem:$0x3FFE];
	_ =	sdelay $0x1  }
0x8a: {  	s1 =	srdreg.scid  }
0x8b: {  	s0 =	sand.u32 $0x1, s1  }
0x8c: {  	s17 =	sshll.u32 s0, $0xA;
	s2 =	sadd.s32 s3, s2  }
0x8d: {  	s2 =	sadd.s32 s2, s17  }
0x8e: {  	[smem:$0x3FC2] =	sst s2  }
0x8f: {  	_ = 	snop  }
0x90: {  	s2 =	sld [smem:$0x3FD0];
	(tm) =	ssettm $0x1  }
0x91: {  	s18 =	sld [smem:$0x3FFB];
	_ =	sdelay $0x3  }
0x92: {  	_ =	strace s18  }
0x93: {  	s3 =	sld [smem:$0x3FFC];
	_ =	sdelay $0x3  }
0x94: {  	_ =	strace s3  }
0x95: {  	s3 =	sld [smem:$0x3FFD];
	_ =	sdelay $0x3  }
0x96: {  	_ =	strace s3  }
0x97: {  	_ =	strace $0x8FFFFFFF  }
0x98: {  	s19 =	sld [smem:$0x3FDB];
	_ =	sdelay $0x1  }
0x99: {  	s4 =	simm.s32 $_scs_section_size  }
0x9a: {  	s5 =	simm.s32 $_size__tile_overlayer_lowered;
	s6 =	simm.s32 $_tile_overlayer_lowered  }
0x9b: {  	s22 =	simm.s32 $0x1BFF;
	s21 =	sshll.u32 s6, $0x1;
	s3 =	sadd.s32 s4, s19  }
0x9c: {  	s7 =	simm.s32 $0x0;
	s20 =	sshll.u32 s5, $0x1;
	s5 =	sadd.s32 s21, s3  }
0x9d: {  	[timem:s7], [sflag:s22] =	dma.local [hbm:s5], s20  }
0x9e: {  	_ =	swait.ge [sflag:s22], s20  }
0x9f: {  	s4 =	ssub.s32 $0x0, s20;
	[sflag:s22] =	ssyncset.done $0x0  }
0xa0: {  	[sflag:s22] =	ssyncadd.s32 s4;
	_ =	sdelay $0x1  }
0xa1: {  	s23 =	simm.s32 $0x1B8B  }
0xa2: {  	_ =	swait.ge [sflag:s23], $0x1  }
0xa3: {  	[sflag:s23] =	ssyncset.done $0x0  }
0xa4: {  	s25 =	simm.s32 $0x1B8E;
	s24 =	sld [smem:$0x3FFE];
	[sflag:s23] =	ssyncadd.s32 $0xFFFFFFFF  }
0xa5: {  	s26 =	simm.s32 $execute0_lowered;
	[smem:$0x3FD2] =	sst s25  }
0xa6: {  	s5 =	sshll.u32 s26, $0x1;
	_ =	strace $0x80000046;
	[dreg:$0x1] =	wrdreg $0xFFFFFFFF  }
0xa7: {  	s28 =	simm.s32 $_size_execute0_lowered;
	s3 =	sadd.s32 s3, s5;
	[dreg:$0x0] =	wrdreg $0x0  }
0xa8: {  	s5 =	sshll.u32 s28, $0x1;
	[dreg:$0x2] =	wrdreg s3  }
0xa9: {  	[dreg:$0x3] =	wrdreg s5  }
0xaa: {  	[dreg:$0x4] =	wrdreg $0xC0  }
0xab: {  	_ =	task [dreg:s7], $0x5FFFF  }
0xac: {  	[dreg:$0x1] =	wrdreg $0xFFFFFFFF  }
0xad: {  	[dreg:$0x0] =	wrdreg $0x60  }
0xae: {  	[dreg:$0x2] =	wrdreg s24  }
0xaf: {  	[dreg:$0x3] =	wrdreg s2  }
0xb0: {  	[dreg:$0x4] =	wrdreg $0x57000  }
0xb1: {  	[dreg:$0x5] =	wrdreg $0x9  }
0xb2: {  	_ =	task.clear_ibuf [dreg:s7], $0x6FFFF;
	_ =	strace $0x90000046  }
0xb3: {  	s29 =	simm.s32 $0x9;
	_ =	strace $0x80000048  }
0xb4: {  	_ =	swait.ge [sflag:s29], $0x1  }
0xb5: {  	[sflag:s29] =	ssyncadd.s32 $0xFFFFFFFF  }
0xb6: {  	_ =	strace $0x90000048  }
0xb7: {  	_ =	sfence  }
0xb8: {  	s30 =	sld [smem:$0x0];
	_ =	sdelay $0x2  }
0xb9: {  	s31 =	sshll.u32 s1, $0xD;
	s1 =	sshrl.u32 s1, $0x2  }
0xba: {  	s3 =	sand.u32 $0x4000, s31;
	s1 =	sadd.s32 s1, s30  }
0xbb: {  	s0 =	sor.u32 s3, s0;
	s1 =	sshll.u32 s1, $0x11  }
0xbc: {  	s0 =	sor.u32 s1, s0  }
0xbd: {  	s0 =	sadd.s32 $0x8F2B, s0  }
0xbe: {  	[sflag:s0] =	ssyncadd.remote.s32 $0x1  }
0xbf: {  	_ =	sfence.sel $0xFFFF  }
0xc0: {  	[dreg:$0x0] =	wrdreg $0xFFFFFFFF;
	(pc) =	sbr.abs _section_cstart, $3  }
0xc1: {  	[dreg:$0x1] =	wrdreg $0xFFFFFFFF  }
0xc2: {  	_ =	task.clear_ibuf [dreg:s7], $0x2FFFF;
	_ =	strace $0x9FFFFFFF  }
0xc3: {  	(tm) =	ssettm $0x7FFFFFFF  }
tec
execute0_lowered:
.L_overlay_start_1:
0x0: {  	(tag) =	ssettag $0x1  }
0x1: {  	s4 =	rddreg [dreg:$0x0]  }
0x2: {  	s6 =	rddreg [dreg:$0x1]  }
0x3: {  	s0 =	srdreg.scid;
	s2 =	rddreg [dreg:$0x2];
	s3 =	simm.s32 $0x0  }
0x4: {  	s11 =	simm.s32 $0x80;
	s12 =	simm.s32 $0x2780;
	s15 =	simm.s32 $0x0  }
0x5: {  	s5 =	sand.u32 $0x1, s0;
	s0 =	stileid.u32;
	[smem:$0x7FF] =	sst s3  }
0x6: {  	s1 =	sshll.u32 s5, $0x4;
	s9 =	smul.u32 $0x2780, s0;
	s10 =	ssub.s32 $0x2, s5  }
0x7: {  	s5 =	smul.u32 $0x27800, s5;
	s31 =	sshll.u32 s0, $0x6;
	s13 =	sor.u32 s0, s1  }
0x8: {  	s1 =	rddreg [dreg:$0x3];
	_ =	strace $0x80000047;
	s7 =	smul.u32 $0x4E, s13  }
0x9: {  	s29 =	sshrl.u32 s10, $0x1;
	s8 =	smax.u32 s13, $0x1C;
	s30 =	sadd.s32 s9, s5  }
0xa: {  	s5 =	sadd.s32 s9, s2;
	s9 =	simm.s32 $0x2F80;
	s7 =	sadd.s32 s7, s8  }
0xb: {  	p0 =	slt.u32 s13, $0x1C;
	s13 =	sor.u32 $0x1C02, s31;
	s7 =	sshll.u32 s7, $0x4  }
0xc: {  	s14 =	sshrl.u32 s5, $0x3;
	s8 =	ssub.s32 s10, s29;
	s4 =	sadd.s32 s4, s7  }
0xd: {  	s10 =	simm.s32 $0x2;
	s7 =	sshrl.u32 s30, $0x3;
	s4 =	sadd.s32 $0xC680, s4  }
0xe: {  	v0 =	vimm.f32 $0.0e+00;
	v1 =	vimm.f32 $1.000000000e+00;
	s6 =	sadd.s32 s6, s7;
	s7 =	smax.u32 s8, $0x1;
	s8 =	simm.s32 $0x1  }
.LBB2_1:
0xf: {  	[tilespmem:s3], [sflag:$0x1] =	stream.linear.gather [hbm4b:s4+s3], $0x2780, $0x38;
	[tilespmem:$0x7E80] =	vst v63  }
0x10: {  	s16 =	simm.s32 $0x0  }
.LBB2_2:
0x11: {  	p1 =	sne.s32 s16, $0x9DC0  }
.Ltmp0:
0x12: {  	_ = 	snop;
	(pc) =	sbr.rel @p1 .LBB2_2-.Ltmp0, $3  }
0x13: {  	_ =	sdelay $0x1  }
0x14: {  	s17 =	sshra.s32 s16, $0x2  }
0x15: {  	s16 =	sadd.s32 $0x40, s16;
	[tilespmem:s17+$0x2F80] =	vst v0  }
0x16: {  	s16 =	simm.s32 $0x40;
	s17 =	simm.s32 $0x0  }
.LBB2_4:
0x17: {  	p1 =	sne.s32 s16, $0x1FC0;
	[tilespmem:s17+$0x2780] =	vst v1;
	s17 =	smov.u32 s16;
	s16 =	sadd.s32 $0x40, s16  }
.Ltmp1:
0x18: {  	(pc) =	sbr.rel @p1 .LBB2_4-.Ltmp1, $2  }
0x19: {  	_ =	sdelay $0x2  }
0x1a: {  	s17 =	sshra.s32 s17, $0x2  }
0x1b: {  	[tilespmem:s17+$0x2780] =	vst v1  }
0x1c: {  	_ =	swait.ge [sflag:s8], $0x2780  }
0x1d: {  	[sflag:s8] =	ssyncset.done $0x0  }
0x1e: {  	[sflag:s8] =	ssyncadd.s32 $0xFFFFD880  }
0x1f: {  	[spmem:s5] =	stream.linear.scatter [tilespmem:s9], [sflag:$0x2], $0x2780, $0x38;
	[tilespmem:$0x7E80] =	vst v63  }
0x20: {  	_ =	swait.ge [sflag:s10], $0x2780  }
0x21: {  	[sflag:s10] =	ssyncset.done $0x0  }
0x22: {  	[sflag:s10] =	ssyncadd.s32 $0xFFFFD880  }
0x23: {  	s16 =	simm.s32 $0x0;
	[bflag:$0x0] =	sbarrier.arrive $0xFFFF  }
0x24: {  	[spmem:s2] =	stream.indirect.scatter.add.f32 [tilespmem:s12], [sflag:$0x1], $0x10, s16, s11, $0xb8;
	[tilespmem:$0x7E80] =	vst v63  }
0x25: {  	s19 =	simm.s32 $0x80  }
0x26: {  	[spmem:s2] =	stream.indirect.scatter.add.f32 [tilespmem:s12], [sflag:$0x1], $0x10, s19, s11, $0xb8;
	[tilespmem:$0x7E80] =	vst v63  }
0x27: {  	s20 =	simm.s32 $0x100  }
0x28: {  	[spmem:s2] =	stream.indirect.scatter.add.f32 [tilespmem:s12], [sflag:$0x1], $0x10, s20, s11, $0xb8;
	[tilespmem:$0x7E80] =	vst v63  }
0x29: {  	s21 =	simm.s32 $0x180  }
0x2a: {  	[spmem:s2] =	stream.indirect.scatter.add.f32 [tilespmem:s12], [sflag:$0x1], $0x10, s21, s11, $0xb8;
	[tilespmem:$0x7E80] =	vst v63  }
0x2b: {  	s22 =	simm.s32 $0x200  }
0x2c: {  	[spmem:s2] =	stream.indirect.scatter.add.f32 [tilespmem:s12], [sflag:$0x1], $0x10, s22, s11, $0xb8;
	[tilespmem:$0x7E80] =	vst v63  }
0x2d: {  	s23 =	simm.s32 $0x280  }
0x2e: {  	[spmem:s2] =	stream.indirect.scatter.add.f32 [tilespmem:s12], [sflag:$0x1], $0x10, s23, s11, $0xb8;
	[tilespmem:$0x7E80] =	vst v63  }
0x2f: {  	s24 =	simm.s32 $0x300  }
0x30: {  	[spmem:s2] =	stream.indirect.scatter.add.f32 [tilespmem:s12], [sflag:$0x1], $0x10, s24, s11, $0xb8;
	[tilespmem:$0x7E80] =	vst v63  }
0x31: {  	s25 =	simm.s32 $0x380  }
0x32: {  	[spmem:s2] =	stream.indirect.scatter.add.f32 [tilespmem:s12], [sflag:$0x1], $0x10, s25, s11, $0xb8;
	[tilespmem:$0x7E80] =	vst v63  }
0x33: {  	s26 =	simm.s32 $0x400  }
0x34: {  	[spmem:s2] =	stream.indirect.scatter.add.f32 [tilespmem:s12], [sflag:$0x1], $0x10, s26, s11, $0xb8;
	[tilespmem:$0x7E80] =	vst v63  }
0x35: {  	s28 =	simm.s32 $0x480  }
0x36: {  	[spmem:s2] =	stream.indirect.scatter.add.f32 [tilespmem:s12], [sflag:$0x1], $0x10, s28, s11, $0xb8;
	[tilespmem:$0x7E80] =	vst v63  }
0x37: {  	s29 =	simm.s32 $0x500  }
0x38: {  	[spmem:s2] =	stream.indirect.scatter.add.f32 [tilespmem:s12], [sflag:$0x1], $0x10, s29, s11, $0xb8;
	[tilespmem:$0x7E80] =	vst v63  }
0x39: {  	s30 =	simm.s32 $0x580  }
0x3a: {  	[spmem:s2] =	stream.indirect.scatter.add.f32 [tilespmem:s12], [sflag:$0x1], $0x10, s30, s11, $0xb8;
	[tilespmem:$0x7E80] =	vst v63  }
0x3b: {  	s31 =	simm.s32 $0x600  }
0x3c: {  	[spmem:s2] =	stream.indirect.scatter.add.f32 [tilespmem:s12], [sflag:$0x1], $0x10, s31, s11, $0xb8;
	[tilespmem:$0x7E80] =	vst v63  }
0x3d: {  	_ =	swait.ge [sflag:s8], $0x800  }
0x3e: {  	[sflag:s8] =	ssyncset.done $0x0  }
0x3f: {  	[sflag:s8] =	ssyncadd.s32 $0xFFFFF800  }
0x40: {  	_ =	swait.ge [sflag:s8], $0x800  }
0x41: {  	[sflag:s8] =	ssyncset.done $0x0  }
0x42: {  	[sflag:s8] =	ssyncadd.s32 $0xFFFFF800  }
0x43: {  	_ =	swait.ge [sflag:s8], $0x800  }
0x44: {  	[sflag:s8] =	ssyncset.done $0x0  }
0x45: {  	[sflag:s8] =	ssyncadd.s32 $0xFFFFF800  }
0x46: {  	_ =	swait.ge [sflag:s8], $0x800  }
0x47: {  	[sflag:s8] =	ssyncset.done $0x0  }
0x48: {  	[sflag:s8] =	ssyncadd.s32 $0xFFFFF800  }
0x49: {  	_ =	swait.ge [sflag:s8], $0x800  }
0x4a: {  	[sflag:s8] =	ssyncset.done $0x0  }
0x4b: {  	[sflag:s8] =	ssyncadd.s32 $0xFFFFF800  }
0x4c: {  	_ =	swait.ge [sflag:s8], $0x800  }
0x4d: {  	[sflag:s8] =	ssyncset.done $0x0  }
0x4e: {  	[sflag:s8] =	ssyncadd.s32 $0xFFFFF800  }
0x4f: {  	_ =	swait.ge [sflag:s8], $0x800  }
0x50: {  	[sflag:s8] =	ssyncset.done $0x0  }
0x51: {  	[sflag:s8] =	ssyncadd.s32 $0xFFFFF800  }
0x52: {  	_ =	swait.ge [sflag:s8], $0x800  }
0x53: {  	[sflag:s8] =	ssyncset.done $0x0  }
0x54: {  	[sflag:s8] =	ssyncadd.s32 $0xFFFFF800  }
0x55: {  	_ =	swait.ge [sflag:s8], $0x800  }
0x56: {  	[sflag:s8] =	ssyncset.done $0x0  }
0x57: {  	[sflag:s8] =	ssyncadd.s32 $0xFFFFF800  }
0x58: {  	_ =	swait.ge [sflag:s8], $0x800  }
0x59: {  	[sflag:s8] =	ssyncset.done $0x0  }
0x5a: {  	[sflag:s8] =	ssyncadd.s32 $0xFFFFF800  }
0x5b: {  	_ =	swait.ge [sflag:s8], $0x800  }
0x5c: {  	[sflag:s8] =	ssyncset.done $0x0  }
0x5d: {  	[sflag:s8] =	ssyncadd.s32 $0xFFFFF800  }
0x5e: {  	_ =	swait.ge [sflag:s8], $0x800  }
0x5f: {  	[sflag:s8] =	ssyncset.done $0x0  }
0x60: {  	[sflag:s8] =	ssyncadd.s32 $0xFFFFF800  }
0x61: {  	_ =	swait.ge [sflag:s8], $0x800  }
0x62: {  	s18 =	simm.s32 $0x3400;
	s16 =	simm.s32 $0x1A00;
	[sflag:s8] =	ssyncset.done $0x0  }
.LBB2_6:
0x63: {  	s19 =	sshra.s32 s16, $0x2  }
0x64: {  	[sflag:s8] =	ssyncadd.s32 $0xFFFFF800;
	s16 =	smov.u32 s18;
	s17 =	sadd.s32 $0x1A00, s18  }
0x65: {  	[spmem:s2] =	stream.indirect.scatter.add.f32 [tilespmem:s12], [sflag:$0x1], $0x10, s19, s11, $0xb8;
	[tilespmem:$0x7E80] =	vst v63  }
0x66: {  	p1 =	sne.s32 s18, $0x8200;
	s18 =	sadd.s32 $0x80, s19  }
0x67: {  	[spmem:s2] =	stream.indirect.scatter.add.f32 [tilespmem:s12], [sflag:$0x1], $0x10, s18, s11, $0xb8;
	[tilespmem:$0x7E80] =	vst v63  }
0x68: {  	s18 =	sadd.s32 $0x100, s19  }
0x69: {  	[spmem:s2] =	stream.indirect.scatter.add.f32 [tilespmem:s12], [sflag:$0x1], $0x10, s18, s11, $0xb8;
	[tilespmem:$0x7E80] =	vst v63  }
0x6a: {  	s18 =	sadd.s32 $0x180, s19  }
0x6b: {  	[spmem:s2] =	stream.indirect.scatter.add.f32 [tilespmem:s12], [sflag:$0x1], $0x10, s18, s11, $0xb8;
	[tilespmem:$0x7E80] =	vst v63  }
0x6c: {  	s18 =	sadd.s32 $0x200, s19  }
0x6d: {  	[spmem:s2] =	stream.indirect.scatter.add.f32 [tilespmem:s12], [sflag:$0x1], $0x10, s18, s11, $0xb8;
	[tilespmem:$0x7E80] =	vst v63  }
0x6e: {  	s18 =	sadd.s32 $0x280, s19  }
0x6f: {  	[spmem:s2] =	stream.indirect.scatter.add.f32 [tilespmem:s12], [sflag:$0x1], $0x10, s18, s11, $0xb8;
	[tilespmem:$0x7E80] =	vst v63  }
0x70: {  	s18 =	sadd.s32 $0x300, s19  }
0x71: {  	[spmem:s2] =	stream.indirect.scatter.add.f32 [tilespmem:s12], [sflag:$0x1], $0x10, s18, s11, $0xb8;
	[tilespmem:$0x7E80] =	vst v63  }
0x72: {  	s18 =	sadd.s32 $0x380, s19  }
0x73: {  	[spmem:s2] =	stream.indirect.scatter.add.f32 [tilespmem:s12], [sflag:$0x1], $0x10, s18, s11, $0xb8;
	[tilespmem:$0x7E80] =	vst v63  }
0x74: {  	s18 =	sadd.s32 $0x400, s19  }
0x75: {  	[spmem:s2] =	stream.indirect.scatter.add.f32 [tilespmem:s12], [sflag:$0x1], $0x10, s18, s11, $0xb8;
	[tilespmem:$0x7E80] =	vst v63  }
0x76: {  	s18 =	sadd.s32 $0x480, s19  }
0x77: {  	[spmem:s2] =	stream.indirect.scatter.add.f32 [tilespmem:s12], [sflag:$0x1], $0x10, s18, s11, $0xb8;
	[tilespmem:$0x7E80] =	vst v63  }
0x78: {  	s18 =	sadd.s32 $0x500, s19  }
0x79: {  	[spmem:s2] =	stream.indirect.scatter.add.f32 [tilespmem:s12], [sflag:$0x1], $0x10, s18, s11, $0xb8;
	[tilespmem:$0x7E80] =	vst v63  }
0x7a: {  	s18 =	sadd.s32 $0x580, s19  }
0x7b: {  	[spmem:s2] =	stream.indirect.scatter.add.f32 [tilespmem:s12], [sflag:$0x1], $0x10, s18, s11, $0xb8;
	[tilespmem:$0x7E80] =	vst v63  }
0x7c: {  	s18 =	sadd.s32 $0x600, s19  }
0x7d: {  	[spmem:s2] =	stream.indirect.scatter.add.f32 [tilespmem:s12], [sflag:$0x1], $0x10, s18, s11, $0xb8;
	[tilespmem:$0x7E80] =	vst v63  }
0x7e: {  	_ =	swait.ge [sflag:s8], $0x800  }
0x7f: {  	[sflag:s8] =	ssyncset.done $0x0  }
0x80: {  	[sflag:s8] =	ssyncadd.s32 $0xFFFFF800  }
0x81: {  	_ =	swait.ge [sflag:s8], $0x800  }
0x82: {  	[sflag:s8] =	ssyncset.done $0x0  }
0x83: {  	[sflag:s8] =	ssyncadd.s32 $0xFFFFF800  }
0x84: {  	_ =	swait.ge [sflag:s8], $0x800  }
0x85: {  	[sflag:s8] =	ssyncset.done $0x0  }
0x86: {  	[sflag:s8] =	ssyncadd.s32 $0xFFFFF800  }
0x87: {  	_ =	swait.ge [sflag:s8], $0x800  }
0x88: {  	[sflag:s8] =	ssyncset.done $0x0  }
0x89: {  	[sflag:s8] =	ssyncadd.s32 $0xFFFFF800  }
0x8a: {  	_ =	swait.ge [sflag:s8], $0x800  }
0x8b: {  	[sflag:s8] =	ssyncset.done $0x0  }
0x8c: {  	[sflag:s8] =	ssyncadd.s32 $0xFFFFF800  }
0x8d: {  	_ =	swait.ge [sflag:s8], $0x800  }
0x8e: {  	[sflag:s8] =	ssyncset.done $0x0  }
0x8f: {  	[sflag:s8] =	ssyncadd.s32 $0xFFFFF800  }
0x90: {  	_ =	swait.ge [sflag:s8], $0x800  }
0x91: {  	[sflag:s8] =	ssyncset.done $0x0  }
0x92: {  	[sflag:s8] =	ssyncadd.s32 $0xFFFFF800  }
0x93: {  	_ =	swait.ge [sflag:s8], $0x800  }
0x94: {  	[sflag:s8] =	ssyncset.done $0x0  }
0x95: {  	[sflag:s8] =	ssyncadd.s32 $0xFFFFF800  }
0x96: {  	_ =	swait.ge [sflag:s8], $0x800  }
0x97: {  	[sflag:s8] =	ssyncset.done $0x0  }
0x98: {  	[sflag:s8] =	ssyncadd.s32 $0xFFFFF800  }
0x99: {  	_ =	swait.ge [sflag:s8], $0x800  }
0x9a: {  	[sflag:s8] =	ssyncset.done $0x0  }
0x9b: {  	[sflag:s8] =	ssyncadd.s32 $0xFFFFF800  }
0x9c: {  	_ =	swait.ge [sflag:s8], $0x800  }
0x9d: {  	[sflag:s8] =	ssyncset.done $0x0  }
0x9e: {  	[sflag:s8] =	ssyncadd.s32 $0xFFFFF800  }
.Ltmp2:
0x9f: {  	_ =	swait.ge [sflag:s8], $0x800;
	(pc) =	sbr.rel @p1 .LBB2_6-.Ltmp2, $4  }
0xa0: {  	[sflag:s8] =	ssyncset.done $0x0  }
0xa1: {  	[sflag:s8] =	ssyncadd.s32 $0xFFFFF800  }
0xa2: {  	_ =	swait.ge [sflag:s8], $0x800  }
0xa3: {  	s18 =	smov.u32 s17;
	[sflag:s8] =	ssyncset.done $0x0  }
0xa4: {  	s16 =	sshra.s32 s16, $0x2;
	[sflag:s8] =	ssyncadd.s32 $0xFFFFF800  }
0xa5: {  	[spmem:s2] =	stream.indirect.scatter.add.f32 [tilespmem:s12], [sflag:$0x1], $0x10, s16, s11, $0xb8;
	[tilespmem:$0x7E80] =	vst v63  }
0xa6: {  	s17 =	sadd.s32 $0x80, s16  }
0xa7: {  	[spmem:s2] =	stream.indirect.scatter.add.f32 [tilespmem:s12], [sflag:$0x1], $0x10, s17, s11, $0xb8;
	[tilespmem:$0x7E80] =	vst v63  }
0xa8: {  	s21 =	sadd.s32 $0x100, s16  }
0xa9: {  	[spmem:s2] =	stream.indirect.scatter.add.f32 [tilespmem:s12], [sflag:$0x1], $0x10, s21, s11, $0xb8;
	[tilespmem:$0x7E80] =	vst v63  }
0xaa: {  	s22 =	sadd.s32 $0x180, s16  }
0xab: {  	[spmem:s2] =	stream.indirect.scatter.add.f32 [tilespmem:s12], [sflag:$0x1], $0x10, s22, s11, $0xb8;
	[tilespmem:$0x7E80] =	vst v63  }
0xac: {  	s23 =	sadd.s32 $0x200, s16  }
0xad: {  	[spmem:s2] =	stream.indirect.scatter.add.f32 [tilespmem:s12], [sflag:$0x1], $0x10, s23, s11, $0xb8;
	[tilespmem:$0x7E80] =	vst v63  }
0xae: {  	s24 =	sadd.s32 $0x280, s16  }
0xaf: {  	[spmem:s2] =	stream.indirect.scatter.add.f32 [tilespmem:s12], [sflag:$0x1], $0x10, s24, s11, $0xb8;
	[tilespmem:$0x7E80] =	vst v63  }
0xb0: {  	s25 =	sadd.s32 $0x300, s16  }
0xb1: {  	[spmem:s2] =	stream.indirect.scatter.add.f32 [tilespmem:s12], [sflag:$0x1], $0x10, s25, s11, $0xb8;
	[tilespmem:$0x7E80] =	vst v63  }
0xb2: {  	s26 =	sadd.s32 $0x380, s16  }
0xb3: {  	[spmem:s2] =	stream.indirect.scatter.add.f32 [tilespmem:s12], [sflag:$0x1], $0x10, s26, s11, $0xb8;
	[tilespmem:$0x7E80] =	vst v63  }
0xb4: {  	s28 =	sadd.s32 $0x400, s16  }
0xb5: {  	[spmem:s2] =	stream.indirect.scatter.add.f32 [tilespmem:s12], [sflag:$0x1], $0x10, s28, s11, $0xb8;
	[tilespmem:$0x7E80] =	vst v63  }
0xb6: {  	s29 =	sadd.s32 $0x480, s16  }
0xb7: {  	[spmem:s2] =	stream.indirect.scatter.add.f32 [tilespmem:s12], [sflag:$0x1], $0x10, s29, s11, $0xb8;
	[tilespmem:$0x7E80] =	vst v63  }
0xb8: {  	s30 =	sadd.s32 $0x500, s16  }
0xb9: {  	[spmem:s2] =	stream.indirect.scatter.add.f32 [tilespmem:s12], [sflag:$0x1], $0x10, s30, s11, $0xb8;
	[tilespmem:$0x7E80] =	vst v63  }
0xba: {  	s31 =	sadd.s32 $0x580, s16  }
0xbb: {  	[spmem:s2] =	stream.indirect.scatter.add.f32 [tilespmem:s12], [sflag:$0x1], $0x10, s31, s11, $0xb8;
	[tilespmem:$0x7E80] =	vst v63  }
0xbc: {  	s16 =	sadd.s32 $0x600, s16  }
0xbd: {  	[spmem:s2] =	stream.indirect.scatter.add.f32 [tilespmem:s12], [sflag:$0x1], $0x10, s16, s11, $0xb8;
	[tilespmem:$0x7E80] =	vst v63  }
0xbe: {  	_ =	swait.ge [sflag:s8], $0x800  }
0xbf: {  	[sflag:s8] =	ssyncset.done $0x0  }
0xc0: {  	[sflag:s8] =	ssyncadd.s32 $0xFFFFF800  }
0xc1: {  	_ =	swait.ge [sflag:s8], $0x800  }
0xc2: {  	[sflag:s8] =	ssyncset.done $0x0  }
0xc3: {  	[sflag:s8] =	ssyncadd.s32 $0xFFFFF800  }
0xc4: {  	_ =	swait.ge [sflag:s8], $0x800  }
0xc5: {  	[sflag:s8] =	ssyncset.done $0x0  }
0xc6: {  	[sflag:s8] =	ssyncadd.s32 $0xFFFFF800  }
0xc7: {  	_ =	swait.ge [sflag:s8], $0x800  }
0xc8: {  	[sflag:s8] =	ssyncset.done $0x0  }
0xc9: {  	[sflag:s8] =	ssyncadd.s32 $0xFFFFF800  }
0xca: {  	_ =	swait.ge [sflag:s8], $0x800  }
0xcb: {  	[sflag:s8] =	ssyncset.done $0x0  }
0xcc: {  	[sflag:s8] =	ssyncadd.s32 $0xFFFFF800  }
0xcd: {  	_ =	swait.ge [sflag:s8], $0x800  }
0xce: {  	[sflag:s8] =	ssyncset.done $0x0  }
0xcf: {  	[sflag:s8] =	ssyncadd.s32 $0xFFFFF800  }
0xd0: {  	_ =	swait.ge [sflag:s8], $0x800  }
0xd1: {  	[sflag:s8] =	ssyncset.done $0x0  }
0xd2: {  	[sflag:s8] =	ssyncadd.s32 $0xFFFFF800  }
0xd3: {  	_ =	swait.ge [sflag:s8], $0x800  }
0xd4: {  	[sflag:s8] =	ssyncset.done $0x0  }
0xd5: {  	[sflag:s8] =	ssyncadd.s32 $0xFFFFF800  }
0xd6: {  	_ =	swait.ge [sflag:s8], $0x800  }
0xd7: {  	[sflag:s8] =	ssyncset.done $0x0  }
0xd8: {  	[sflag:s8] =	ssyncadd.s32 $0xFFFFF800  }
0xd9: {  	_ =	swait.ge [sflag:s8], $0x800  }
0xda: {  	[sflag:s8] =	ssyncset.done $0x0  }
0xdb: {  	[sflag:s8] =	ssyncadd.s32 $0xFFFFF800  }
0xdc: {  	_ =	swait.ge [sflag:s8], $0x800  }
0xdd: {  	[sflag:s8] =	ssyncset.done $0x0  }
0xde: {  	[sflag:s8] =	ssyncadd.s32 $0xFFFFF800  }
0xdf: {  	_ =	swait.ge [sflag:s8], $0x800  }
0xe0: {  	[sflag:s8] =	ssyncset.done $0x0  }
0xe1: {  	[sflag:s8] =	ssyncadd.s32 $0xFFFFF800  }
0xe2: {  	_ =	swait.ge [sflag:s8], $0x800  }
0xe3: {  	s18 =	simm.s32 @!p0 $0x2780;
	[sflag:s8] =	ssyncset.done $0x0  }
0xe4: {  	s17 =	simm.s32 @!p0 $0x2700;
	s16 =	simm.s32 @!p0 $0x80;
	[sflag:s8] =	ssyncadd.s32 $0xFFFFF800  }
0xe5: {  	[spmem:s2] =	stream.indirect.scatter.add.f32 @!p0 [tilespmem:s18], [sflag:$0x2], $0x10, s17, s16, $0xb8;
	[tilespmem:$0x7E80] =	vst v63  }
0xe6: {  	s16 =	simm.s32 @!p0 $0x2  }
0xe7: {  	_ =	swait.ge @!p0 [sflag:s16], $0x800  }
0xe8: {  	s15 =	sadd.s32 $0x1, s15;
	[sflag:s16] =	ssyncset.done @!p0 $0x0  }
0xe9: {  	p1 =	sne.s32 s15, s7;
	[sflag:s16] =	ssyncadd.s32 @!p0 $0xFFFFF800  }
.Ltmp3:
0xea: {  	[bflag:$0x0] =	sbarrier.arrive $0xFFFF;
	(pc) =	sbr.rel @p1 .LBB2_1-.Ltmp3, $4  }
0xeb: {  	[hbm:s6], [sflag:s13] =	dma.local [spmem:s14], $0x4F0  }
0xec: {  	_ =	swait.ge [sflag:s10], $0x4F0  }
0xed: {  	[sflag:s10] =	ssyncset.done $0x0  }
0xee: {  	[sflag:s10] =	ssyncadd.s32 $0xFFFFFB10  }
0xef: {  	_ =	sfence.sel $0x180000  }
0xf0: {  	[bflag:$0x0] =	sbarrier.arrive $0xFFFF  }
0xf1: {  	p0 =	sne.s32 s0, $0x0;
	_ =	strace $0x90000047  }
0xf2: {  	s0 =	sadd.s32 @!p0 $0x100000, s1;
	[bflag:$0x2] =	sbarrier.arrive $0xFFFF  }
0xf3: {  	[sflag:s0] =	ssyncadd.tile.s32 @!p0 $0x1;
	_ =	shalt  }
.Lfunc_end2:
_tile_overlayer_lowered:
.L_overlay_start_2:
0xf4: {  	(tag) =	ssettag $0x2  }
0xf5: {  	s0 =	rddreg [dreg:$0x0];
	s2 =	stileid.u32  }
0xf6: {  	s1 =	rddreg [dreg:$0x1];
	p0 =	sne.s32 s2, $0x0  }
0xf7: {  	s3 =	rddreg [dreg:$0x2];
	[bflag:$0x3] =	sbarrier.arrive $0xFFFF;
	s2 =	simm.s32 @!p0 $0x1C02  }
0xf8: {  	[timem:s3], [sflag:s2] =	dma.local @!p0 [hbm:s0], s1  }
0xf9: {  	s0 =	simm.s32 @!p0 $0x2  }
0xfa: {  	_ =	swait.ge @!p0 [sflag:s0], s1  }
0xfb: {  	s1 =	ssub.s32 @!p0 $0x0, s1;
	[sflag:s0] =	ssyncset.done @!p0 $0x0  }
0xfc: {  	[sflag:s0] =	ssyncadd.s32 @!p0 s1  }
0xfd: {  	[bflag:$0x3] =	sbarrier.arrive $0xFFFF  }
0xfe: {  	_ =	shalt  }

</sc_bundles>
